<compile_context>
chip_gen: v7x
topology: tpu7x:2x2x1
jax: 0.10.2.dev20260603
libtpu: 0.0.44.dev20260713+nightly
codegen_flags: <defaults>
</compile_context>

<pallas_src>
import functools

import jax
import jax.numpy as jnp
from jax import lax
from jax.experimental import pallas as pl
from jax.experimental.pallas import tpu as pltpu
from jax.experimental.pallas import tpu_sc as plsc

_N = 10000
_E = 320000
_D = 128
_DOUT = 64

_NC = 2
_NS = 16
_NW = _NC * _NS
_EW = _E // _NW
_CHUNK = 80
_CPS = 25
_NSEG = _EW // (_CPS * _CHUNK)
_NP = 10240
_RPT = _NP // _NS
_DEGW = 16

def _segsum_body(with_deg, *refs):
    if with_deg:
        (x_hbm, src_hbm, dst_hbm, out_hbm, deg_hbm,
         srcf_v, dstf_v, dst_v, row2_v, deg_v, acc_sh,
         gsem0, gsem1, ssem0, ssem1, stsem) = refs
    else:
        (x_hbm, src_hbm, dst_hbm, out_hbm,
         srcf_v, dstf_v, dst_v, row2_v, acc_sh,
         gsem0, gsem1, ssem0, ssem1, stsem) = refs
    row_v = row2_v.at[0]

    cid = lax.axis_index("c")
    sid = lax.axis_index("s")
    wid = sid * _NC + cid
    base = wid * _EW

    def zb_body(i, _):
        r = i // 8
        c = (i % 8) * 16
        row_v[r, pl.ds(c, 16)] = jnp.zeros((16,), jnp.float32)
        return 0
    lax.fori_loop(0, _CHUNK * 8, zb_body, 0)

    if with_deg:
        def zd_body(i, _):
            deg_v[pl.ds(i * 16, 16)] = jnp.zeros((16,), jnp.float32)
            return 0
        lax.fori_loop(0, _NP // 16, zd_body, 0)

    for k in range(_RPT // _CHUNK):
        pltpu.sync_copy(row_v, acc_sh.at[pl.ds(sid * _RPT + k * _CHUNK, _CHUNK)])
    plsc.subcore_barrier()

    _SEGE = _CPS * _CHUNK
    ones16 = jnp.ones((16,), jnp.float32)
    gsems = (gsem0, gsem1)
    ssems = (ssem0, ssem1)

    def mv_build(p):
        def mv_body(i, _):
            r = i // (_CHUNK // 16)
            c = (i % (_CHUNK // 16)) * 16
            dst_v[p * _CPS + r, pl.ds(c, 16)] = dstf_v[pl.ds(p * _SEGE + i * 16, 16)]
            return 0
        lax.fori_loop(0, _SEGE // 16, mv_body, 0)

    pltpu.sync_copy(src_hbm.at[pl.ds(base, _SEGE)], srcf_v.at[pl.ds(0, _SEGE)])
    pltpu.sync_copy(dst_hbm.at[pl.ds(base, _SEGE)], dstf_v.at[pl.ds(0, _SEGE)])
    mv_build(0)

    def seg_body(s, _):
        par = lax.rem(s, 2)
        nxt = 1 - par
        sn = jnp.minimum(s + 1, _NSEG - 1)
        nxt_base = base + sn * _SEGE
        pltpu.async_copy(src_hbm.at[pl.ds(nxt_base, _SEGE)],
                         srcf_v.at[pl.ds(nxt * _SEGE, _SEGE)], stsem)
        pltpu.async_copy(dst_hbm.at[pl.ds(nxt_base, _SEGE)],
                         dstf_v.at[pl.ds(nxt * _SEGE, _SEGE)], stsem)

        def gissue(j, b):
            jc = jnp.minimum(j, _CPS - 1)
            pltpu.async_copy(
                x_hbm.at[srcf_v.at[pl.ds(par * _SEGE + jc * _CHUNK, _CHUNK)]],
                row2_v.at[b], gsems[b])

        def gwait(j, b):
            jc = jnp.minimum(j, _CPS - 1)
            pltpu.make_async_copy(
                x_hbm.at[srcf_v.at[pl.ds(par * _SEGE + jc * _CHUNK, _CHUNK)]],
                row2_v.at[b], gsems[b]).wait()

        def sissue(j, b):
            pltpu.async_copy(row2_v.at[b], acc_sh.at[dst_v.at[par * _CPS + j]],
                             ssems[b], add=True)
            if with_deg:
                for g in range(_CHUNK // 16):
                    idx = dst_v[par * _CPS + j, pl.ds(g * 16, 16)]
                    plsc.addupdate_scatter(deg_v, [idx], ones16)

        def swait(j, b):
            pltpu.make_async_copy(row2_v.at[b], acc_sh.at[dst_v.at[par * _CPS + j]],
                                  ssems[b]).wait()

        gissue(0, 0)
        gissue(1, 1)

        def pipe_body(jj, _):
            j0 = jj * 2
            gwait(j0, 0)
            sissue(j0, 0)
            gwait(j0 + 1, 1)
            sissue(j0 + 1, 1)
            swait(j0, 0)
            gissue(j0 + 2, 0)
            swait(j0 + 1, 1)
            gissue(j0 + 3, 1)
            return 0
        lax.fori_loop(0, (_CPS - 1) // 2, pipe_body, 0)

        gwait(_CPS - 1, 0)
        sissue(_CPS - 1, 0)
        gwait(_CPS - 1, 1)
        swait(_CPS - 1, 0)

        pltpu.make_async_copy(src_hbm.at[pl.ds(nxt_base, _SEGE)],
                              srcf_v.at[pl.ds(nxt * _SEGE, _SEGE)], stsem).wait()
        pltpu.make_async_copy(dst_hbm.at[pl.ds(nxt_base, _SEGE)],
                              dstf_v.at[pl.ds(nxt * _SEGE, _SEGE)], stsem).wait()
        mv_build(nxt)
        return 0
    lax.fori_loop(0, _NSEG, seg_body, 0)

    plsc.subcore_barrier()

    pltpu.sync_copy(acc_sh.at[pl.ds(sid * _RPT, _RPT)],
                    out_hbm.at[cid, pl.ds(sid * _RPT, _RPT)])
    if with_deg:
        pltpu.sync_copy(deg_v, deg_hbm.at[wid])




def _segsum(x, src, dst, with_deg):
    mesh = plsc.VectorSubcoreMesh(core_axis_name="c", subcore_axis_name="s")
    out_type = [jax.ShapeDtypeStruct((_NC, _NP, _D), jnp.float32)]
    scratch = [
        pltpu.VMEM((2 * _CPS * _CHUNK,), jnp.int32),
        pltpu.VMEM((2 * _CPS * _CHUNK,), jnp.int32),
        pltpu.VMEM((2 * _CPS, _CHUNK), jnp.int32),
        pltpu.VMEM((2, _CHUNK, _D), jnp.float32),
    ]
    if with_deg:
        out_type.append(jax.ShapeDtypeStruct((_NW, _NP), jnp.float32))
        scratch.append(pltpu.VMEM((_NP,), jnp.float32))
    scratch.append(pltpu.VMEM_SHARED((_NP, _D), jnp.float32))
    scratch.append(pltpu.SemaphoreType.DMA)
    scratch.append(pltpu.SemaphoreType.DMA)
    scratch.append(pltpu.SemaphoreType.DMA)
    scratch.append(pltpu.SemaphoreType.DMA)
    scratch.append(pltpu.SemaphoreType.DMA)

    k = pl.kernel(
        functools.partial(_segsum_body, with_deg),
        out_type=tuple(out_type),
        mesh=mesh,
        scratch_types=tuple(scratch),
        compiler_params=pltpu.CompilerParams(needs_layout_passes=False),
    )
    return k(x, src, dst)


def _layer1_body(x_ref, s_ref, d_ref, wl_ref, wr_ref, b_ref, o_ref):
    s = s_ref[0] + s_ref[1]
    deg = jnp.sum(d_ref[...], axis=1, keepdims=True)
    agg = s / jnp.maximum(deg, 1.0)
    out = (jnp.dot(x_ref[...], wl_ref[...], preferred_element_type=jnp.float32)
           + jnp.dot(agg, wr_ref[...], preferred_element_type=jnp.float32)
           + b_ref[...])
    norm = jnp.sqrt(jnp.sum(out * out, axis=1, keepdims=True))
    out = out / jnp.maximum(norm, 1e-12)
    o_ref[...] = jnp.maximum(out, 0.0)


def _layer2_body(h_ref, s_ref, d_ref, wl_ref, wr_ref, b_ref,
                 wp1_ref, bp1_ref, wp2_ref, bp2_ref, o_ref):
    s = s_ref[0] + s_ref[1]
    deg = jnp.sum(d_ref[...], axis=1, keepdims=True)
    agg = s / jnp.maximum(deg, 1.0)
    out = (jnp.dot(h_ref[...], wl_ref[...], preferred_element_type=jnp.float32)
           + jnp.dot(agg, wr_ref[...], preferred_element_type=jnp.float32)
           + b_ref[...])
    norm = jnp.sqrt(jnp.sum(out * out, axis=1, keepdims=True))
    out = out / jnp.maximum(norm, 1e-12)
    out = jnp.maximum(out, 0.0)
    m = jnp.dot(out, wp1_ref[...], preferred_element_type=jnp.float32) + bp1_ref[...]
    z = jnp.dot(m, wp2_ref[...], preferred_element_type=jnp.float32) + bp2_ref[...]
    zm = z - jnp.max(z, axis=1, keepdims=True)
    o_ref[...] = zm - jnp.log(jnp.sum(jnp.exp(zm), axis=1, keepdims=True))


_BLK = 1000
_GRID = _N // _BLK


def _layer1(x, s1, degp, Wl, Wr, b):
    return pl.pallas_call(
        _layer1_body,
        grid=(_GRID,),
        in_specs=[
            pl.BlockSpec((_BLK, _D), lambda i: (i, 0)),
            pl.BlockSpec((_NC, _BLK, _D), lambda i: (0, i, 0)),
            pl.BlockSpec((_BLK, _NW), lambda i: (i, 0)),
            pl.BlockSpec((_D, _D), lambda i: (0, 0)),
            pl.BlockSpec((_D, _D), lambda i: (0, 0)),
            pl.BlockSpec((1, _D), lambda i: (0, 0)),
        ],
        out_specs=pl.BlockSpec((_BLK, _D), lambda i: (i, 0)),
        out_shape=jax.ShapeDtypeStruct((_N, _D), jnp.float32),
    )(x, s1, degp, Wl, Wr, b)


def _layer2(h, s2, degp, Wl, Wr, b, Wp1, bp1, Wp2, bp2):
    return pl.pallas_call(
        _layer2_body,
        grid=(_GRID,),
        in_specs=[
            pl.BlockSpec((_BLK, _D), lambda i: (i, 0)),
            pl.BlockSpec((_NC, _BLK, _D), lambda i: (0, i, 0)),
            pl.BlockSpec((_BLK, _NW), lambda i: (i, 0)),
            pl.BlockSpec((_D, _D), lambda i: (0, 0)),
            pl.BlockSpec((_D, _D), lambda i: (0, 0)),
            pl.BlockSpec((1, _D), lambda i: (0, 0)),
            pl.BlockSpec((_D, _D), lambda i: (0, 0)),
            pl.BlockSpec((1, _D), lambda i: (0, 0)),
            pl.BlockSpec((_D, _DOUT), lambda i: (0, 0)),
            pl.BlockSpec((1, _DOUT), lambda i: (0, 0)),
        ],
        out_specs=pl.BlockSpec((_BLK, _DOUT), lambda i: (i, 0)),
        out_shape=jax.ShapeDtypeStruct((_N, _DOUT), jnp.float32),
    )(h, s2, degp, Wl, Wr, b, Wp1, bp1, Wp2, bp2)


def kernel(x, edge_index, batch, Wl1, bl1, Wr1, br1, Wl2, bl2, Wr2, br2,
           Wp1, bp1, Wp2, bp2):
    src = edge_index[0]
    dst = edge_index[1]
    s1, degp = _segsum(x, src, dst, True)
    degp = degp.T
    h = _layer1(x, s1, degp, Wl1, Wr1, (bl1 + br1).reshape(1, _D))
    (s2,) = _segsum(h, src, dst, False)
    return _layer2(h, s2, degp, Wl2, Wr2, (bl2 + br2).reshape(1, _D),
                   Wp1, bp1.reshape(1, _D), Wp2, bp2.reshape(1, _DOUT))

# --- scband reference (transcript-rebuilt; emitter-appended) ---
"""Pipeline reference for scband-gnnstack-37924561224137 (READ-ONLY COPY).

The authoritative reference and input builder live on the scoring server;
editing this copy changes nothing except your own understanding.
"""

import jax, jax.numpy as jnp
import numpy as np

N = 10000
E = 320000
D_IN = 128
D_H = 128
D_OUT = 64


def setup_inputs(seed: int = 0) -> dict:
    key = jax.random.key(seed)
    ks = jax.random.split(key, 16)
    x = jax.random.normal(ks[0], (N, D_IN), dtype=jnp.float32)
    edge_index = jax.random.randint(ks[1], (2, E), 0, N, dtype=jnp.int32)
    batch = jnp.zeros((N,), dtype=jnp.int32)
    def lin(k, fan_in, fan_out):
        kw, kb = jax.random.split(k)
        bound = 1.0 / np.sqrt(fan_in)
        W = jax.random.uniform(kw, (fan_in, fan_out), jnp.float32, -bound, bound)
        b = jax.random.uniform(kb, (fan_out,), jnp.float32, -bound, bound)
        return W, b
    Wl1, bl1 = lin(ks[2], D_IN, D_H)
    Wr1, br1 = lin(ks[3], D_IN, D_H)
    Wl2, bl2 = lin(ks[4], D_H, D_H)
    Wr2, br2 = lin(ks[5], D_H, D_H)
    Wp1, bp1 = lin(ks[6], D_H, D_H)
    Wp2, bp2 = lin(ks[7], D_H, D_OUT)
    return {"x": x, "edge_index": edge_index, "batch": batch,
            "Wl1": Wl1, "bl1": bl1, "Wr1": Wr1, "br1": br1,
            "Wl2": Wl2, "bl2": bl2, "Wr2": Wr2, "br2": br2,
            "Wp1": Wp1, "bp1": bp1, "Wp2": Wp2, "bp2": bp2}


def _sage_layer(x, edge_index, Wl, bl, Wr, br):
    # GraphSage (CS224W-style): out = lin_l(x) + lin_r(mean_{j in N(i)} x_j), then L2 normalize
    src = edge_index[0]
    dst = edge_index[1]
    msg = jnp.take(x, src, axis=0)
    agg = jax.ops.segment_sum(msg, dst, num_segments=N)
    deg = jax.ops.segment_sum(jnp.ones((edge_index.shape[1], 1), dtype=x.dtype), dst, num_segments=N)
    agg = agg / jnp.maximum(deg, 1.0)
    out = x @ Wl + bl + agg @ Wr + br
    norm = jnp.linalg.norm(out, axis=1, keepdims=True)
    out = out / jnp.maximum(norm, 1e-12)
    return out


def reference(x, edge_index, batch, Wl1, bl1, Wr1, br1, Wl2, bl2, Wr2, br2, Wp1, bp1, Wp2, bp2):
    # layer 1
    h = _sage_layer(x, edge_index, Wl1, bl1, Wr1, br1)
    h = jax.nn.relu(h)
    # dropout p=0.0 / eval -> identity
    # layer 2
    h = _sage_layer(h, edge_index, Wl2, bl2, Wr2, br2)
    h = jax.nn.relu(h)
    # post message passing MLP
    h = h @ Wp1 + bp1
    h = h @ Wp2 + bp2
    # emb == False -> log_softmax over dim 1
    return jax.nn.log_softmax(h, axis=1)

if __name__ == "__main__":
    import jax
    _d = setup_inputs()
    print(jax.jit(kernel)(*tuple(_d.values())))

</pallas_src>

<mosaic_0001>
#map = affine_map<(d0, d1) -> (0, 0)>
#map1 = affine_map<(d0, d1) -> (0)>
#map2 = affine_map<(d0, d1) -> (0, 0, 0)>
module attributes {stable_mosaic.version = 14 : i64} {
  func.func @_segsum_body(%arg0: i32, %arg1: i32, %arg2: memref<10000x128xf32, #tpu.memory_space<hbm>>, %arg3: memref<320000xi32, #tpu.memory_space<hbm>>, %arg4: memref<320000xi32, #tpu.memory_space<hbm>>, %arg5: memref<2x10240x128xf32, #tpu.memory_space<hbm>>, %arg6: memref<32x10240xf32, #tpu.memory_space<hbm>>, %arg7: memref<4000xi32, #tpu.memory_space<vmem>>, %arg8: memref<4000xi32, #tpu.memory_space<vmem>>, %arg9: memref<50x80xi32, #tpu.memory_space<vmem>>, %arg10: memref<2x80x128xf32, #tpu.memory_space<vmem>>, %arg11: memref<10240xf32, #tpu.memory_space<vmem>>, %arg12: memref<10240x128xf32, #tpu.memory_space<vmem_shared>>, %arg13: memref<!tpu.dma_semaphore, #tpu.memory_space<semaphore_mem>>, %arg14: memref<!tpu.dma_semaphore, #tpu.memory_space<semaphore_mem>>, %arg15: memref<!tpu.dma_semaphore, #tpu.memory_space<semaphore_mem>>, %arg16: memref<!tpu.dma_semaphore, #tpu.memory_space<semaphore_mem>>, %arg17: memref<!tpu.dma_semaphore, #tpu.memory_space<semaphore_mem>>) attributes {dimension_semantics = [#tpu.dimension_semantics<core_parallel>, #tpu.dimension_semantics<subcore_parallel>], iteration_bounds = array<i64: 2, 16>, scalar_prefetch = 0 : i64, scratch_operands = 11 : i64, tpu.core_type = #tpu.core_type<sc_vector_subcore>, window_params = [{transform_indices = #map}, {transform_indices = #map1}, {transform_indices = #map1}, {transform_indices = #map2}, {transform_indices = #map}]} {
    %mul3A = arith.constant 2 : i32
    %mul3A_0 = arith.muli %arg1, %mul3A : i32
    %add3A = arith.addi %mul3A_0, %arg0 : i32
    %mul3A_1 = arith.constant 10000 : i32
    %mul3A_2 = arith.muli %add3A, %mul3A_1 : i32
    %scan3A = arith.constant 0 : i32
    %scan3A_3 = arith.constant 0 : i32
    %scan3A_4 = arith.constant 0 : i32
    %scan3A_5 = arith.constant 640 : i32
    %scan3A_6 = arith.addi %scan3A_4, %scan3A_5 : i32
    %scan3A_7 = arith.constant 1 : i32
    %scan3A_8 = scf.for %scan3A_76 = %scan3A_4 to %scan3A_6 step %scan3A_7 iter_args(%scan3A_77 = %scan3A_3) -> (i32)  : i32 {
      %jit3A = arith.constant 8 : i32
      %div3A = arith.divsi %scan3A_76, %jit3A : i32
      %sign3A = arith.constant 0 : i32
      %sign3A_78 = arith.cmpi sgt, %scan3A_76, %sign3A : i32
      %sign3A_79 = arith.extui %sign3A_78 : i1 to i32
      %sign3A_80 = arith.constant 0 : i32
      %sign3A_81 = arith.cmpi slt, %scan3A_76, %sign3A_80 : i32
      %sign3A_82 = arith.extui %sign3A_81 : i1 to i32
      %sign3A_83 = arith.subi %sign3A_79, %sign3A_82 : i32
      %sign3A_84 = arith.constant 0 : i32
      %sign3A_85 = arith.cmpi sgt, %jit3A, %sign3A_84 : i32
      %sign3A_86 = arith.extui %sign3A_85 : i1 to i32
      %sign3A_87 = arith.constant 0 : i32
      %sign3A_88 = arith.cmpi slt, %jit3A, %sign3A_87 : i32
      %sign3A_89 = arith.extui %sign3A_88 : i1 to i32
      %sign3A_90 = arith.subi %sign3A_86, %sign3A_89 : i32
      %ne3A = arith.cmpi ne, %sign3A_83, %sign3A_90 : i32
      %rem3A = arith.remsi %scan3A_76, %jit3A : i32
      %ne3A_91 = arith.constant 0 : i32
      %ne3A_92 = arith.cmpi ne, %rem3A, %ne3A_91 : i32
      %and3A = arith.andi %ne3A, %ne3A_92 : i1
      %sub3A = arith.constant 1 : i32
      %sub3A_93 = arith.subi %div3A, %sub3A : i32
      %select_n3A = arith.select %and3A, %sub3A_93, %div3A : i32
      %jit3A_94 = arith.constant 8 : i32
      %eq3A = arith.constant 0 : i32
      %eq3A_95 = arith.cmpi eq, %jit3A_94, %eq3A : i32
      %jit3A_96 = arith.constant 1 : i32
      %select_n3A_97 = arith.select %eq3A_95, %jit3A_96, %jit3A_94 : i32
      %rem3A_98 = arith.remsi %scan3A_76, %select_n3A_97 : i32
      %ne3A_99 = arith.constant 0 : i32
      %ne3A_100 = arith.cmpi ne, %rem3A_98, %ne3A_99 : i32
      %lt3A = arith.constant 0 : i32
      %lt3A_101 = arith.cmpi slt, %rem3A_98, %lt3A : i32
      %lt3A_102 = arith.constant 0 : i32
      %lt3A_103 = arith.cmpi slt, %select_n3A_97, %lt3A_102 : i32
      %ne3A_104 = arith.xori %lt3A_101, %lt3A_103 : i1
      %and3A_105 = arith.andi %ne3A_104, %ne3A_100 : i1
      %add3A_106 = arith.addi %rem3A_98, %select_n3A_97 : i32
      %select_n3A_107 = arith.select %and3A_105, %add3A_106, %rem3A_98 : i32
      %mul3A_108 = arith.constant 16 : i32
      %mul3A_109 = arith.muli %select_n3A_107, %mul3A_108 : i32
      %broadcast_in_dim3A_110 = arith.constant 0.000000e+00 : f32
      %broadcast_in_dim3A_111 = vector.broadcast %broadcast_in_dim3A_110 : f32 to vector<16xf32>
      %swap3A = arith.constant 0 : i32
      %swap3A_112 = arith.constant 0 : i32
      %swap3A_113 = tpu.memref_slice %arg10[%scan3A, %swap3A, %swap3A_112] : memref<2x80x128xf32, #tpu.memory_space<vmem>> -> memref<1x80x128xf32, #tpu.memory_space<vmem>>
      %swap3A_114 = tpu.memref_squeeze %swap3A_113 : memref<1x80x128xf32, #tpu.memory_space<vmem>> -> memref<80x128xf32, #tpu.memory_space<vmem>>
      %swap3A_115 = arith.index_cast %select_n3A : i32 to index
      %swap3A_116 = arith.index_cast %mul3A_109 : i32 to index
      %swap3A_117 = tpu.vector_load %swap3A_114[%swap3A_115, %swap3A_116] {strides = array<i32>} : memref<80x128xf32, #tpu.memory_space<vmem>>, vector<16xf32>,
      tpu.vector_store %swap3A_114[%swap3A_115, %swap3A_116], %broadcast_in_dim3A_111 {strides = array<i32>} : memref<80x128xf32, #tpu.memory_space<vmem>>, vector<16xf32>,
      %scan3A_118 = arith.constant 0 : i32
      scf.yield %scan3A_118 : i32
    }
    %scan3A_9 = arith.constant 640 : i32
    %scan3A_10 = arith.constant 0 : i32
    %scan3A_11 = arith.constant 0 : i32
    %scan3A_12 = arith.constant 640 : i32
    %scan3A_13 = arith.addi %scan3A_11, %scan3A_12 : i32
    %scan3A_14 = arith.constant 1 : i32
    %scan3A_15 = scf.for %scan3A_76 = %scan3A_11 to %scan3A_13 step %scan3A_14 iter_args(%scan3A_77 = %scan3A_10) -> (i32)  : i32 {
      %broadcast_in_dim3A_78 = arith.constant 0.000000e+00 : f32
      %broadcast_in_dim3A_79 = vector.broadcast %broadcast_in_dim3A_78 : f32 to vector<16xf32>
      %mul3A_80 = arith.constant 16 : i32
      %mul3A_81 = arith.muli %scan3A_76, %mul3A_80 : i32
      %swap3A = arith.index_cast %mul3A_81 : i32 to index
      %swap3A_82 = tpu.vector_load %arg11[%swap3A] {strides = array<i32>} : memref<10240xf32, #tpu.memory_space<vmem>>, vector<16xf32>,
      tpu.vector_store %arg11[%swap3A], %broadcast_in_dim3A_79 {strides = array<i32>} : memref<10240xf32, #tpu.memory_space<vmem>>, vector<16xf32>,
      %scan3A_83 = arith.constant 0 : i32
      scf.yield %scan3A_83 : i32
    }
    %scan3A_16 = arith.constant 640 : i32
    %mul3A_17 = arith.constant 640 : i32
    %mul3A_18 = arith.muli %arg1, %mul3A_17 : i32
    %add3A_19 = arith.constant 0 : i32
    %add3A_20 = arith.addi %mul3A_18, %add3A_19 : i32
    %run_scoped3A = arith.constant 0 : i32
    "tpu.region"() ({
      %run_scoped3A_76 = tpu.sem_alloc : memref<!tpu.dma_semaphore, #tpu.memory_space<semaphore_mem>>
      %dma_start3A = arith.constant 0 : i32
      %dma_start3A_77 = arith.constant 0 : i32
      %dma_start3A_78 = tpu.memref_slice %arg10[%run_scoped3A, %dma_start3A, %dma_start3A_77] : memref<2x80x128xf32, #tpu.memory_space<vmem>> -> memref<1x80x128xf32, #tpu.memory_space<vmem>>
      %dma_start3A_79 = tpu.memref_squeeze %dma_start3A_78 : memref<1x80x128xf32, #tpu.memory_space<vmem>> -> memref<80x128xf32, #tpu.memory_space<vmem>>
      %dma_start3A_80 = arith.constant 0 : i32
      %dma_start3A_81 = tpu.memref_slice %arg12[%add3A_20, %dma_start3A_80] : memref<10240x128xf32, #tpu.memory_space<vmem_shared>> -> memref<80x128xf32, #tpu.memory_space<vmem_shared>>
      %dma_start3A_82 = arith.constant 0 : i32
      %dma_start3A_83 = tpu.memref_slice %arg12[%add3A_20, %dma_start3A_82] : memref<10240x128xf32, #tpu.memory_space<vmem_shared>> -> memref<80x128xf32, #tpu.memory_space<vmem_shared>>
      %dma_start3A_84 = arith.constant 0 : i32
      %dma_start3A_85 = arith.constant 0 : i32
      %dma_start3A_86 = tpu.memref_slice %arg10[%run_scoped3A, %dma_start3A_84, %dma_start3A_85] : memref<2x80x128xf32, #tpu.memory_space<vmem>> -> memref<1x80x128xf32, #tpu.memory_space<vmem>>
      %dma_start3A_87 = tpu.memref_squeeze %dma_start3A_86 : memref<1x80x128xf32, #tpu.memory_space<vmem>> -> memref<80x128xf32, #tpu.memory_space<vmem>>
      tpu.enqueue_dma source(%dma_start3A_87 : memref<80x128xf32, #tpu.memory_space<vmem>>) target(%dma_start3A_83 : memref<80x128xf32, #tpu.memory_space<vmem_shared>>) target_semaphore(%run_scoped3A_76 : memref<!tpu.dma_semaphore, #tpu.memory_space<semaphore_mem>>)
      %dma_wait3A = arith.constant 0 : i32
      %dma_wait3A_88 = arith.constant 0 : i32
      %dma_wait3A_89 = tpu.memref_slice %arg10[%run_scoped3A, %dma_wait3A, %dma_wait3A_88] : memref<2x80x128xf32, #tpu.memory_space<vmem>> -> memref<1x80x128xf32, #tpu.memory_space<vmem>>
      %dma_wait3A_90 = tpu.memref_squeeze %dma_wait3A_89 : memref<1x80x128xf32, #tpu.memory_space<vmem>> -> memref<80x128xf32, #tpu.memory_space<vmem>>
      %dma_wait3A_91 = arith.constant 0 : i32
      %dma_wait3A_92 = tpu.memref_slice %arg12[%add3A_20, %dma_wait3A_91] : memref<10240x128xf32, #tpu.memory_space<vmem_shared>> -> memref<80x128xf32, #tpu.memory_space<vmem_shared>>
      %dma_wait3A_93 = arith.constant 0 : i32
      %dma_wait3A_94 = tpu.memref_slice %arg12[%add3A_20, %dma_wait3A_93] : memref<10240x128xf32, #tpu.memory_space<vmem_shared>> -> memref<80x128xf32, #tpu.memory_space<vmem_shared>>
      %dma_wait3A_95 = arith.constant 0 : i32
      %dma_wait3A_96 = arith.constant 0 : i32
      %dma_wait3A_97 = tpu.memref_slice %arg10[%run_scoped3A, %dma_wait3A_95, %dma_wait3A_96] : memref<2x80x128xf32, #tpu.memory_space<vmem>> -> memref<1x80x128xf32, #tpu.memory_space<vmem>>
      %dma_wait3A_98 = tpu.memref_squeeze %dma_wait3A_97 : memref<1x80x128xf32, #tpu.memory_space<vmem>> -> memref<80x128xf32, #tpu.memory_space<vmem>>
      tpu.wait_dma2 semaphore(%run_scoped3A_76 : memref<!tpu.dma_semaphore, #tpu.memory_space<semaphore_mem>>) src(%dma_wait3A_98 : memref<80x128xf32, #tpu.memory_space<vmem>>) dst(%dma_wait3A_94 : memref<80x128xf32, #tpu.memory_space<vmem_shared>>)
      tpu.yield
    }) : () -> ()
    %mul3A_21 = arith.constant 640 : i32
    %mul3A_22 = arith.muli %arg1, %mul3A_21 : i32
    %add3A_23 = arith.constant 80 : i32
    %add3A_24 = arith.addi %mul3A_22, %add3A_23 : i32
    %run_scoped3A_25 = arith.constant 0 : i32
    "tpu.region"() ({
      %run_scoped3A_76 = tpu.sem_alloc : memref<!tpu.dma_semaphore, #tpu.memory_space<semaphore_mem>>
      %dma_start3A = arith.constant 0 : i32
      %dma_start3A_77 = arith.constant 0 : i32
      %dma_start3A_78 = tpu.memref_slice %arg10[%run_scoped3A_25, %dma_start3A, %dma_start3A_77] : memref<2x80x128xf32, #tpu.memory_space<vmem>> -> memref<1x80x128xf32, #tpu.memory_space<vmem>>
      %dma_start3A_79 = tpu.memref_squeeze %dma_start3A_78 : memref<1x80x128xf32, #tpu.memory_space<vmem>> -> memref<80x128xf32, #tpu.memory_space<vmem>>
      %dma_start3A_80 = arith.constant 0 : i32
      %dma_start3A_81 = tpu.memref_slice %arg12[%add3A_24, %dma_start3A_80] : memref<10240x128xf32, #tpu.memory_space<vmem_shared>> -> memref<80x128xf32, #tpu.memory_space<vmem_shared>>
      %dma_start3A_82 = arith.constant 0 : i32
      %dma_start3A_83 = tpu.memref_slice %arg12[%add3A_24, %dma_start3A_82] : memref<10240x128xf32, #tpu.memory_space<vmem_shared>> -> memref<80x128xf32, #tpu.memory_space<vmem_shared>>
      %dma_start3A_84 = arith.constant 0 : i32
      %dma_start3A_85 = arith.constant 0 : i32
      %dma_start3A_86 = tpu.memref_slice %arg10[%run_scoped3A_25, %dma_start3A_84, %dma_start3A_85] : memref<2x80x128xf32, #tpu.memory_space<vmem>> -> memref<1x80x128xf32, #tpu.memory_space<vmem>>
      %dma_start3A_87 = tpu.memref_squeeze %dma_start3A_86 : memref<1x80x128xf32, #tpu.memory_space<vmem>> -> memref<80x128xf32, #tpu.memory_space<vmem>>
      tpu.enqueue_dma source(%dma_start3A_87 : memref<80x128xf32, #tpu.memory_space<vmem>>) target(%dma_start3A_83 : memref<80x128xf32, #tpu.memory_space<vmem_shared>>) target_semaphore(%run_scoped3A_76 : memref<!tpu.dma_semaphore, #tpu.memory_space<semaphore_mem>>)
      %dma_wait3A = arith.constant 0 : i32
      %dma_wait3A_88 = arith.constant 0 : i32
      %dma_wait3A_89 = tpu.memref_slice %arg10[%run_scoped3A_25, %dma_wait3A, %dma_wait3A_88] : memref<2x80x128xf32, #tpu.memory_space<vmem>> -> memref<1x80x128xf32, #tpu.memory_space<vmem>>
      %dma_wait3A_90 = tpu.memref_squeeze %dma_wait3A_89 : memref<1x80x128xf32, #tpu.memory_space<vmem>> -> memref<80x128xf32, #tpu.memory_space<vmem>>
      %dma_wait3A_91 = arith.constant 0 : i32
      %dma_wait3A_92 = tpu.memref_slice %arg12[%add3A_24, %dma_wait3A_91] : memref<10240x128xf32, #tpu.memory_space<vmem_shared>> -> memref<80x128xf32, #tpu.memory_space<vmem_shared>>
      %dma_wait3A_93 = arith.constant 0 : i32
      %dma_wait3A_94 = tpu.memref_slice %arg12[%add3A_24, %dma_wait3A_93] : memref<10240x128xf32, #tpu.memory_space<vmem_shared>> -> memref<80x128xf32, #tpu.memory_space<vmem_shared>>
      %dma_wait3A_95 = arith.constant 0 : i32
      %dma_wait3A_96 = arith.constant 0 : i32
      %dma_wait3A_97 = tpu.memref_slice %arg10[%run_scoped3A_25, %dma_wait3A_95, %dma_wait3A_96] : memref<2x80x128xf32, #tpu.memory_space<vmem>> -> memref<1x80x128xf32, #tpu.memory_space<vmem>>
      %dma_wait3A_98 = tpu.memref_squeeze %dma_wait3A_97 : memref<1x80x128xf32, #tpu.memory_space<vmem>> -> memref<80x128xf32, #tpu.memory_space<vmem>>
      tpu.wait_dma2 semaphore(%run_scoped3A_76 : memref<!tpu.dma_semaphore, #tpu.memory_space<semaphore_mem>>) src(%dma_wait3A_98 : memref<80x128xf32, #tpu.memory_space<vmem>>) dst(%dma_wait3A_94 : memref<80x128xf32, #tpu.memory_space<vmem_shared>>)
      tpu.yield
    }) : () -> ()
    %mul3A_26 = arith.constant 640 : i32
    %mul3A_27 = arith.muli %arg1, %mul3A_26 : i32
    %add3A_28 = arith.constant 160 : i32
    %add3A_29 = arith.addi %mul3A_27, %add3A_28 : i32
    %run_scoped3A_30 = arith.constant 0 : i32
    "tpu.region"() ({
      %run_scoped3A_76 = tpu.sem_alloc : memref<!tpu.dma_semaphore, #tpu.memory_space<semaphore_mem>>
      %dma_start3A = arith.constant 0 : i32
      %dma_start3A_77 = arith.constant 0 : i32
      %dma_start3A_78 = tpu.memref_slice %arg10[%run_scoped3A_30, %dma_start3A, %dma_start3A_77] : memref<2x80x128xf32, #tpu.memory_space<vmem>> -> memref<1x80x128xf32, #tpu.memory_space<vmem>>
      %dma_start3A_79 = tpu.memref_squeeze %dma_start3A_78 : memref<1x80x128xf32, #tpu.memory_space<vmem>> -> memref<80x128xf32, #tpu.memory_space<vmem>>
      %dma_start3A_80 = arith.constant 0 : i32
      %dma_start3A_81 = tpu.memref_slice %arg12[%add3A_29, %dma_start3A_80] : memref<10240x128xf32, #tpu.memory_space<vmem_shared>> -> memref<80x128xf32, #tpu.memory_space<vmem_shared>>
      %dma_start3A_82 = arith.constant 0 : i32
      %dma_start3A_83 = tpu.memref_slice %arg12[%add3A_29, %dma_start3A_82] : memref<10240x128xf32, #tpu.memory_space<vmem_shared>> -> memref<80x128xf32, #tpu.memory_space<vmem_shared>>
      %dma_start3A_84 = arith.constant 0 : i32
      %dma_start3A_85 = arith.constant 0 : i32
      %dma_start3A_86 = tpu.memref_slice %arg10[%run_scoped3A_30, %dma_start3A_84, %dma_start3A_85] : memref<2x80x128xf32, #tpu.memory_space<vmem>> -> memref<1x80x128xf32, #tpu.memory_space<vmem>>
      %dma_start3A_87 = tpu.memref_squeeze %dma_start3A_86 : memref<1x80x128xf32, #tpu.memory_space<vmem>> -> memref<80x128xf32, #tpu.memory_space<vmem>>
      tpu.enqueue_dma source(%dma_start3A_87 : memref<80x128xf32, #tpu.memory_space<vmem>>) target(%dma_start3A_83 : memref<80x128xf32, #tpu.memory_space<vmem_shared>>) target_semaphore(%run_scoped3A_76 : memref<!tpu.dma_semaphore, #tpu.memory_space<semaphore_mem>>)
      %dma_wait3A = arith.constant 0 : i32
      %dma_wait3A_88 = arith.constant 0 : i32
      %dma_wait3A_89 = tpu.memref_slice %arg10[%run_scoped3A_30, %dma_wait3A, %dma_wait3A_88] : memref<2x80x128xf32, #tpu.memory_space<vmem>> -> memref<1x80x128xf32, #tpu.memory_space<vmem>>
      %dma_wait3A_90 = tpu.memref_squeeze %dma_wait3A_89 : memref<1x80x128xf32, #tpu.memory_space<vmem>> -> memref<80x128xf32, #tpu.memory_space<vmem>>
      %dma_wait3A_91 = arith.constant 0 : i32
      %dma_wait3A_92 = tpu.memref_slice %arg12[%add3A_29, %dma_wait3A_91] : memref<10240x128xf32, #tpu.memory_space<vmem_shared>> -> memref<80x128xf32, #tpu.memory_space<vmem_shared>>
      %dma_wait3A_93 = arith.constant 0 : i32
      %dma_wait3A_94 = tpu.memref_slice %arg12[%add3A_29, %dma_wait3A_93] : memref<10240x128xf32, #tpu.memory_space<vmem_shared>> -> memref<80x128xf32, #tpu.memory_space<vmem_shared>>
      %dma_wait3A_95 = arith.constant 0 : i32
      %dma_wait3A_96 = arith.constant 0 : i32
      %dma_wait3A_97 = tpu.memref_slice %arg10[%run_scoped3A_30, %dma_wait3A_95, %dma_wait3A_96] : memref<2x80x128xf32, #tpu.memory_space<vmem>> -> memref<1x80x128xf32, #tpu.memory_space<vmem>>
      %dma_wait3A_98 = tpu.memref_squeeze %dma_wait3A_97 : memref<1x80x128xf32, #tpu.memory_space<vmem>> -> memref<80x128xf32, #tpu.memory_space<vmem>>
      tpu.wait_dma2 semaphore(%run_scoped3A_76 : memref<!tpu.dma_semaphore, #tpu.memory_space<semaphore_mem>>) src(%dma_wait3A_98 : memref<80x128xf32, #tpu.memory_space<vmem>>) dst(%dma_wait3A_94 : memref<80x128xf32, #tpu.memory_space<vmem_shared>>)
      tpu.yield
    }) : () -> ()
    %mul3A_31 = arith.constant 640 : i32
    %mul3A_32 = arith.muli %arg1, %mul3A_31 : i32
    %add3A_33 = arith.constant 240 : i32
    %add3A_34 = arith.addi %mul3A_32, %add3A_33 : i32
    %run_scoped3A_35 = arith.constant 0 : i32
    "tpu.region"() ({
      %run_scoped3A_76 = tpu.sem_alloc : memref<!tpu.dma_semaphore, #tpu.memory_space<semaphore_mem>>
      %dma_start3A = arith.constant 0 : i32
      %dma_start3A_77 = arith.constant 0 : i32
      %dma_start3A_78 = tpu.memref_slice %arg10[%run_scoped3A_35, %dma_start3A, %dma_start3A_77] : memref<2x80x128xf32, #tpu.memory_space<vmem>> -> memref<1x80x128xf32, #tpu.memory_space<vmem>>
      %dma_start3A_79 = tpu.memref_squeeze %dma_start3A_78 : memref<1x80x128xf32, #tpu.memory_space<vmem>> -> memref<80x128xf32, #tpu.memory_space<vmem>>
      %dma_start3A_80 = arith.constant 0 : i32
      %dma_start3A_81 = tpu.memref_slice %arg12[%add3A_34, %dma_start3A_80] : memref<10240x128xf32, #tpu.memory_space<vmem_shared>> -> memref<80x128xf32, #tpu.memory_space<vmem_shared>>
      %dma_start3A_82 = arith.constant 0 : i32
      %dma_start3A_83 = tpu.memref_slice %arg12[%add3A_34, %dma_start3A_82] : memref<10240x128xf32, #tpu.memory_space<vmem_shared>> -> memref<80x128xf32, #tpu.memory_space<vmem_shared>>
      %dma_start3A_84 = arith.constant 0 : i32
      %dma_start3A_85 = arith.constant 0 : i32
      %dma_start3A_86 = tpu.memref_slice %arg10[%run_scoped3A_35, %dma_start3A_84, %dma_start3A_85] : memref<2x80x128xf32, #tpu.memory_space<vmem>> -> memref<1x80x128xf32, #tpu.memory_space<vmem>>
      %dma_start3A_87 = tpu.memref_squeeze %dma_start3A_86 : memref<1x80x128xf32, #tpu.memory_space<vmem>> -> memref<80x128xf32, #tpu.memory_space<vmem>>
      tpu.enqueue_dma source(%dma_start3A_87 : memref<80x128xf32, #tpu.memory_space<vmem>>) target(%dma_start3A_83 : memref<80x128xf32, #tpu.memory_space<vmem_shared>>) target_semaphore(%run_scoped3A_76 : memref<!tpu.dma_semaphore, #tpu.memory_space<semaphore_mem>>)
      %dma_wait3A = arith.constant 0 : i32
      %dma_wait3A_88 = arith.constant 0 : i32
      %dma_wait3A_89 = tpu.memref_slice %arg10[%run_scoped3A_35, %dma_wait3A, %dma_wait3A_88] : memref<2x80x128xf32, #tpu.memory_space<vmem>> -> memref<1x80x128xf32, #tpu.memory_space<vmem>>
      %dma_wait3A_90 = tpu.memref_squeeze %dma_wait3A_89 : memref<1x80x128xf32, #tpu.memory_space<vmem>> -> memref<80x128xf32, #tpu.memory_space<vmem>>
      %dma_wait3A_91 = arith.constant 0 : i32
      %dma_wait3A_92 = tpu.memref_slice %arg12[%add3A_34, %dma_wait3A_91] : memref<10240x128xf32, #tpu.memory_space<vmem_shared>> -> memref<80x128xf32, #tpu.memory_space<vmem_shared>>
      %dma_wait3A_93 = arith.constant 0 : i32
      %dma_wait3A_94 = tpu.memref_slice %arg12[%add3A_34, %dma_wait3A_93] : memref<10240x128xf32, #tpu.memory_space<vmem_shared>> -> memref<80x128xf32, #tpu.memory_space<vmem_shared>>
      %dma_wait3A_95 = arith.constant 0 : i32
      %dma_wait3A_96 = arith.constant 0 : i32
      %dma_wait3A_97 = tpu.memref_slice %arg10[%run_scoped3A_35, %dma_wait3A_95, %dma_wait3A_96] : memref<2x80x128xf32, #tpu.memory_space<vmem>> -> memref<1x80x128xf32, #tpu.memory_space<vmem>>
      %dma_wait3A_98 = tpu.memref_squeeze %dma_wait3A_97 : memref<1x80x128xf32, #tpu.memory_space<vmem>> -> memref<80x128xf32, #tpu.memory_space<vmem>>
      tpu.wait_dma2 semaphore(%run_scoped3A_76 : memref<!tpu.dma_semaphore, #tpu.memory_space<semaphore_mem>>) src(%dma_wait3A_98 : memref<80x128xf32, #tpu.memory_space<vmem>>) dst(%dma_wait3A_94 : memref<80x128xf32, #tpu.memory_space<vmem_shared>>)
      tpu.yield
    }) : () -> ()
    %mul3A_36 = arith.constant 640 : i32
    %mul3A_37 = arith.muli %arg1, %mul3A_36 : i32
    %add3A_38 = arith.constant 320 : i32
    %add3A_39 = arith.addi %mul3A_37, %add3A_38 : i32
    %run_scoped3A_40 = arith.constant 0 : i32
    "tpu.region"() ({
      %run_scoped3A_76 = tpu.sem_alloc : memref<!tpu.dma_semaphore, #tpu.memory_space<semaphore_mem>>
      %dma_start3A = arith.constant 0 : i32
      %dma_start3A_77 = arith.constant 0 : i32
      %dma_start3A_78 = tpu.memref_slice %arg10[%run_scoped3A_40, %dma_start3A, %dma_start3A_77] : memref<2x80x128xf32, #tpu.memory_space<vmem>> -> memref<1x80x128xf32, #tpu.memory_space<vmem>>
      %dma_start3A_79 = tpu.memref_squeeze %dma_start3A_78 : memref<1x80x128xf32, #tpu.memory_space<vmem>> -> memref<80x128xf32, #tpu.memory_space<vmem>>
      %dma_start3A_80 = arith.constant 0 : i32
      %dma_start3A_81 = tpu.memref_slice %arg12[%add3A_39, %dma_start3A_80] : memref<10240x128xf32, #tpu.memory_space<vmem_shared>> -> memref<80x128xf32, #tpu.memory_space<vmem_shared>>
      %dma_start3A_82 = arith.constant 0 : i32
      %dma_start3A_83 = tpu.memref_slice %arg12[%add3A_39, %dma_start3A_82] : memref<10240x128xf32, #tpu.memory_space<vmem_shared>> -> memref<80x128xf32, #tpu.memory_space<vmem_shared>>
      %dma_start3A_84 = arith.constant 0 : i32
      %dma_start3A_85 = arith.constant 0 : i32
      %dma_start3A_86 = tpu.memref_slice %arg10[%run_scoped3A_40, %dma_start3A_84, %dma_start3A_85] : memref<2x80x128xf32, #tpu.memory_space<vmem>> -> memref<1x80x128xf32, #tpu.memory_space<vmem>>
      %dma_start3A_87 = tpu.memref_squeeze %dma_start3A_86 : memref<1x80x128xf32, #tpu.memory_space<vmem>> -> memref<80x128xf32, #tpu.memory_space<vmem>>
      tpu.enqueue_dma source(%dma_start3A_87 : memref<80x128xf32, #tpu.memory_space<vmem>>) target(%dma_start3A_83 : memref<80x128xf32, #tpu.memory_space<vmem_shared>>) target_semaphore(%run_scoped3A_76 : memref<!tpu.dma_semaphore, #tpu.memory_space<semaphore_mem>>)
      %dma_wait3A = arith.constant 0 : i32
      %dma_wait3A_88 = arith.constant 0 : i32
      %dma_wait3A_89 = tpu.memref_slice %arg10[%run_scoped3A_40, %dma_wait3A, %dma_wait3A_88] : memref<2x80x128xf32, #tpu.memory_space<vmem>> -> memref<1x80x128xf32, #tpu.memory_space<vmem>>
      %dma_wait3A_90 = tpu.memref_squeeze %dma_wait3A_89 : memref<1x80x128xf32, #tpu.memory_space<vmem>> -> memref<80x128xf32, #tpu.memory_space<vmem>>
      %dma_wait3A_91 = arith.constant 0 : i32
      %dma_wait3A_92 = tpu.memref_slice %arg12[%add3A_39, %dma_wait3A_91] : memref<10240x128xf32, #tpu.memory_space<vmem_shared>> -> memref<80x128xf32, #tpu.memory_space<vmem_shared>>
      %dma_wait3A_93 = arith.constant 0 : i32
      %dma_wait3A_94 = tpu.memref_slice %arg12[%add3A_39, %dma_wait3A_93] : memref<10240x128xf32, #tpu.memory_space<vmem_shared>> -> memref<80x128xf32, #tpu.memory_space<vmem_shared>>
      %dma_wait3A_95 = arith.constant 0 : i32
      %dma_wait3A_96 = arith.constant 0 : i32
      %dma_wait3A_97 = tpu.memref_slice %arg10[%run_scoped3A_40, %dma_wait3A_95, %dma_wait3A_96] : memref<2x80x128xf32, #tpu.memory_space<vmem>> -> memref<1x80x128xf32, #tpu.memory_space<vmem>>
      %dma_wait3A_98 = tpu.memref_squeeze %dma_wait3A_97 : memref<1x80x128xf32, #tpu.memory_space<vmem>> -> memref<80x128xf32, #tpu.memory_space<vmem>>
      tpu.wait_dma2 semaphore(%run_scoped3A_76 : memref<!tpu.dma_semaphore, #tpu.memory_space<semaphore_mem>>) src(%dma_wait3A_98 : memref<80x128xf32, #tpu.memory_space<vmem>>) dst(%dma_wait3A_94 : memref<80x128xf32, #tpu.memory_space<vmem_shared>>)
      tpu.yield
    }) : () -> ()
    %mul3A_41 = arith.constant 640 : i32
    %mul3A_42 = arith.muli %arg1, %mul3A_41 : i32
    %add3A_43 = arith.constant 400 : i32
    %add3A_44 = arith.addi %mul3A_42, %add3A_43 : i32
    %run_scoped3A_45 = arith.constant 0 : i32
    "tpu.region"() ({
      %run_scoped3A_76 = tpu.sem_alloc : memref<!tpu.dma_semaphore, #tpu.memory_space<semaphore_mem>>
      %dma_start3A = arith.constant 0 : i32
      %dma_start3A_77 = arith.constant 0 : i32
      %dma_start3A_78 = tpu.memref_slice %arg10[%run_scoped3A_45, %dma_start3A, %dma_start3A_77] : memref<2x80x128xf32, #tpu.memory_space<vmem>> -> memref<1x80x128xf32, #tpu.memory_space<vmem>>
      %dma_start3A_79 = tpu.memref_squeeze %dma_start3A_78 : memref<1x80x128xf32, #tpu.memory_space<vmem>> -> memref<80x128xf32, #tpu.memory_space<vmem>>
      %dma_start3A_80 = arith.constant 0 : i32
      %dma_start3A_81 = tpu.memref_slice %arg12[%add3A_44, %dma_start3A_80] : memref<10240x128xf32, #tpu.memory_space<vmem_shared>> -> memref<80x128xf32, #tpu.memory_space<vmem_shared>>
      %dma_start3A_82 = arith.constant 0 : i32
      %dma_start3A_83 = tpu.memref_slice %arg12[%add3A_44, %dma_start3A_82] : memref<10240x128xf32, #tpu.memory_space<vmem_shared>> -> memref<80x128xf32, #tpu.memory_space<vmem_shared>>
      %dma_start3A_84 = arith.constant 0 : i32
      %dma_start3A_85 = arith.constant 0 : i32
      %dma_start3A_86 = tpu.memref_slice %arg10[%run_scoped3A_45, %dma_start3A_84, %dma_start3A_85] : memref<2x80x128xf32, #tpu.memory_space<vmem>> -> memref<1x80x128xf32, #tpu.memory_space<vmem>>
      %dma_start3A_87 = tpu.memref_squeeze %dma_start3A_86 : memref<1x80x128xf32, #tpu.memory_space<vmem>> -> memref<80x128xf32, #tpu.memory_space<vmem>>
      tpu.enqueue_dma source(%dma_start3A_87 : memref<80x128xf32, #tpu.memory_space<vmem>>) target(%dma_start3A_83 : memref<80x128xf32, #tpu.memory_space<vmem_shared>>) target_semaphore(%run_scoped3A_76 : memref<!tpu.dma_semaphore, #tpu.memory_space<semaphore_mem>>)
      %dma_wait3A = arith.constant 0 : i32
      %dma_wait3A_88 = arith.constant 0 : i32
      %dma_wait3A_89 = tpu.memref_slice %arg10[%run_scoped3A_45, %dma_wait3A, %dma_wait3A_88] : memref<2x80x128xf32, #tpu.memory_space<vmem>> -> memref<1x80x128xf32, #tpu.memory_space<vmem>>
      %dma_wait3A_90 = tpu.memref_squeeze %dma_wait3A_89 : memref<1x80x128xf32, #tpu.memory_space<vmem>> -> memref<80x128xf32, #tpu.memory_space<vmem>>
      %dma_wait3A_91 = arith.constant 0 : i32
      %dma_wait3A_92 = tpu.memref_slice %arg12[%add3A_44, %dma_wait3A_91] : memref<10240x128xf32, #tpu.memory_space<vmem_shared>> -> memref<80x128xf32, #tpu.memory_space<vmem_shared>>
      %dma_wait3A_93 = arith.constant 0 : i32
      %dma_wait3A_94 = tpu.memref_slice %arg12[%add3A_44, %dma_wait3A_93] : memref<10240x128xf32, #tpu.memory_space<vmem_shared>> -> memref<80x128xf32, #tpu.memory_space<vmem_shared>>
      %dma_wait3A_95 = arith.constant 0 : i32
      %dma_wait3A_96 = arith.constant 0 : i32
      %dma_wait3A_97 = tpu.memref_slice %arg10[%run_scoped3A_45, %dma_wait3A_95, %dma_wait3A_96] : memref<2x80x128xf32, #tpu.memory_space<vmem>> -> memref<1x80x128xf32, #tpu.memory_space<vmem>>
      %dma_wait3A_98 = tpu.memref_squeeze %dma_wait3A_97 : memref<1x80x128xf32, #tpu.memory_space<vmem>> -> memref<80x128xf32, #tpu.memory_space<vmem>>
      tpu.wait_dma2 semaphore(%run_scoped3A_76 : memref<!tpu.dma_semaphore, #tpu.memory_space<semaphore_mem>>) src(%dma_wait3A_98 : memref<80x128xf32, #tpu.memory_space<vmem>>) dst(%dma_wait3A_94 : memref<80x128xf32, #tpu.memory_space<vmem_shared>>)
      tpu.yield
    }) : () -> ()
    %mul3A_46 = arith.constant 640 : i32
    %mul3A_47 = arith.muli %arg1, %mul3A_46 : i32
    %add3A_48 = arith.constant 480 : i32
    %add3A_49 = arith.addi %mul3A_47, %add3A_48 : i32
    %run_scoped3A_50 = arith.constant 0 : i32
    "tpu.region"() ({
      %run_scoped3A_76 = tpu.sem_alloc : memref<!tpu.dma_semaphore, #tpu.memory_space<semaphore_mem>>
      %dma_start3A = arith.constant 0 : i32
      %dma_start3A_77 = arith.constant 0 : i32
      %dma_start3A_78 = tpu.memref_slice %arg10[%run_scoped3A_50, %dma_start3A, %dma_start3A_77] : memref<2x80x128xf32, #tpu.memory_space<vmem>> -> memref<1x80x128xf32, #tpu.memory_space<vmem>>
      %dma_start3A_79 = tpu.memref_squeeze %dma_start3A_78 : memref<1x80x128xf32, #tpu.memory_space<vmem>> -> memref<80x128xf32, #tpu.memory_space<vmem>>
      %dma_start3A_80 = arith.constant 0 : i32
      %dma_start3A_81 = tpu.memref_slice %arg12[%add3A_49, %dma_start3A_80] : memref<10240x128xf32, #tpu.memory_space<vmem_shared>> -> memref<80x128xf32, #tpu.memory_space<vmem_shared>>
      %dma_start3A_82 = arith.constant 0 : i32
      %dma_start3A_83 = tpu.memref_slice %arg12[%add3A_49, %dma_start3A_82] : memref<10240x128xf32, #tpu.memory_space<vmem_shared>> -> memref<80x128xf32, #tpu.memory_space<vmem_shared>>
      %dma_start3A_84 = arith.constant 0 : i32
      %dma_start3A_85 = arith.constant 0 : i32
      %dma_start3A_86 = tpu.memref_slice %arg10[%run_scoped3A_50, %dma_start3A_84, %dma_start3A_85] : memref<2x80x128xf32, #tpu.memory_space<vmem>> -> memref<1x80x128xf32, #tpu.memory_space<vmem>>
      %dma_start3A_87 = tpu.memref_squeeze %dma_start3A_86 : memref<1x80x128xf32, #tpu.memory_space<vmem>> -> memref<80x128xf32, #tpu.memory_space<vmem>>
      tpu.enqueue_dma source(%dma_start3A_87 : memref<80x128xf32, #tpu.memory_space<vmem>>) target(%dma_start3A_83 : memref<80x128xf32, #tpu.memory_space<vmem_shared>>) target_semaphore(%run_scoped3A_76 : memref<!tpu.dma_semaphore, #tpu.memory_space<semaphore_mem>>)
      %dma_wait3A = arith.constant 0 : i32
      %dma_wait3A_88 = arith.constant 0 : i32
      %dma_wait3A_89 = tpu.memref_slice %arg10[%run_scoped3A_50, %dma_wait3A, %dma_wait3A_88] : memref<2x80x128xf32, #tpu.memory_space<vmem>> -> memref<1x80x128xf32, #tpu.memory_space<vmem>>
      %dma_wait3A_90 = tpu.memref_squeeze %dma_wait3A_89 : memref<1x80x128xf32, #tpu.memory_space<vmem>> -> memref<80x128xf32, #tpu.memory_space<vmem>>
      %dma_wait3A_91 = arith.constant 0 : i32
      %dma_wait3A_92 = tpu.memref_slice %arg12[%add3A_49, %dma_wait3A_91] : memref<10240x128xf32, #tpu.memory_space<vmem_shared>> -> memref<80x128xf32, #tpu.memory_space<vmem_shared>>
      %dma_wait3A_93 = arith.constant 0 : i32
      %dma_wait3A_94 = tpu.memref_slice %arg12[%add3A_49, %dma_wait3A_93] : memref<10240x128xf32, #tpu.memory_space<vmem_shared>> -> memref<80x128xf32, #tpu.memory_space<vmem_shared>>
      %dma_wait3A_95 = arith.constant 0 : i32
      %dma_wait3A_96 = arith.constant 0 : i32
      %dma_wait3A_97 = tpu.memref_slice %arg10[%run_scoped3A_50, %dma_wait3A_95, %dma_wait3A_96] : memref<2x80x128xf32, #tpu.memory_space<vmem>> -> memref<1x80x128xf32, #tpu.memory_space<vmem>>
      %dma_wait3A_98 = tpu.memref_squeeze %dma_wait3A_97 : memref<1x80x128xf32, #tpu.memory_space<vmem>> -> memref<80x128xf32, #tpu.memory_space<vmem>>
      tpu.wait_dma2 semaphore(%run_scoped3A_76 : memref<!tpu.dma_semaphore, #tpu.memory_space<semaphore_mem>>) src(%dma_wait3A_98 : memref<80x128xf32, #tpu.memory_space<vmem>>) dst(%dma_wait3A_94 : memref<80x128xf32, #tpu.memory_space<vmem_shared>>)
      tpu.yield
    }) : () -> ()
    %mul3A_51 = arith.constant 640 : i32
    %mul3A_52 = arith.muli %arg1, %mul3A_51 : i32
    %add3A_53 = arith.constant 560 : i32
    %add3A_54 = arith.addi %mul3A_52, %add3A_53 : i32
    %run_scoped3A_55 = arith.constant 0 : i32
    "tpu.region"() ({
      %run_scoped3A_76 = tpu.sem_alloc : memref<!tpu.dma_semaphore, #tpu.memory_space<semaphore_mem>>
      %dma_start3A = arith.constant 0 : i32
      %dma_start3A_77 = arith.constant 0 : i32
      %dma_start3A_78 = tpu.memref_slice %arg10[%run_scoped3A_55, %dma_start3A, %dma_start3A_77] : memref<2x80x128xf32, #tpu.memory_space<vmem>> -> memref<1x80x128xf32, #tpu.memory_space<vmem>>
      %dma_start3A_79 = tpu.memref_squeeze %dma_start3A_78 : memref<1x80x128xf32, #tpu.memory_space<vmem>> -> memref<80x128xf32, #tpu.memory_space<vmem>>
      %dma_start3A_80 = arith.constant 0 : i32
      %dma_start3A_81 = tpu.memref_slice %arg12[%add3A_54, %dma_start3A_80] : memref<10240x128xf32, #tpu.memory_space<vmem_shared>> -> memref<80x128xf32, #tpu.memory_space<vmem_shared>>
      %dma_start3A_82 = arith.constant 0 : i32
      %dma_start3A_83 = tpu.memref_slice %arg12[%add3A_54, %dma_start3A_82] : memref<10240x128xf32, #tpu.memory_space<vmem_shared>> -> memref<80x128xf32, #tpu.memory_space<vmem_shared>>
      %dma_start3A_84 = arith.constant 0 : i32
      %dma_start3A_85 = arith.constant 0 : i32
      %dma_start3A_86 = tpu.memref_slice %arg10[%run_scoped3A_55, %dma_start3A_84, %dma_start3A_85] : memref<2x80x128xf32, #tpu.memory_space<vmem>> -> memref<1x80x128xf32, #tpu.memory_space<vmem>>
      %dma_start3A_87 = tpu.memref_squeeze %dma_start3A_86 : memref<1x80x128xf32, #tpu.memory_space<vmem>> -> memref<80x128xf32, #tpu.memory_space<vmem>>
      tpu.enqueue_dma source(%dma_start3A_87 : memref<80x128xf32, #tpu.memory_space<vmem>>) target(%dma_start3A_83 : memref<80x128xf32, #tpu.memory_space<vmem_shared>>) target_semaphore(%run_scoped3A_76 : memref<!tpu.dma_semaphore, #tpu.memory_space<semaphore_mem>>)
      %dma_wait3A = arith.constant 0 : i32
      %dma_wait3A_88 = arith.constant 0 : i32
      %dma_wait3A_89 = tpu.memref_slice %arg10[%run_scoped3A_55, %dma_wait3A, %dma_wait3A_88] : memref<2x80x128xf32, #tpu.memory_space<vmem>> -> memref<1x80x128xf32, #tpu.memory_space<vmem>>
      %dma_wait3A_90 = tpu.memref_squeeze %dma_wait3A_89 : memref<1x80x128xf32, #tpu.memory_space<vmem>> -> memref<80x128xf32, #tpu.memory_space<vmem>>
      %dma_wait3A_91 = arith.constant 0 : i32
      %dma_wait3A_92 = tpu.memref_slice %arg12[%add3A_54, %dma_wait3A_91] : memref<10240x128xf32, #tpu.memory_space<vmem_shared>> -> memref<80x128xf32, #tpu.memory_space<vmem_shared>>
      %dma_wait3A_93 = arith.constant 0 : i32
      %dma_wait3A_94 = tpu.memref_slice %arg12[%add3A_54, %dma_wait3A_93] : memref<10240x128xf32, #tpu.memory_space<vmem_shared>> -> memref<80x128xf32, #tpu.memory_space<vmem_shared>>
      %dma_wait3A_95 = arith.constant 0 : i32
      %dma_wait3A_96 = arith.constant 0 : i32
      %dma_wait3A_97 = tpu.memref_slice %arg10[%run_scoped3A_55, %dma_wait3A_95, %dma_wait3A_96] : memref<2x80x128xf32, #tpu.memory_space<vmem>> -> memref<1x80x128xf32, #tpu.memory_space<vmem>>
      %dma_wait3A_98 = tpu.memref_squeeze %dma_wait3A_97 : memref<1x80x128xf32, #tpu.memory_space<vmem>> -> memref<80x128xf32, #tpu.memory_space<vmem>>
      tpu.wait_dma2 semaphore(%run_scoped3A_76 : memref<!tpu.dma_semaphore, #tpu.memory_space<semaphore_mem>>) src(%dma_wait3A_98 : memref<80x128xf32, #tpu.memory_space<vmem>>) dst(%dma_wait3A_94 : memref<80x128xf32, #tpu.memory_space<vmem_shared>>)
      tpu.yield
    }) : () -> ()
    %barrier3A = arith.constant 0 : index
    tpu.barrier barrier_id(%barrier3A)
    %broadcast_in_dim3A = arith.constant 1.000000e+00 : f32
    %broadcast_in_dim3A_56 = vector.broadcast %broadcast_in_dim3A : f32 to vector<16xf32>
    "tpu.region"() ({
      %run_scoped3A_76 = tpu.sem_alloc : memref<!tpu.dma_semaphore, #tpu.memory_space<semaphore_mem>>
      %dma_start3A = arith.constant 0 : i32
      %dma_start3A_77 = tpu.memref_slice %arg7[%dma_start3A] : memref<4000xi32, #tpu.memory_space<vmem>> -> memref<2000xi32, #tpu.memory_space<vmem>>
      %dma_start3A_78 = tpu.memref_slice %arg3[%mul3A_2] : memref<320000xi32, #tpu.memory_space<hbm>> -> memref<2000xi32, #tpu.memory_space<hbm>>
      %dma_start3A_79 = arith.constant 0 : i32
      %dma_start3A_80 = tpu.memref_slice %arg7[%dma_start3A_79] : memref<4000xi32, #tpu.memory_space<vmem>> -> memref<2000xi32, #tpu.memory_space<vmem>>
      %dma_start3A_81 = tpu.memref_slice %arg3[%mul3A_2] : memref<320000xi32, #tpu.memory_space<hbm>> -> memref<2000xi32, #tpu.memory_space<hbm>>
      tpu.enqueue_dma source(%dma_start3A_81 : memref<2000xi32, #tpu.memory_space<hbm>>) target(%dma_start3A_80 : memref<2000xi32, #tpu.memory_space<vmem>>) target_semaphore(%run_scoped3A_76 : memref<!tpu.dma_semaphore, #tpu.memory_space<semaphore_mem>>)
      %dma_wait3A = arith.constant 0 : i32
      %dma_wait3A_82 = tpu.memref_slice %arg7[%dma_wait3A] : memref<4000xi32, #tpu.memory_space<vmem>> -> memref<2000xi32, #tpu.memory_space<vmem>>
      %dma_wait3A_83 = tpu.memref_slice %arg3[%mul3A_2] : memref<320000xi32, #tpu.memory_space<hbm>> -> memref<2000xi32, #tpu.memory_space<hbm>>
      %dma_wait3A_84 = arith.constant 0 : i32
      %dma_wait3A_85 = tpu.memref_slice %arg7[%dma_wait3A_84] : memref<4000xi32, #tpu.memory_space<vmem>> -> memref<2000xi32, #tpu.memory_space<vmem>>
      %dma_wait3A_86 = tpu.memref_slice %arg3[%mul3A_2] : memref<320000xi32, #tpu.memory_space<hbm>> -> memref<2000xi32, #tpu.memory_space<hbm>>
      tpu.wait_dma2 semaphore(%run_scoped3A_76 : memref<!tpu.dma_semaphore, #tpu.memory_space<semaphore_mem>>) src(%dma_wait3A_86 : memref<2000xi32, #tpu.memory_space<hbm>>) dst(%dma_wait3A_85 : memref<2000xi32, #tpu.memory_space<vmem>>)
      tpu.yield
    }) : () -> ()
    "tpu.region"() ({
      %run_scoped3A_76 = tpu.sem_alloc : memref<!tpu.dma_semaphore, #tpu.memory_space<semaphore_mem>>
      %dma_start3A = arith.constant 0 : i32
      %dma_start3A_77 = tpu.memref_slice %arg8[%dma_start3A] : memref<4000xi32, #tpu.memory_space<vmem>> -> memref<2000xi32, #tpu.memory_space<vmem>>
      %dma_start3A_78 = tpu.memref_slice %arg4[%mul3A_2] : memref<320000xi32, #tpu.memory_space<hbm>> -> memref<2000xi32, #tpu.memory_space<hbm>>
      %dma_start3A_79 = arith.constant 0 : i32
      %dma_start3A_80 = tpu.memref_slice %arg8[%dma_start3A_79] : memref<4000xi32, #tpu.memory_space<vmem>> -> memref<2000xi32, #tpu.memory_space<vmem>>
      %dma_start3A_81 = tpu.memref_slice %arg4[%mul3A_2] : memref<320000xi32, #tpu.memory_space<hbm>> -> memref<2000xi32, #tpu.memory_space<hbm>>
      tpu.enqueue_dma source(%dma_start3A_81 : memref<2000xi32, #tpu.memory_space<hbm>>) target(%dma_start3A_80 : memref<2000xi32, #tpu.memory_space<vmem>>) target_semaphore(%run_scoped3A_76 : memref<!tpu.dma_semaphore, #tpu.memory_space<semaphore_mem>>)
      %dma_wait3A = arith.constant 0 : i32
      %dma_wait3A_82 = tpu.memref_slice %arg8[%dma_wait3A] : memref<4000xi32, #tpu.memory_space<vmem>> -> memref<2000xi32, #tpu.memory_space<vmem>>
      %dma_wait3A_83 = tpu.memref_slice %arg4[%mul3A_2] : memref<320000xi32, #tpu.memory_space<hbm>> -> memref<2000xi32, #tpu.memory_space<hbm>>
      %dma_wait3A_84 = arith.constant 0 : i32
      %dma_wait3A_85 = tpu.memref_slice %arg8[%dma_wait3A_84] : memref<4000xi32, #tpu.memory_space<vmem>> -> memref<2000xi32, #tpu.memory_space<vmem>>
      %dma_wait3A_86 = tpu.memref_slice %arg4[%mul3A_2] : memref<320000xi32, #tpu.memory_space<hbm>> -> memref<2000xi32, #tpu.memory_space<hbm>>
      tpu.wait_dma2 semaphore(%run_scoped3A_76 : memref<!tpu.dma_semaphore, #tpu.memory_space<semaphore_mem>>) src(%dma_wait3A_86 : memref<2000xi32, #tpu.memory_space<hbm>>) dst(%dma_wait3A_85 : memref<2000xi32, #tpu.memory_space<vmem>>)
      tpu.yield
    }) : () -> ()
    %scan3A_57 = arith.constant 0 : i32
    %scan3A_58 = arith.constant 0 : i32
    %scan3A_59 = arith.constant 125 : i32
    %scan3A_60 = arith.addi %scan3A_58, %scan3A_59 : i32
    %scan3A_61 = arith.constant 1 : i32
    %scan3A_62 = scf.for %scan3A_76 = %scan3A_58 to %scan3A_60 step %scan3A_61 iter_args(%scan3A_77 = %scan3A_57) -> (i32)  : i32 {
      %jit3A = arith.constant 5 : i32
      %div3A = arith.divsi %scan3A_76, %jit3A : i32
      %sign3A = arith.constant 0 : i32
      %sign3A_78 = arith.cmpi sgt, %scan3A_76, %sign3A : i32
      %sign3A_79 = arith.extui %sign3A_78 : i1 to i32
      %sign3A_80 = arith.constant 0 : i32
      %sign3A_81 = arith.cmpi slt, %scan3A_76, %sign3A_80 : i32
      %sign3A_82 = arith.extui %sign3A_81 : i1 to i32
      %sign3A_83 = arith.subi %sign3A_79, %sign3A_82 : i32
      %sign3A_84 = arith.constant 0 : i32
      %sign3A_85 = arith.cmpi sgt, %jit3A, %sign3A_84 : i32
      %sign3A_86 = arith.extui %sign3A_85 : i1 to i32
      %sign3A_87 = arith.constant 0 : i32
      %sign3A_88 = arith.cmpi slt, %jit3A, %sign3A_87 : i32
      %sign3A_89 = arith.extui %sign3A_88 : i1 to i32
      %sign3A_90 = arith.subi %sign3A_86, %sign3A_89 : i32
      %ne3A = arith.cmpi ne, %sign3A_83, %sign3A_90 : i32
      %rem3A = arith.remsi %scan3A_76, %jit3A : i32
      %ne3A_91 = arith.constant 0 : i32
      %ne3A_92 = arith.cmpi ne, %rem3A, %ne3A_91 : i32
      %and3A = arith.andi %ne3A, %ne3A_92 : i1
      %sub3A = arith.constant 1 : i32
      %sub3A_93 = arith.subi %div3A, %sub3A : i32
      %select_n3A = arith.select %and3A, %sub3A_93, %div3A : i32
      %jit3A_94 = arith.constant 5 : i32
      %eq3A = arith.constant 0 : i32
      %eq3A_95 = arith.cmpi eq, %jit3A_94, %eq3A : i32
      %jit3A_96 = arith.constant 1 : i32
      %select_n3A_97 = arith.select %eq3A_95, %jit3A_96, %jit3A_94 : i32
      %rem3A_98 = arith.remsi %scan3A_76, %select_n3A_97 : i32
      %ne3A_99 = arith.constant 0 : i32
      %ne3A_100 = arith.cmpi ne, %rem3A_98, %ne3A_99 : i32
      %lt3A = arith.constant 0 : i32
      %lt3A_101 = arith.cmpi slt, %rem3A_98, %lt3A : i32
      %lt3A_102 = arith.constant 0 : i32
      %lt3A_103 = arith.cmpi slt, %select_n3A_97, %lt3A_102 : i32
      %ne3A_104 = arith.xori %lt3A_101, %lt3A_103 : i1
      %and3A_105 = arith.andi %ne3A_104, %ne3A_100 : i1
      %add3A_106 = arith.addi %rem3A_98, %select_n3A_97 : i32
      %select_n3A_107 = arith.select %and3A_105, %add3A_106, %rem3A_98 : i32
      %mul3A_108 = arith.constant 16 : i32
      %mul3A_109 = arith.muli %select_n3A_107, %mul3A_108 : i32
      %mul3A_110 = arith.constant 16 : i32
      %mul3A_111 = arith.muli %scan3A_76, %mul3A_110 : i32
      %add3A_112 = arith.constant 0 : i32
      %add3A_113 = arith.addi %add3A_112, %mul3A_111 : i32
      %get3A = arith.index_cast %add3A_113 : i32 to index
      %get3A_114 = tpu.vector_load %arg8[%get3A] {strides = array<i32>} : memref<4000xi32, #tpu.memory_space<vmem>>, vector<16xi32>,
      %add3A_115 = arith.constant 0 : i32
      %add3A_116 = arith.addi %add3A_115, %select_n3A : i32
      %swap3A = arith.index_cast %add3A_116 : i32 to index
      %swap3A_117 = arith.index_cast %mul3A_109 : i32 to index
      %swap3A_118 = tpu.vector_load %arg9[%swap3A, %swap3A_117] {strides = array<i32>} : memref<50x80xi32, #tpu.memory_space<vmem>>, vector<16xi32>,
      tpu.vector_store %arg9[%swap3A, %swap3A_117], %get3A_114 {strides = array<i32>} : memref<50x80xi32, #tpu.memory_space<vmem>>, vector<16xi32>,
      %scan3A_119 = arith.constant 0 : i32
      scf.yield %scan3A_119 : i32
    }
    %scan3A_63 = arith.constant 125 : i32
    %scan3A_64 = arith.constant 0 : i32
    %scan3A_65 = arith.constant 0 : i32
    %scan3A_66 = arith.constant 5 : i32
    %scan3A_67 = arith.addi %scan3A_65, %scan3A_66 : i32
    %scan3A_68 = arith.constant 1 : i32
    %scan3A_69 = scf.for %scan3A_76 = %scan3A_65 to %scan3A_67 step %scan3A_68 iter_args(%scan3A_77 = %scan3A_64) -> (i32)  : i32 {
      %rem3A = arith.constant 2 : i32
      %rem3A_78 = arith.remsi %scan3A_76, %rem3A : i32
      %sub3A = arith.constant 1 : i32
      %sub3A_79 = arith.subi %sub3A, %rem3A_78 : i32
      %add3A_80 = arith.constant 1 : i32
      %add3A_81 = arith.addi %scan3A_76, %add3A_80 : i32
      %min3A = arith.constant 4 : i32
      %min3A_82 = arith.minsi %add3A_81, %min3A : i32
      %mul3A_83 = arith.constant 2000 : i32
      %mul3A_84 = arith.muli %min3A_82, %mul3A_83 : i32
      %add3A_85 = arith.addi %mul3A_2, %mul3A_84 : i32
      %mul3A_86 = arith.constant 2000 : i32
      %mul3A_87 = arith.muli %sub3A_79, %mul3A_86 : i32
      %dma_start3A = tpu.memref_slice %arg7[%mul3A_87] : memref<4000xi32, #tpu.memory_space<vmem>> -> memref<2000xi32, #tpu.memory_space<vmem>>
      %dma_start3A_88 = tpu.memref_slice %arg3[%add3A_85] : memref<320000xi32, #tpu.memory_space<hbm>> -> memref<2000xi32, #tpu.memory_space<hbm>>
      %dma_start3A_89 = tpu.memref_slice %arg7[%mul3A_87] : memref<4000xi32, #tpu.memory_space<vmem>> -> memref<2000xi32, #tpu.memory_space<vmem>>
      %dma_start3A_90 = tpu.memref_slice %arg3[%add3A_85] : memref<320000xi32, #tpu.memory_space<hbm>> -> memref<2000xi32, #tpu.memory_space<hbm>>
      tpu.enqueue_dma source(%dma_start3A_90 : memref<2000xi32, #tpu.memory_space<hbm>>) target(%dma_start3A_89 : memref<2000xi32, #tpu.memory_space<vmem>>) target_semaphore(%arg17 : memref<!tpu.dma_semaphore, #tpu.memory_space<semaphore_mem>>)
      %mul3A_91 = arith.constant 2000 : i32
      %mul3A_92 = arith.muli %sub3A_79, %mul3A_91 : i32
      %dma_start3A_93 = tpu.memref_slice %arg8[%mul3A_92] : memref<4000xi32, #tpu.memory_space<vmem>> -> memref<2000xi32, #tpu.memory_space<vmem>>
      %dma_start3A_94 = tpu.memref_slice %arg4[%add3A_85] : memref<320000xi32, #tpu.memory_space<hbm>> -> memref<2000xi32, #tpu.memory_space<hbm>>
      %dma_start3A_95 = tpu.memref_slice %arg8[%mul3A_92] : memref<4000xi32, #tpu.memory_space<vmem>> -> memref<2000xi32, #tpu.memory_space<vmem>>
      %dma_start3A_96 = tpu.memref_slice %arg4[%add3A_85] : memref<320000xi32, #tpu.memory_space<hbm>> -> memref<2000xi32, #tpu.memory_space<hbm>>
      tpu.enqueue_dma source(%dma_start3A_96 : memref<2000xi32, #tpu.memory_space<hbm>>) target(%dma_start3A_95 : memref<2000xi32, #tpu.memory_space<vmem>>) target_semaphore(%arg17 : memref<!tpu.dma_semaphore, #tpu.memory_space<semaphore_mem>>)
      %min3A_97 = arith.constant 0 : i32
      %min3A_98 = arith.constant 24 : i32
      %min3A_99 = arith.minsi %min3A_97, %min3A_98 : i32
      %mul3A_100 = arith.constant 2000 : i32
      %mul3A_101 = arith.muli %rem3A_78, %mul3A_100 : i32
      %mul3A_102 = arith.constant 80 : i32
      %mul3A_103 = arith.muli %min3A_99, %mul3A_102 : i32
      %add3A_104 = arith.addi %mul3A_101, %mul3A_103 : i32
      %dma_start3A_105 = arith.constant 0 : i32
      %dma_start3A_106 = arith.constant 0 : i32
      %dma_start3A_107 = arith.constant 0 : i32
      %dma_start3A_108 = tpu.memref_slice %arg10[%dma_start3A_105, %dma_start3A_106, %dma_start3A_107] : memref<2x80x128xf32, #tpu.memory_space<vmem>> -> memref<1x80x128xf32, #tpu.memory_space<vmem>>
      %dma_start3A_109 = tpu.memref_squeeze %dma_start3A_108 : memref<1x80x128xf32, #tpu.memory_space<vmem>> -> memref<80x128xf32, #tpu.memory_space<vmem>>
      %dma_start3A_110 = tpu.memref_slice %arg7[%add3A_104] : memref<4000xi32, #tpu.memory_space<vmem>> -> memref<80xi32, #tpu.memory_space<vmem>>
      %dma_start3A_111 = arith.constant 0 : i32
      %dma_start3A_112 = arith.constant 0 : i32
      %dma_start3A_113 = tpu.memref_slice %arg2[%dma_start3A_111, %dma_start3A_112] : memref<10000x128xf32, #tpu.memory_space<hbm>> -> memref<10000x128xf32, #tpu.memory_space<hbm>>
      tpu.enqueue_indirect_dma source(%dma_start3A_113 : memref<10000x128xf32, #tpu.memory_space<hbm>>) target(%dma_start3A_109 : memref<80x128xf32, #tpu.memory_space<vmem>>) offsets(%dma_start3A_110 : memref<80xi32, #tpu.memory_space<vmem>>) semaphore(%arg13 : memref<!tpu.dma_semaphore, #tpu.memory_space<semaphore_mem>>)
      %min3A_114 = arith.constant 1 : i32
      %min3A_115 = arith.constant 24 : i32
      %min3A_116 = arith.minsi %min3A_114, %min3A_115 : i32
      %mul3A_117 = arith.constant 2000 : i32
      %mul3A_118 = arith.muli %rem3A_78, %mul3A_117 : i32
      %mul3A_119 = arith.constant 80 : i32
      %mul3A_120 = arith.muli %min3A_116, %mul3A_119 : i32
      %add3A_121 = arith.addi %mul3A_118, %mul3A_120 : i32
      %dma_start3A_122 = arith.constant 1 : i32
      %dma_start3A_123 = arith.constant 0 : i32
      %dma_start3A_124 = arith.constant 0 : i32
      %dma_start3A_125 = tpu.memref_slice %arg10[%dma_start3A_122, %dma_start3A_123, %dma_start3A_124] : memref<2x80x128xf32, #tpu.memory_space<vmem>> -> memref<1x80x128xf32, #tpu.memory_space<vmem>>
      %dma_start3A_126 = tpu.memref_squeeze %dma_start3A_125 : memref<1x80x128xf32, #tpu.memory_space<vmem>> -> memref<80x128xf32, #tpu.memory_space<vmem>>
      %dma_start3A_127 = tpu.memref_slice %arg7[%add3A_121] : memref<4000xi32, #tpu.memory_space<vmem>> -> memref<80xi32, #tpu.memory_space<vmem>>
      %dma_start3A_128 = arith.constant 0 : i32
      %dma_start3A_129 = arith.constant 0 : i32
      %dma_start3A_130 = tpu.memref_slice %arg2[%dma_start3A_128, %dma_start3A_129] : memref<10000x128xf32, #tpu.memory_space<hbm>> -> memref<10000x128xf32, #tpu.memory_space<hbm>>
      tpu.enqueue_indirect_dma source(%dma_start3A_130 : memref<10000x128xf32, #tpu.memory_space<hbm>>) target(%dma_start3A_126 : memref<80x128xf32, #tpu.memory_space<vmem>>) offsets(%dma_start3A_127 : memref<80xi32, #tpu.memory_space<vmem>>) semaphore(%arg14 : memref<!tpu.dma_semaphore, #tpu.memory_space<semaphore_mem>>)
      %scan3A_131 = arith.constant 0 : i32
      %scan3A_132 = arith.constant 0 : i32
      %scan3A_133 = arith.constant 12 : i32
      %scan3A_134 = arith.addi %scan3A_132, %scan3A_133 : i32
      %scan3A_135 = arith.constant 1 : i32
      %scan3A_136 = scf.for %scan3A_255 = %scan3A_132 to %scan3A_134 step %scan3A_135 iter_args(%scan3A_256 = %scan3A_131) -> (i32)  : i32 {
        %mul3A_257 = arith.constant 2 : i32
        %mul3A_258 = arith.muli %scan3A_255, %mul3A_257 : i32
        %min3A_259 = arith.constant 24 : i32
        %min3A_260 = arith.minsi %mul3A_258, %min3A_259 : i32
        %mul3A_261 = arith.constant 2000 : i32
        %mul3A_262 = arith.muli %rem3A_78, %mul3A_261 : i32
        %mul3A_263 = arith.constant 80 : i32
        %mul3A_264 = arith.muli %min3A_260, %mul3A_263 : i32
        %add3A_265 = arith.addi %mul3A_262, %mul3A_264 : i32
        %dma_wait3A_266 = arith.constant 0 : i32
        %dma_wait3A_267 = arith.constant 0 : i32
        %dma_wait3A_268 = arith.constant 0 : i32
        %dma_wait3A_269 = tpu.memref_slice %arg10[%dma_wait3A_266, %dma_wait3A_267, %dma_wait3A_268] : memref<2x80x128xf32, #tpu.memory_space<vmem>> -> memref<1x80x128xf32, #tpu.memory_space<vmem>>
        %dma_wait3A_270 = tpu.memref_squeeze %dma_wait3A_269 : memref<1x80x128xf32, #tpu.memory_space<vmem>> -> memref<80x128xf32, #tpu.memory_space<vmem>>
        %dma_wait3A_271 = tpu.memref_slice %arg7[%add3A_265] : memref<4000xi32, #tpu.memory_space<vmem>> -> memref<80xi32, #tpu.memory_space<vmem>>
        %dma_wait3A_272 = arith.constant 0 : i32
        %dma_wait3A_273 = arith.constant 0 : i32
        %dma_wait3A_274 = tpu.memref_slice %arg2[%dma_wait3A_272, %dma_wait3A_273] : memref<10000x128xf32, #tpu.memory_space<hbm>> -> memref<10000x128xf32, #tpu.memory_space<hbm>>
        tpu.wait_indirect_dma semaphore(%arg13 : memref<!tpu.dma_semaphore, #tpu.memory_space<semaphore_mem>>) src(%dma_wait3A_274 : memref<10000x128xf32, #tpu.memory_space<hbm>>) dst(%dma_wait3A_270 : memref<80x128xf32, #tpu.memory_space<vmem>>)
        %mul3A_275 = arith.constant 25 : i32
        %mul3A_276 = arith.muli %rem3A_78, %mul3A_275 : i32
        %add3A_277 = arith.addi %mul3A_276, %mul3A_258 : i32
        %dma_start3A_278 = arith.constant 0 : i32
        %dma_start3A_279 = arith.constant 0 : i32
        %dma_start3A_280 = arith.constant 0 : i32
        %dma_start3A_281 = tpu.memref_slice %arg10[%dma_start3A_278, %dma_start3A_279, %dma_start3A_280] : memref<2x80x128xf32, #tpu.memory_space<vmem>> -> memref<1x80x128xf32, #tpu.memory_space<vmem>>
        %dma_start3A_282 = tpu.memref_squeeze %dma_start3A_281 : memref<1x80x128xf32, #tpu.memory_space<vmem>> -> memref<80x128xf32, #tpu.memory_space<vmem>>
        %dma_start3A_283 = arith.constant 0 : i32
        %dma_start3A_284 = tpu.memref_slice %arg9[%add3A_277, %dma_start3A_283] : memref<50x80xi32, #tpu.memory_space<vmem>> -> memref<1x80xi32, #tpu.memory_space<vmem>>
        %dma_start3A_285 = tpu.memref_squeeze %dma_start3A_284 : memref<1x80xi32, #tpu.memory_space<vmem>> -> memref<80xi32, #tpu.memory_space<vmem>>
        %dma_start3A_286 = arith.constant 0 : i32
        %dma_start3A_287 = arith.constant 0 : i32
        %dma_start3A_288 = tpu.memref_slice %arg12[%dma_start3A_286, %dma_start3A_287] : memref<10240x128xf32, #tpu.memory_space<vmem_shared>> -> memref<10240x128xf32, #tpu.memory_space<vmem_shared>>
        tpu.enqueue_indirect_dma source(%dma_start3A_282 : memref<80x128xf32, #tpu.memory_space<vmem>>) target(%dma_start3A_288 : memref<10240x128xf32, #tpu.memory_space<vmem_shared>>) offsets(%dma_start3A_285 : memref<80xi32, #tpu.memory_space<vmem>>) semaphore(%arg15 : memref<!tpu.dma_semaphore, #tpu.memory_space<semaphore_mem>>) {add = true}
        %mul3A_289 = arith.constant 25 : i32
        %mul3A_290 = arith.muli %rem3A_78, %mul3A_289 : i32
        %add3A_291 = arith.addi %mul3A_290, %mul3A_258 : i32
        %get3A_292 = arith.index_cast %add3A_291 : i32 to index
        %get3A_293 = arith.constant 0 : index
        %get3A_294 = tpu.vector_load %arg9[%get3A_292, %get3A_293] {strides = array<i32>} : memref<50x80xi32, #tpu.memory_space<vmem>>, vector<16xi32>,
        tpu.vector_store_idx %arg11[%get3A_294], %broadcast_in_dim3A_56 {add = true} : memref<10240xf32, #tpu.memory_space<vmem>>[vector<16xi32>], vector<16xf32>,
        %mul3A_295 = arith.constant 25 : i32
        %mul3A_296 = arith.muli %rem3A_78, %mul3A_295 : i32
        %add3A_297 = arith.addi %mul3A_296, %mul3A_258 : i32
        %get3A_298 = arith.index_cast %add3A_297 : i32 to index
        %get3A_299 = arith.constant 16 : index
        %get3A_300 = tpu.vector_load %arg9[%get3A_298, %get3A_299] {strides = array<i32>} : memref<50x80xi32, #tpu.memory_space<vmem>>, vector<16xi32>,
        tpu.vector_store_idx %arg11[%get3A_300], %broadcast_in_dim3A_56 {add = true} : memref<10240xf32, #tpu.memory_space<vmem>>[vector<16xi32>], vector<16xf32>,
        %mul3A_301 = arith.constant 25 : i32
        %mul3A_302 = arith.muli %rem3A_78, %mul3A_301 : i32
        %add3A_303 = arith.addi %mul3A_302, %mul3A_258 : i32
        %get3A_304 = arith.index_cast %add3A_303 : i32 to index
        %get3A_305 = arith.constant 32 : index
        %get3A_306 = tpu.vector_load %arg9[%get3A_304, %get3A_305] {strides = array<i32>} : memref<50x80xi32, #tpu.memory_space<vmem>>, vector<16xi32>,
        tpu.vector_store_idx %arg11[%get3A_306], %broadcast_in_dim3A_56 {add = true} : memref<10240xf32, #tpu.memory_space<vmem>>[vector<16xi32>], vector<16xf32>,
        %mul3A_307 = arith.constant 25 : i32
        %mul3A_308 = arith.muli %rem3A_78, %mul3A_307 : i32
        %add3A_309 = arith.addi %mul3A_308, %mul3A_258 : i32
        %get3A_310 = arith.index_cast %add3A_309 : i32 to index
        %get3A_311 = arith.constant 48 : index
        %get3A_312 = tpu.vector_load %arg9[%get3A_310, %get3A_311] {strides = array<i32>} : memref<50x80xi32, #tpu.memory_space<vmem>>, vector<16xi32>,
        tpu.vector_store_idx %arg11[%get3A_312], %broadcast_in_dim3A_56 {add = true} : memref<10240xf32, #tpu.memory_space<vmem>>[vector<16xi32>], vector<16xf32>,
        %mul3A_313 = arith.constant 25 : i32
        %mul3A_314 = arith.muli %rem3A_78, %mul3A_313 : i32
        %add3A_315 = arith.addi %mul3A_314, %mul3A_258 : i32
        %get3A_316 = arith.index_cast %add3A_315 : i32 to index
        %get3A_317 = arith.constant 64 : index
        %get3A_318 = tpu.vector_load %arg9[%get3A_316, %get3A_317] {strides = array<i32>} : memref<50x80xi32, #tpu.memory_space<vmem>>, vector<16xi32>,
        tpu.vector_store_idx %arg11[%get3A_318], %broadcast_in_dim3A_56 {add = true} : memref<10240xf32, #tpu.memory_space<vmem>>[vector<16xi32>], vector<16xf32>,
        %add3A_319 = arith.constant 1 : i32
        %add3A_320 = arith.addi %mul3A_258, %add3A_319 : i32
        %min3A_321 = arith.constant 24 : i32
        %min3A_322 = arith.minsi %add3A_320, %min3A_321 : i32
        %mul3A_323 = arith.constant 2000 : i32
        %mul3A_324 = arith.muli %rem3A_78, %mul3A_323 : i32
        %mul3A_325 = arith.constant 80 : i32
        %mul3A_326 = arith.muli %min3A_322, %mul3A_325 : i32
        %add3A_327 = arith.addi %mul3A_324, %mul3A_326 : i32
        %dma_wait3A_328 = arith.constant 1 : i32
        %dma_wait3A_329 = arith.constant 0 : i32
        %dma_wait3A_330 = arith.constant 0 : i32
        %dma_wait3A_331 = tpu.memref_slice %arg10[%dma_wait3A_328, %dma_wait3A_329, %dma_wait3A_330] : memref<2x80x128xf32, #tpu.memory_space<vmem>> -> memref<1x80x128xf32, #tpu.memory_space<vmem>>
        %dma_wait3A_332 = tpu.memref_squeeze %dma_wait3A_331 : memref<1x80x128xf32, #tpu.memory_space<vmem>> -> memref<80x128xf32, #tpu.memory_space<vmem>>
        %dma_wait3A_333 = tpu.memref_slice %arg7[%add3A_327] : memref<4000xi32, #tpu.memory_space<vmem>> -> memref<80xi32, #tpu.memory_space<vmem>>
        %dma_wait3A_334 = arith.constant 0 : i32
        %dma_wait3A_335 = arith.constant 0 : i32
        %dma_wait3A_336 = tpu.memref_slice %arg2[%dma_wait3A_334, %dma_wait3A_335] : memref<10000x128xf32, #tpu.memory_space<hbm>> -> memref<10000x128xf32, #tpu.memory_space<hbm>>
        tpu.wait_indirect_dma semaphore(%arg14 : memref<!tpu.dma_semaphore, #tpu.memory_space<semaphore_mem>>) src(%dma_wait3A_336 : memref<10000x128xf32, #tpu.memory_space<hbm>>) dst(%dma_wait3A_332 : memref<80x128xf32, #tpu.memory_space<vmem>>)
        %add3A_337 = arith.constant 1 : i32
        %add3A_338 = arith.addi %mul3A_258, %add3A_337 : i32
        %mul3A_339 = arith.constant 25 : i32
        %mul3A_340 = arith.muli %rem3A_78, %mul3A_339 : i32
        %add3A_341 = arith.addi %mul3A_340, %add3A_338 : i32
        %dma_start3A_342 = arith.constant 1 : i32
        %dma_start3A_343 = arith.constant 0 : i32
        %dma_start3A_344 = arith.constant 0 : i32
        %dma_start3A_345 = tpu.memref_slice %arg10[%dma_start3A_342, %dma_start3A_343, %dma_start3A_344] : memref<2x80x128xf32, #tpu.memory_space<vmem>> -> memref<1x80x128xf32, #tpu.memory_space<vmem>>
        %dma_start3A_346 = tpu.memref_squeeze %dma_start3A_345 : memref<1x80x128xf32, #tpu.memory_space<vmem>> -> memref<80x128xf32, #tpu.memory_space<vmem>>
        %dma_start3A_347 = arith.constant 0 : i32
        %dma_start3A_348 = tpu.memref_slice %arg9[%add3A_341, %dma_start3A_347] : memref<50x80xi32, #tpu.memory_space<vmem>> -> memref<1x80xi32, #tpu.memory_space<vmem>>
        %dma_start3A_349 = tpu.memref_squeeze %dma_start3A_348 : memref<1x80xi32, #tpu.memory_space<vmem>> -> memref<80xi32, #tpu.memory_space<vmem>>
        %dma_start3A_350 = arith.constant 0 : i32
        %dma_start3A_351 = arith.constant 0 : i32
        %dma_start3A_352 = tpu.memref_slice %arg12[%dma_start3A_350, %dma_start3A_351] : memref<10240x128xf32, #tpu.memory_space<vmem_shared>> -> memref<10240x128xf32, #tpu.memory_space<vmem_shared>>
        tpu.enqueue_indirect_dma source(%dma_start3A_346 : memref<80x128xf32, #tpu.memory_space<vmem>>) target(%dma_start3A_352 : memref<10240x128xf32, #tpu.memory_space<vmem_shared>>) offsets(%dma_start3A_349 : memref<80xi32, #tpu.memory_space<vmem>>) semaphore(%arg16 : memref<!tpu.dma_semaphore, #tpu.memory_space<semaphore_mem>>) {add = true}
        %mul3A_353 = arith.constant 25 : i32
        %mul3A_354 = arith.muli %rem3A_78, %mul3A_353 : i32
        %add3A_355 = arith.addi %mul3A_354, %add3A_338 : i32
        %get3A_356 = arith.index_cast %add3A_355 : i32 to index
        %get3A_357 = arith.constant 0 : index
        %get3A_358 = tpu.vector_load %arg9[%get3A_356, %get3A_357] {strides = array<i32>} : memref<50x80xi32, #tpu.memory_space<vmem>>, vector<16xi32>,
        tpu.vector_store_idx %arg11[%get3A_358], %broadcast_in_dim3A_56 {add = true} : memref<10240xf32, #tpu.memory_space<vmem>>[vector<16xi32>], vector<16xf32>,
        %mul3A_359 = arith.constant 25 : i32
        %mul3A_360 = arith.muli %rem3A_78, %mul3A_359 : i32
        %add3A_361 = arith.addi %mul3A_360, %add3A_338 : i32
        %get3A_362 = arith.index_cast %add3A_361 : i32 to index
        %get3A_363 = arith.constant 16 : index
        %get3A_364 = tpu.vector_load %arg9[%get3A_362, %get3A_363] {strides = array<i32>} : memref<50x80xi32, #tpu.memory_space<vmem>>, vector<16xi32>,
        tpu.vector_store_idx %arg11[%get3A_364], %broadcast_in_dim3A_56 {add = true} : memref<10240xf32, #tpu.memory_space<vmem>>[vector<16xi32>], vector<16xf32>,
        %mul3A_365 = arith.constant 25 : i32
        %mul3A_366 = arith.muli %rem3A_78, %mul3A_365 : i32
        %add3A_367 = arith.addi %mul3A_366, %add3A_338 : i32
        %get3A_368 = arith.index_cast %add3A_367 : i32 to index
        %get3A_369 = arith.constant 32 : index
        %get3A_370 = tpu.vector_load %arg9[%get3A_368, %get3A_369] {strides = array<i32>} : memref<50x80xi32, #tpu.memory_space<vmem>>, vector<16xi32>,
        tpu.vector_store_idx %arg11[%get3A_370], %broadcast_in_dim3A_56 {add = true} : memref<10240xf32, #tpu.memory_space<vmem>>[vector<16xi32>], vector<16xf32>,
        %mul3A_371 = arith.constant 25 : i32
        %mul3A_372 = arith.muli %rem3A_78, %mul3A_371 : i32
        %add3A_373 = arith.addi %mul3A_372, %add3A_338 : i32
        %get3A_374 = arith.index_cast %add3A_373 : i32 to index
        %get3A_375 = arith.constant 48 : index
        %get3A_376 = tpu.vector_load %arg9[%get3A_374, %get3A_375] {strides = array<i32>} : memref<50x80xi32, #tpu.memory_space<vmem>>, vector<16xi32>,
        tpu.vector_store_idx %arg11[%get3A_376], %broadcast_in_dim3A_56 {add = true} : memref<10240xf32, #tpu.memory_space<vmem>>[vector<16xi32>], vector<16xf32>,
        %mul3A_377 = arith.constant 25 : i32
        %mul3A_378 = arith.muli %rem3A_78, %mul3A_377 : i32
        %add3A_379 = arith.addi %mul3A_378, %add3A_338 : i32
        %get3A_380 = arith.index_cast %add3A_379 : i32 to index
        %get3A_381 = arith.constant 64 : index
        %get3A_382 = tpu.vector_load %arg9[%get3A_380, %get3A_381] {strides = array<i32>} : memref<50x80xi32, #tpu.memory_space<vmem>>, vector<16xi32>,
        tpu.vector_store_idx %arg11[%get3A_382], %broadcast_in_dim3A_56 {add = true} : memref<10240xf32, #tpu.memory_space<vmem>>[vector<16xi32>], vector<16xf32>,
        %mul3A_383 = arith.constant 25 : i32
        %mul3A_384 = arith.muli %rem3A_78, %mul3A_383 : i32
        %add3A_385 = arith.addi %mul3A_384, %mul3A_258 : i32
        %dma_wait3A_386 = arith.constant 0 : i32
        %dma_wait3A_387 = arith.constant 0 : i32
        %dma_wait3A_388 = arith.constant 0 : i32
        %dma_wait3A_389 = tpu.memref_slice %arg10[%dma_wait3A_386, %dma_wait3A_387, %dma_wait3A_388] : memref<2x80x128xf32, #tpu.memory_space<vmem>> -> memref<1x80x128xf32, #tpu.memory_space<vmem>>
        %dma_wait3A_390 = tpu.memref_squeeze %dma_wait3A_389 : memref<1x80x128xf32, #tpu.memory_space<vmem>> -> memref<80x128xf32, #tpu.memory_space<vmem>>
        %dma_wait3A_391 = arith.constant 0 : i32
        %dma_wait3A_392 = tpu.memref_slice %arg9[%add3A_385, %dma_wait3A_391] : memref<50x80xi32, #tpu.memory_space<vmem>> -> memref<1x80xi32, #tpu.memory_space<vmem>>
        %dma_wait3A_393 = tpu.memref_squeeze %dma_wait3A_392 : memref<1x80xi32, #tpu.memory_space<vmem>> -> memref<80xi32, #tpu.memory_space<vmem>>
        %dma_wait3A_394 = arith.constant 0 : i32
        %dma_wait3A_395 = arith.constant 0 : i32
        %dma_wait3A_396 = tpu.memref_slice %arg12[%dma_wait3A_394, %dma_wait3A_395] : memref<10240x128xf32, #tpu.memory_space<vmem_shared>> -> memref<10240x128xf32, #tpu.memory_space<vmem_shared>>
        tpu.wait_indirect_dma semaphore(%arg15 : memref<!tpu.dma_semaphore, #tpu.memory_space<semaphore_mem>>) src(%dma_wait3A_390 : memref<80x128xf32, #tpu.memory_space<vmem>>) dst(%dma_wait3A_396 : memref<10240x128xf32, #tpu.memory_space<vmem_shared>>)
        %add3A_397 = arith.constant 2 : i32
        %add3A_398 = arith.addi %mul3A_258, %add3A_397 : i32
        %min3A_399 = arith.constant 24 : i32
        %min3A_400 = arith.minsi %add3A_398, %min3A_399 : i32
        %mul3A_401 = arith.constant 2000 : i32
        %mul3A_402 = arith.muli %rem3A_78, %mul3A_401 : i32
        %mul3A_403 = arith.constant 80 : i32
        %mul3A_404 = arith.muli %min3A_400, %mul3A_403 : i32
        %add3A_405 = arith.addi %mul3A_402, %mul3A_404 : i32
        %dma_start3A_406 = arith.constant 0 : i32
        %dma_start3A_407 = arith.constant 0 : i32
        %dma_start3A_408 = arith.constant 0 : i32
        %dma_start3A_409 = tpu.memref_slice %arg10[%dma_start3A_406, %dma_start3A_407, %dma_start3A_408] : memref<2x80x128xf32, #tpu.memory_space<vmem>> -> memref<1x80x128xf32, #tpu.memory_space<vmem>>
        %dma_start3A_410 = tpu.memref_squeeze %dma_start3A_409 : memref<1x80x128xf32, #tpu.memory_space<vmem>> -> memref<80x128xf32, #tpu.memory_space<vmem>>
        %dma_start3A_411 = tpu.memref_slice %arg7[%add3A_405] : memref<4000xi32, #tpu.memory_space<vmem>> -> memref<80xi32, #tpu.memory_space<vmem>>
        %dma_start3A_412 = arith.constant 0 : i32
        %dma_start3A_413 = arith.constant 0 : i32
        %dma_start3A_414 = tpu.memref_slice %arg2[%dma_start3A_412, %dma_start3A_413] : memref<10000x128xf32, #tpu.memory_space<hbm>> -> memref<10000x128xf32, #tpu.memory_space<hbm>>
        tpu.enqueue_indirect_dma source(%dma_start3A_414 : memref<10000x128xf32, #tpu.memory_space<hbm>>) target(%dma_start3A_410 : memref<80x128xf32, #tpu.memory_space<vmem>>) offsets(%dma_start3A_411 : memref<80xi32, #tpu.memory_space<vmem>>) semaphore(%arg13 : memref<!tpu.dma_semaphore, #tpu.memory_space<semaphore_mem>>)
        %add3A_415 = arith.constant 1 : i32
        %add3A_416 = arith.addi %mul3A_258, %add3A_415 : i32
        %mul3A_417 = arith.constant 25 : i32
        %mul3A_418 = arith.muli %rem3A_78, %mul3A_417 : i32
        %add3A_419 = arith.addi %mul3A_418, %add3A_416 : i32
        %dma_wait3A_420 = arith.constant 1 : i32
        %dma_wait3A_421 = arith.constant 0 : i32
        %dma_wait3A_422 = arith.constant 0 : i32
        %dma_wait3A_423 = tpu.memref_slice %arg10[%dma_wait3A_420, %dma_wait3A_421, %dma_wait3A_422] : memref<2x80x128xf32, #tpu.memory_space<vmem>> -> memref<1x80x128xf32, #tpu.memory_space<vmem>>
        %dma_wait3A_424 = tpu.memref_squeeze %dma_wait3A_423 : memref<1x80x128xf32, #tpu.memory_space<vmem>> -> memref<80x128xf32, #tpu.memory_space<vmem>>
        %dma_wait3A_425 = arith.constant 0 : i32
        %dma_wait3A_426 = tpu.memref_slice %arg9[%add3A_419, %dma_wait3A_425] : memref<50x80xi32, #tpu.memory_space<vmem>> -> memref<1x80xi32, #tpu.memory_space<vmem>>
        %dma_wait3A_427 = tpu.memref_squeeze %dma_wait3A_426 : memref<1x80xi32, #tpu.memory_space<vmem>> -> memref<80xi32, #tpu.memory_space<vmem>>
        %dma_wait3A_428 = arith.constant 0 : i32
        %dma_wait3A_429 = arith.constant 0 : i32
        %dma_wait3A_430 = tpu.memref_slice %arg12[%dma_wait3A_428, %dma_wait3A_429] : memref<10240x128xf32, #tpu.memory_space<vmem_shared>> -> memref<10240x128xf32, #tpu.memory_space<vmem_shared>>
        tpu.wait_indirect_dma semaphore(%arg16 : memref<!tpu.dma_semaphore, #tpu.memory_space<semaphore_mem>>) src(%dma_wait3A_424 : memref<80x128xf32, #tpu.memory_space<vmem>>) dst(%dma_wait3A_430 : memref<10240x128xf32, #tpu.memory_space<vmem_shared>>)
        %add3A_431 = arith.constant 3 : i32
        %add3A_432 = arith.addi %mul3A_258, %add3A_431 : i32
        %min3A_433 = arith.constant 24 : i32
        %min3A_434 = arith.minsi %add3A_432, %min3A_433 : i32
        %mul3A_435 = arith.constant 2000 : i32
        %mul3A_436 = arith.muli %rem3A_78, %mul3A_435 : i32
        %mul3A_437 = arith.constant 80 : i32
        %mul3A_438 = arith.muli %min3A_434, %mul3A_437 : i32
        %add3A_439 = arith.addi %mul3A_436, %mul3A_438 : i32
        %dma_start3A_440 = arith.constant 1 : i32
        %dma_start3A_441 = arith.constant 0 : i32
        %dma_start3A_442 = arith.constant 0 : i32
        %dma_start3A_443 = tpu.memref_slice %arg10[%dma_start3A_440, %dma_start3A_441, %dma_start3A_442] : memref<2x80x128xf32, #tpu.memory_space<vmem>> -> memref<1x80x128xf32, #tpu.memory_space<vmem>>
        %dma_start3A_444 = tpu.memref_squeeze %dma_start3A_443 : memref<1x80x128xf32, #tpu.memory_space<vmem>> -> memref<80x128xf32, #tpu.memory_space<vmem>>
        %dma_start3A_445 = tpu.memref_slice %arg7[%add3A_439] : memref<4000xi32, #tpu.memory_space<vmem>> -> memref<80xi32, #tpu.memory_space<vmem>>
        %dma_start3A_446 = arith.constant 0 : i32
        %dma_start3A_447 = arith.constant 0 : i32
        %dma_start3A_448 = tpu.memref_slice %arg2[%dma_start3A_446, %dma_start3A_447] : memref<10000x128xf32, #tpu.memory_space<hbm>> -> memref<10000x128xf32, #tpu.memory_space<hbm>>
        tpu.enqueue_indirect_dma source(%dma_start3A_448 : memref<10000x128xf32, #tpu.memory_space<hbm>>) target(%dma_start3A_444 : memref<80x128xf32, #tpu.memory_space<vmem>>) offsets(%dma_start3A_445 : memref<80xi32, #tpu.memory_space<vmem>>) semaphore(%arg14 : memref<!tpu.dma_semaphore, #tpu.memory_space<semaphore_mem>>)
        %scan3A_449 = arith.constant 0 : i32
        scf.yield %scan3A_449 : i32
      }
      %scan3A_137 = arith.constant 12 : i32
      %min3A_138 = arith.constant 24 : i32
      %min3A_139 = arith.constant 24 : i32
      %min3A_140 = arith.minsi %min3A_138, %min3A_139 : i32
      %mul3A_141 = arith.constant 2000 : i32
      %mul3A_142 = arith.muli %rem3A_78, %mul3A_141 : i32
      %mul3A_143 = arith.constant 80 : i32
      %mul3A_144 = arith.muli %min3A_140, %mul3A_143 : i32
      %add3A_145 = arith.addi %mul3A_142, %mul3A_144 : i32
      %dma_wait3A = arith.constant 0 : i32
      %dma_wait3A_146 = arith.constant 0 : i32
      %dma_wait3A_147 = arith.constant 0 : i32
      %dma_wait3A_148 = tpu.memref_slice %arg10[%dma_wait3A, %dma_wait3A_146, %dma_wait3A_147] : memref<2x80x128xf32, #tpu.memory_space<vmem>> -> memref<1x80x128xf32, #tpu.memory_space<vmem>>
      %dma_wait3A_149 = tpu.memref_squeeze %dma_wait3A_148 : memref<1x80x128xf32, #tpu.memory_space<vmem>> -> memref<80x128xf32, #tpu.memory_space<vmem>>
      %dma_wait3A_150 = tpu.memref_slice %arg7[%add3A_145] : memref<4000xi32, #tpu.memory_space<vmem>> -> memref<80xi32, #tpu.memory_space<vmem>>
      %dma_wait3A_151 = arith.constant 0 : i32
      %dma_wait3A_152 = arith.constant 0 : i32
      %dma_wait3A_153 = tpu.memref_slice %arg2[%dma_wait3A_151, %dma_wait3A_152] : memref<10000x128xf32, #tpu.memory_space<hbm>> -> memref<10000x128xf32, #tpu.memory_space<hbm>>
      tpu.wait_indirect_dma semaphore(%arg13 : memref<!tpu.dma_semaphore, #tpu.memory_space<semaphore_mem>>) src(%dma_wait3A_153 : memref<10000x128xf32, #tpu.memory_space<hbm>>) dst(%dma_wait3A_149 : memref<80x128xf32, #tpu.memory_space<vmem>>)
      %mul3A_154 = arith.constant 25 : i32
      %mul3A_155 = arith.muli %rem3A_78, %mul3A_154 : i32
      %add3A_156 = arith.constant 24 : i32
      %add3A_157 = arith.addi %mul3A_155, %add3A_156 : i32
      %dma_start3A_158 = arith.constant 0 : i32
      %dma_start3A_159 = arith.constant 0 : i32
      %dma_start3A_160 = arith.constant 0 : i32
      %dma_start3A_161 = tpu.memref_slice %arg10[%dma_start3A_158, %dma_start3A_159, %dma_start3A_160] : memref<2x80x128xf32, #tpu.memory_space<vmem>> -> memref<1x80x128xf32, #tpu.memory_space<vmem>>
      %dma_start3A_162 = tpu.memref_squeeze %dma_start3A_161 : memref<1x80x128xf32, #tpu.memory_space<vmem>> -> memref<80x128xf32, #tpu.memory_space<vmem>>
      %dma_start3A_163 = arith.constant 0 : i32
      %dma_start3A_164 = tpu.memref_slice %arg9[%add3A_157, %dma_start3A_163] : memref<50x80xi32, #tpu.memory_space<vmem>> -> memref<1x80xi32, #tpu.memory_space<vmem>>
      %dma_start3A_165 = tpu.memref_squeeze %dma_start3A_164 : memref<1x80xi32, #tpu.memory_space<vmem>> -> memref<80xi32, #tpu.memory_space<vmem>>
      %dma_start3A_166 = arith.constant 0 : i32
      %dma_start3A_167 = arith.constant 0 : i32
      %dma_start3A_168 = tpu.memref_slice %arg12[%dma_start3A_166, %dma_start3A_167] : memref<10240x128xf32, #tpu.memory_space<vmem_shared>> -> memref<10240x128xf32, #tpu.memory_space<vmem_shared>>
      tpu.enqueue_indirect_dma source(%dma_start3A_162 : memref<80x128xf32, #tpu.memory_space<vmem>>) target(%dma_start3A_168 : memref<10240x128xf32, #tpu.memory_space<vmem_shared>>) offsets(%dma_start3A_165 : memref<80xi32, #tpu.memory_space<vmem>>) semaphore(%arg15 : memref<!tpu.dma_semaphore, #tpu.memory_space<semaphore_mem>>) {add = true}
      %mul3A_169 = arith.constant 25 : i32
      %mul3A_170 = arith.muli %rem3A_78, %mul3A_169 : i32
      %add3A_171 = arith.constant 24 : i32
      %add3A_172 = arith.addi %mul3A_170, %add3A_171 : i32
      %get3A = arith.index_cast %add3A_172 : i32 to index
      %get3A_173 = arith.constant 0 : index
      %get3A_174 = tpu.vector_load %arg9[%get3A, %get3A_173] {strides = array<i32>} : memref<50x80xi32, #tpu.memory_space<vmem>>, vector<16xi32>,
      tpu.vector_store_idx %arg11[%get3A_174], %broadcast_in_dim3A_56 {add = true} : memref<10240xf32, #tpu.memory_space<vmem>>[vector<16xi32>], vector<16xf32>,
      %mul3A_175 = arith.constant 25 : i32
      %mul3A_176 = arith.muli %rem3A_78, %mul3A_175 : i32
      %add3A_177 = arith.constant 24 : i32
      %add3A_178 = arith.addi %mul3A_176, %add3A_177 : i32
      %get3A_179 = arith.index_cast %add3A_178 : i32 to index
      %get3A_180 = arith.constant 16 : index
      %get3A_181 = tpu.vector_load %arg9[%get3A_179, %get3A_180] {strides = array<i32>} : memref<50x80xi32, #tpu.memory_space<vmem>>, vector<16xi32>,
      tpu.vector_store_idx %arg11[%get3A_181], %broadcast_in_dim3A_56 {add = true} : memref<10240xf32, #tpu.memory_space<vmem>>[vector<16xi32>], vector<16xf32>,
      %mul3A_182 = arith.constant 25 : i32
      %mul3A_183 = arith.muli %rem3A_78, %mul3A_182 : i32
      %add3A_184 = arith.constant 24 : i32
      %add3A_185 = arith.addi %mul3A_183, %add3A_184 : i32
      %get3A_186 = arith.index_cast %add3A_185 : i32 to index
      %get3A_187 = arith.constant 32 : index
      %get3A_188 = tpu.vector_load %arg9[%get3A_186, %get3A_187] {strides = array<i32>} : memref<50x80xi32, #tpu.memory_space<vmem>>, vector<16xi32>,
      tpu.vector_store_idx %arg11[%get3A_188], %broadcast_in_dim3A_56 {add = true} : memref<10240xf32, #tpu.memory_space<vmem>>[vector<16xi32>], vector<16xf32>,
      %mul3A_189 = arith.constant 25 : i32
      %mul3A_190 = arith.muli %rem3A_78, %mul3A_189 : i32
      %add3A_191 = arith.constant 24 : i32
      %add3A_192 = arith.addi %mul3A_190, %add3A_191 : i32
      %get3A_193 = arith.index_cast %add3A_192 : i32 to index
      %get3A_194 = arith.constant 48 : index
      %get3A_195 = tpu.vector_load %arg9[%get3A_193, %get3A_194] {strides = array<i32>} : memref<50x80xi32, #tpu.memory_space<vmem>>, vector<16xi32>,
      tpu.vector_store_idx %arg11[%get3A_195], %broadcast_in_dim3A_56 {add = true} : memref<10240xf32, #tpu.memory_space<vmem>>[vector<16xi32>], vector<16xf32>,
      %mul3A_196 = arith.constant 25 : i32
      %mul3A_197 = arith.muli %rem3A_78, %mul3A_196 : i32
      %add3A_198 = arith.constant 24 : i32
      %add3A_199 = arith.addi %mul3A_197, %add3A_198 : i32
      %get3A_200 = arith.index_cast %add3A_199 : i32 to index
      %get3A_201 = arith.constant 64 : index
      %get3A_202 = tpu.vector_load %arg9[%get3A_200, %get3A_201] {strides = array<i32>} : memref<50x80xi32, #tpu.memory_space<vmem>>, vector<16xi32>,
      tpu.vector_store_idx %arg11[%get3A_202], %broadcast_in_dim3A_56 {add = true} : memref<10240xf32, #tpu.memory_space<vmem>>[vector<16xi32>], vector<16xf32>,
      %min3A_203 = arith.constant 24 : i32
      %min3A_204 = arith.constant 24 : i32
      %min3A_205 = arith.minsi %min3A_203, %min3A_204 : i32
      %mul3A_206 = arith.constant 2000 : i32
      %mul3A_207 = arith.muli %rem3A_78, %mul3A_206 : i32
      %mul3A_208 = arith.constant 80 : i32
      %mul3A_209 = arith.muli %min3A_205, %mul3A_208 : i32
      %add3A_210 = arith.addi %mul3A_207, %mul3A_209 : i32
      %dma_wait3A_211 = arith.constant 1 : i32
      %dma_wait3A_212 = arith.constant 0 : i32
      %dma_wait3A_213 = arith.constant 0 : i32
      %dma_wait3A_214 = tpu.memref_slice %arg10[%dma_wait3A_211, %dma_wait3A_212, %dma_wait3A_213] : memref<2x80x128xf32, #tpu.memory_space<vmem>> -> memref<1x80x128xf32, #tpu.memory_space<vmem>>
      %dma_wait3A_215 = tpu.memref_squeeze %dma_wait3A_214 : memref<1x80x128xf32, #tpu.memory_space<vmem>> -> memref<80x128xf32, #tpu.memory_space<vmem>>
      %dma_wait3A_216 = tpu.memref_slice %arg7[%add3A_210] : memref<4000xi32, #tpu.memory_space<vmem>> -> memref<80xi32, #tpu.memory_space<vmem>>
      %dma_wait3A_217 = arith.constant 0 : i32
      %dma_wait3A_218 = arith.constant 0 : i32
      %dma_wait3A_219 = tpu.memref_slice %arg2[%dma_wait3A_217, %dma_wait3A_218] : memref<10000x128xf32, #tpu.memory_space<hbm>> -> memref<10000x128xf32, #tpu.memory_space<hbm>>
      tpu.wait_indirect_dma semaphore(%arg14 : memref<!tpu.dma_semaphore, #tpu.memory_space<semaphore_mem>>) src(%dma_wait3A_219 : memref<10000x128xf32, #tpu.memory_space<hbm>>) dst(%dma_wait3A_215 : memref<80x128xf32, #tpu.memory_space<vmem>>)
      %mul3A_220 = arith.constant 25 : i32
      %mul3A_221 = arith.muli %rem3A_78, %mul3A_220 : i32
      %add3A_222 = arith.constant 24 : i32
      %add3A_223 = arith.addi %mul3A_221, %add3A_222 : i32
      %dma_wait3A_224 = arith.constant 0 : i32
      %dma_wait3A_225 = arith.constant 0 : i32
      %dma_wait3A_226 = arith.constant 0 : i32
      %dma_wait3A_227 = tpu.memref_slice %arg10[%dma_wait3A_224, %dma_wait3A_225, %dma_wait3A_226] : memref<2x80x128xf32, #tpu.memory_space<vmem>> -> memref<1x80x128xf32, #tpu.memory_space<vmem>>
      %dma_wait3A_228 = tpu.memref_squeeze %dma_wait3A_227 : memref<1x80x128xf32, #tpu.memory_space<vmem>> -> memref<80x128xf32, #tpu.memory_space<vmem>>
      %dma_wait3A_229 = arith.constant 0 : i32
      %dma_wait3A_230 = tpu.memref_slice %arg9[%add3A_223, %dma_wait3A_229] : memref<50x80xi32, #tpu.memory_space<vmem>> -> memref<1x80xi32, #tpu.memory_space<vmem>>
      %dma_wait3A_231 = tpu.memref_squeeze %dma_wait3A_230 : memref<1x80xi32, #tpu.memory_space<vmem>> -> memref<80xi32, #tpu.memory_space<vmem>>
      %dma_wait3A_232 = arith.constant 0 : i32
      %dma_wait3A_233 = arith.constant 0 : i32
      %dma_wait3A_234 = tpu.memref_slice %arg12[%dma_wait3A_232, %dma_wait3A_233] : memref<10240x128xf32, #tpu.memory_space<vmem_shared>> -> memref<10240x128xf32, #tpu.memory_space<vmem_shared>>
      tpu.wait_indirect_dma semaphore(%arg15 : memref<!tpu.dma_semaphore, #tpu.memory_space<semaphore_mem>>) src(%dma_wait3A_228 : memref<80x128xf32, #tpu.memory_space<vmem>>) dst(%dma_wait3A_234 : memref<10240x128xf32, #tpu.memory_space<vmem_shared>>)
      %mul3A_235 = arith.constant 2000 : i32
      %mul3A_236 = arith.muli %sub3A_79, %mul3A_235 : i32
      %dma_wait3A_237 = tpu.memref_slice %arg7[%mul3A_236] : memref<4000xi32, #tpu.memory_space<vmem>> -> memref<2000xi32, #tpu.memory_space<vmem>>
      %dma_wait3A_238 = tpu.memref_slice %arg3[%add3A_85] : memref<320000xi32, #tpu.memory_space<hbm>> -> memref<2000xi32, #tpu.memory_space<hbm>>
      %dma_wait3A_239 = tpu.memref_slice %arg7[%mul3A_236] : memref<4000xi32, #tpu.memory_space<vmem>> -> memref<2000xi32, #tpu.memory_space<vmem>>
      %dma_wait3A_240 = tpu.memref_slice %arg3[%add3A_85] : memref<320000xi32, #tpu.memory_space<hbm>> -> memref<2000xi32, #tpu.memory_space<hbm>>
      tpu.wait_dma2 semaphore(%arg17 : memref<!tpu.dma_semaphore, #tpu.memory_space<semaphore_mem>>) src(%dma_wait3A_240 : memref<2000xi32, #tpu.memory_space<hbm>>) dst(%dma_wait3A_239 : memref<2000xi32, #tpu.memory_space<vmem>>)
      %mul3A_241 = arith.constant 2000 : i32
      %mul3A_242 = arith.muli %sub3A_79, %mul3A_241 : i32
      %dma_wait3A_243 = tpu.memref_slice %arg8[%mul3A_242] : memref<4000xi32, #tpu.memory_space<vmem>> -> memref<2000xi32, #tpu.memory_space<vmem>>
      %dma_wait3A_244 = tpu.memref_slice %arg4[%add3A_85] : memref<320000xi32, #tpu.memory_space<hbm>> -> memref<2000xi32, #tpu.memory_space<hbm>>
      %dma_wait3A_245 = tpu.memref_slice %arg8[%mul3A_242] : memref<4000xi32, #tpu.memory_space<vmem>> -> memref<2000xi32, #tpu.memory_space<vmem>>
      %dma_wait3A_246 = tpu.memref_slice %arg4[%add3A_85] : memref<320000xi32, #tpu.memory_space<hbm>> -> memref<2000xi32, #tpu.memory_space<hbm>>
      tpu.wait_dma2 semaphore(%arg17 : memref<!tpu.dma_semaphore, #tpu.memory_space<semaphore_mem>>) src(%dma_wait3A_246 : memref<2000xi32, #tpu.memory_space<hbm>>) dst(%dma_wait3A_245 : memref<2000xi32, #tpu.memory_space<vmem>>)
      %scan3A_247 = arith.constant 0 : i32
      %scan3A_248 = arith.constant 0 : i32
      %scan3A_249 = arith.constant 125 : i32
      %scan3A_250 = arith.addi %scan3A_248, %scan3A_249 : i32
      %scan3A_251 = arith.constant 1 : i32
      %scan3A_252 = scf.for %scan3A_255 = %scan3A_248 to %scan3A_250 step %scan3A_251 iter_args(%scan3A_256 = %scan3A_247) -> (i32)  : i32 {
        %jit3A = arith.constant 5 : i32
        %div3A = arith.divsi %scan3A_255, %jit3A : i32
        %sign3A = arith.constant 0 : i32
        %sign3A_257 = arith.cmpi sgt, %scan3A_255, %sign3A : i32
        %sign3A_258 = arith.extui %sign3A_257 : i1 to i32
        %sign3A_259 = arith.constant 0 : i32
        %sign3A_260 = arith.cmpi slt, %scan3A_255, %sign3A_259 : i32
        %sign3A_261 = arith.extui %sign3A_260 : i1 to i32
        %sign3A_262 = arith.subi %sign3A_258, %sign3A_261 : i32
        %sign3A_263 = arith.constant 0 : i32
        %sign3A_264 = arith.cmpi sgt, %jit3A, %sign3A_263 : i32
        %sign3A_265 = arith.extui %sign3A_264 : i1 to i32
        %sign3A_266 = arith.constant 0 : i32
        %sign3A_267 = arith.cmpi slt, %jit3A, %sign3A_266 : i32
        %sign3A_268 = arith.extui %sign3A_267 : i1 to i32
        %sign3A_269 = arith.subi %sign3A_265, %sign3A_268 : i32
        %ne3A = arith.cmpi ne, %sign3A_262, %sign3A_269 : i32
        %rem3A_270 = arith.remsi %scan3A_255, %jit3A : i32
        %ne3A_271 = arith.constant 0 : i32
        %ne3A_272 = arith.cmpi ne, %rem3A_270, %ne3A_271 : i32
        %and3A = arith.andi %ne3A, %ne3A_272 : i1
        %sub3A_273 = arith.constant 1 : i32
        %sub3A_274 = arith.subi %div3A, %sub3A_273 : i32
        %select_n3A = arith.select %and3A, %sub3A_274, %div3A : i32
        %jit3A_275 = arith.constant 5 : i32
        %eq3A = arith.constant 0 : i32
        %eq3A_276 = arith.cmpi eq, %jit3A_275, %eq3A : i32
        %jit3A_277 = arith.constant 1 : i32
        %select_n3A_278 = arith.select %eq3A_276, %jit3A_277, %jit3A_275 : i32
        %rem3A_279 = arith.remsi %scan3A_255, %select_n3A_278 : i32
        %ne3A_280 = arith.constant 0 : i32
        %ne3A_281 = arith.cmpi ne, %rem3A_279, %ne3A_280 : i32
        %lt3A = arith.constant 0 : i32
        %lt3A_282 = arith.cmpi slt, %rem3A_279, %lt3A : i32
        %lt3A_283 = arith.constant 0 : i32
        %lt3A_284 = arith.cmpi slt, %select_n3A_278, %lt3A_283 : i32
        %ne3A_285 = arith.xori %lt3A_282, %lt3A_284 : i1
        %and3A_286 = arith.andi %ne3A_285, %ne3A_281 : i1
        %add3A_287 = arith.addi %rem3A_279, %select_n3A_278 : i32
        %select_n3A_288 = arith.select %and3A_286, %add3A_287, %rem3A_279 : i32
        %mul3A_289 = arith.constant 16 : i32
        %mul3A_290 = arith.muli %select_n3A_288, %mul3A_289 : i32
        %mul3A_291 = arith.constant 2000 : i32
        %mul3A_292 = arith.muli %sub3A_79, %mul3A_291 : i32
        %mul3A_293 = arith.constant 16 : i32
        %mul3A_294 = arith.muli %scan3A_255, %mul3A_293 : i32
        %add3A_295 = arith.addi %mul3A_292, %mul3A_294 : i32
        %get3A_296 = arith.index_cast %add3A_295 : i32 to index
        %get3A_297 = tpu.vector_load %arg8[%get3A_296] {strides = array<i32>} : memref<4000xi32, #tpu.memory_space<vmem>>, vector<16xi32>,
        %mul3A_298 = arith.constant 25 : i32
        %mul3A_299 = arith.muli %sub3A_79, %mul3A_298 : i32
        %add3A_300 = arith.addi %mul3A_299, %select_n3A : i32
        %swap3A = arith.index_cast %add3A_300 : i32 to index
        %swap3A_301 = arith.index_cast %mul3A_290 : i32 to index
        %swap3A_302 = tpu.vector_load %arg9[%swap3A, %swap3A_301] {strides = array<i32>} : memref<50x80xi32, #tpu.memory_space<vmem>>, vector<16xi32>,
        tpu.vector_store %arg9[%swap3A, %swap3A_301], %get3A_297 {strides = array<i32>} : memref<50x80xi32, #tpu.memory_space<vmem>>, vector<16xi32>,
        %scan3A_303 = arith.constant 0 : i32
        scf.yield %scan3A_303 : i32
      }
      %scan3A_253 = arith.constant 125 : i32
      %scan3A_254 = arith.constant 0 : i32
      scf.yield %scan3A_254 : i32
    }
    %scan3A_70 = arith.constant 5 : i32
    %barrier3A_71 = arith.constant 0 : index
    tpu.barrier barrier_id(%barrier3A_71)
    %mul3A_72 = arith.constant 640 : i32
    %mul3A_73 = arith.muli %arg1, %mul3A_72 : i32
    %mul3A_74 = arith.constant 640 : i32
    %mul3A_75 = arith.muli %arg1, %mul3A_74 : i32
    "tpu.region"() ({
      %run_scoped3A_76 = tpu.sem_alloc : memref<!tpu.dma_semaphore, #tpu.memory_space<semaphore_mem>>
      %dma_start3A = arith.constant 0 : i32
      %dma_start3A_77 = tpu.memref_slice %arg5[%arg0, %mul3A_75, %dma_start3A] : memref<2x10240x128xf32, #tpu.memory_space<hbm>> -> memref<1x640x128xf32, #tpu.memory_space<hbm>>
      %dma_start3A_78 = tpu.memref_squeeze %dma_start3A_77 : memref<1x640x128xf32, #tpu.memory_space<hbm>> -> memref<640x128xf32, #tpu.memory_space<hbm>>
      %dma_start3A_79 = arith.constant 0 : i32
      %dma_start3A_80 = tpu.memref_slice %arg12[%mul3A_73, %dma_start3A_79] : memref<10240x128xf32, #tpu.memory_space<vmem_shared>> -> memref<640x128xf32, #tpu.memory_space<vmem_shared>>
      tpu.enqueue_dma source(%dma_start3A_80 : memref<640x128xf32, #tpu.memory_space<vmem_shared>>) target(%dma_start3A_78 : memref<640x128xf32, #tpu.memory_space<hbm>>) target_semaphore(%run_scoped3A_76 : memref<!tpu.dma_semaphore, #tpu.memory_space<semaphore_mem>>)
      %dma_wait3A = arith.constant 0 : i32
      %dma_wait3A_81 = tpu.memref_slice %arg5[%arg0, %mul3A_75, %dma_wait3A] : memref<2x10240x128xf32, #tpu.memory_space<hbm>> -> memref<1x640x128xf32, #tpu.memory_space<hbm>>
      %dma_wait3A_82 = tpu.memref_squeeze %dma_wait3A_81 : memref<1x640x128xf32, #tpu.memory_space<hbm>> -> memref<640x128xf32, #tpu.memory_space<hbm>>
      %dma_wait3A_83 = arith.constant 0 : i32
      %dma_wait3A_84 = tpu.memref_slice %arg12[%mul3A_73, %dma_wait3A_83] : memref<10240x128xf32, #tpu.memory_space<vmem_shared>> -> memref<640x128xf32, #tpu.memory_space<vmem_shared>>
      tpu.wait_dma2 semaphore(%run_scoped3A_76 : memref<!tpu.dma_semaphore, #tpu.memory_space<semaphore_mem>>) src(%dma_wait3A_84 : memref<640x128xf32, #tpu.memory_space<vmem_shared>>) dst(%dma_wait3A_82 : memref<640x128xf32, #tpu.memory_space<hbm>>)
      tpu.yield
    }) : () -> ()
    "tpu.region"() ({
      %run_scoped3A_76 = tpu.sem_alloc : memref<!tpu.dma_semaphore, #tpu.memory_space<semaphore_mem>>
      %dma_start3A = arith.constant 0 : i32
      %dma_start3A_77 = tpu.memref_slice %arg6[%add3A, %dma_start3A] : memref<32x10240xf32, #tpu.memory_space<hbm>> -> memref<1x10240xf32, #tpu.memory_space<hbm>>
      %dma_start3A_78 = tpu.memref_squeeze %dma_start3A_77 : memref<1x10240xf32, #tpu.memory_space<hbm>> -> memref<10240xf32, #tpu.memory_space<hbm>>
      %dma_start3A_79 = arith.constant 0 : i32
      %dma_start3A_80 = tpu.memref_slice %arg6[%add3A, %dma_start3A_79] : memref<32x10240xf32, #tpu.memory_space<hbm>> -> memref<1x10240xf32, #tpu.memory_space<hbm>>
      %dma_start3A_81 = tpu.memref_squeeze %dma_start3A_80 : memref<1x10240xf32, #tpu.memory_space<hbm>> -> memref<10240xf32, #tpu.memory_space<hbm>>
      tpu.enqueue_dma source(%arg11 : memref<10240xf32, #tpu.memory_space<vmem>>) target(%dma_start3A_81 : memref<10240xf32, #tpu.memory_space<hbm>>) target_semaphore(%run_scoped3A_76 : memref<!tpu.dma_semaphore, #tpu.memory_space<semaphore_mem>>)
      %dma_wait3A = arith.constant 0 : i32
      %dma_wait3A_82 = tpu.memref_slice %arg6[%add3A, %dma_wait3A] : memref<32x10240xf32, #tpu.memory_space<hbm>> -> memref<1x10240xf32, #tpu.memory_space<hbm>>
      %dma_wait3A_83 = tpu.memref_squeeze %dma_wait3A_82 : memref<1x10240xf32, #tpu.memory_space<hbm>> -> memref<10240xf32, #tpu.memory_space<hbm>>
      %dma_wait3A_84 = arith.constant 0 : i32
      %dma_wait3A_85 = tpu.memref_slice %arg6[%add3A, %dma_wait3A_84] : memref<32x10240xf32, #tpu.memory_space<hbm>> -> memref<1x10240xf32, #tpu.memory_space<hbm>>
      %dma_wait3A_86 = tpu.memref_squeeze %dma_wait3A_85 : memref<1x10240xf32, #tpu.memory_space<hbm>> -> memref<10240xf32, #tpu.memory_space<hbm>>
      tpu.wait_dma2 semaphore(%run_scoped3A_76 : memref<!tpu.dma_semaphore, #tpu.memory_space<semaphore_mem>>) src(%arg11 : memref<10240xf32, #tpu.memory_space<vmem>>) dst(%dma_wait3A_86 : memref<10240xf32, #tpu.memory_space<hbm>>)
      tpu.yield
    }) : () -> ()
    return
  }
}

#map = affine_map<(d0, d1) -> (0, 0)>
#map1 = affine_map<(d0, d1) -> (0)>
#map2 = affine_map<(d0, d1) -> (0, 0, 0)>
module attributes {stable_mosaic.version = 14 : i64} {
  func.func @_segsum_body(%arg0: i32, %arg1: i32, %arg2: memref<10000x128xf32, #tpu.memory_space<hbm>>, %arg3: memref<320000xi32, #tpu.memory_space<hbm>>, %arg4: memref<320000xi32, #tpu.memory_space<hbm>>, %arg5: memref<2x10240x128xf32, #tpu.memory_space<hbm>>, %arg6: memref<4000xi32, #tpu.memory_space<vmem>>, %arg7: memref<4000xi32, #tpu.memory_space<vmem>>, %arg8: memref<50x80xi32, #tpu.memory_space<vmem>>, %arg9: memref<2x80x128xf32, #tpu.memory_space<vmem>>, %arg10: memref<10240x128xf32, #tpu.memory_space<vmem_shared>>, %arg11: memref<!tpu.dma_semaphore, #tpu.memory_space<semaphore_mem>>, %arg12: memref<!tpu.dma_semaphore, #tpu.memory_space<semaphore_mem>>, %arg13: memref<!tpu.dma_semaphore, #tpu.memory_space<semaphore_mem>>, %arg14: memref<!tpu.dma_semaphore, #tpu.memory_space<semaphore_mem>>, %arg15: memref<!tpu.dma_semaphore, #tpu.memory_space<semaphore_mem>>) attributes {dimension_semantics = [#tpu.dimension_semantics<core_parallel>, #tpu.dimension_semantics<subcore_parallel>], iteration_bounds = array<i64: 2, 16>, scalar_prefetch = 0 : i64, scratch_operands = 10 : i64, tpu.core_type = #tpu.core_type<sc_vector_subcore>, window_params = [{transform_indices = #map}, {transform_indices = #map1}, {transform_indices = #map1}, {transform_indices = #map2}]} {
    %mul3A = arith.constant 2 : i32
    %mul3A_0 = arith.muli %arg1, %mul3A : i32
    %add3A = arith.addi %mul3A_0, %arg0 : i32
    %mul3A_1 = arith.constant 10000 : i32
    %mul3A_2 = arith.muli %add3A, %mul3A_1 : i32
    %scan3A = arith.constant 0 : i32
    %scan3A_3 = arith.constant 0 : i32
    %scan3A_4 = arith.constant 0 : i32
    %scan3A_5 = arith.constant 640 : i32
    %scan3A_6 = arith.addi %scan3A_4, %scan3A_5 : i32
    %scan3A_7 = arith.constant 1 : i32
    %scan3A_8 = scf.for %scan3A_69 = %scan3A_4 to %scan3A_6 step %scan3A_7 iter_args(%scan3A_70 = %scan3A_3) -> (i32)  : i32 {
      %jit3A = arith.constant 8 : i32
      %div3A = arith.divsi %scan3A_69, %jit3A : i32
      %sign3A = arith.constant 0 : i32
      %sign3A_71 = arith.cmpi sgt, %scan3A_69, %sign3A : i32
      %sign3A_72 = arith.extui %sign3A_71 : i1 to i32
      %sign3A_73 = arith.constant 0 : i32
      %sign3A_74 = arith.cmpi slt, %scan3A_69, %sign3A_73 : i32
      %sign3A_75 = arith.extui %sign3A_74 : i1 to i32
      %sign3A_76 = arith.subi %sign3A_72, %sign3A_75 : i32
      %sign3A_77 = arith.constant 0 : i32
      %sign3A_78 = arith.cmpi sgt, %jit3A, %sign3A_77 : i32
      %sign3A_79 = arith.extui %sign3A_78 : i1 to i32
      %sign3A_80 = arith.constant 0 : i32
      %sign3A_81 = arith.cmpi slt, %jit3A, %sign3A_80 : i32
      %sign3A_82 = arith.extui %sign3A_81 : i1 to i32
      %sign3A_83 = arith.subi %sign3A_79, %sign3A_82 : i32
      %ne3A = arith.cmpi ne, %sign3A_76, %sign3A_83 : i32
      %rem3A = arith.remsi %scan3A_69, %jit3A : i32
      %ne3A_84 = arith.constant 0 : i32
      %ne3A_85 = arith.cmpi ne, %rem3A, %ne3A_84 : i32
      %and3A = arith.andi %ne3A, %ne3A_85 : i1
      %sub3A = arith.constant 1 : i32
      %sub3A_86 = arith.subi %div3A, %sub3A : i32
      %select_n3A = arith.select %and3A, %sub3A_86, %div3A : i32
      %jit3A_87 = arith.constant 8 : i32
      %eq3A = arith.constant 0 : i32
      %eq3A_88 = arith.cmpi eq, %jit3A_87, %eq3A : i32
      %jit3A_89 = arith.constant 1 : i32
      %select_n3A_90 = arith.select %eq3A_88, %jit3A_89, %jit3A_87 : i32
      %rem3A_91 = arith.remsi %scan3A_69, %select_n3A_90 : i32
      %ne3A_92 = arith.constant 0 : i32
      %ne3A_93 = arith.cmpi ne, %rem3A_91, %ne3A_92 : i32
      %lt3A = arith.constant 0 : i32
      %lt3A_94 = arith.cmpi slt, %rem3A_91, %lt3A : i32
      %lt3A_95 = arith.constant 0 : i32
      %lt3A_96 = arith.cmpi slt, %select_n3A_90, %lt3A_95 : i32
      %ne3A_97 = arith.xori %lt3A_94, %lt3A_96 : i1
      %and3A_98 = arith.andi %ne3A_97, %ne3A_93 : i1
      %add3A_99 = arith.addi %rem3A_91, %select_n3A_90 : i32
      %select_n3A_100 = arith.select %and3A_98, %add3A_99, %rem3A_91 : i32
      %mul3A_101 = arith.constant 16 : i32
      %mul3A_102 = arith.muli %select_n3A_100, %mul3A_101 : i32
      %broadcast_in_dim3A_103 = arith.constant 0.000000e+00 : f32
      %broadcast_in_dim3A_104 = vector.broadcast %broadcast_in_dim3A_103 : f32 to vector<16xf32>
      %swap3A = arith.constant 0 : i32
      %swap3A_105 = arith.constant 0 : i32
      %swap3A_106 = tpu.memref_slice %arg9[%scan3A, %swap3A, %swap3A_105] : memref<2x80x128xf32, #tpu.memory_space<vmem>> -> memref<1x80x128xf32, #tpu.memory_space<vmem>>
      %swap3A_107 = tpu.memref_squeeze %swap3A_106 : memref<1x80x128xf32, #tpu.memory_space<vmem>> -> memref<80x128xf32, #tpu.memory_space<vmem>>
      %swap3A_108 = arith.index_cast %select_n3A : i32 to index
      %swap3A_109 = arith.index_cast %mul3A_102 : i32 to index
      %swap3A_110 = tpu.vector_load %swap3A_107[%swap3A_108, %swap3A_109] {strides = array<i32>} : memref<80x128xf32, #tpu.memory_space<vmem>>, vector<16xf32>,
      tpu.vector_store %swap3A_107[%swap3A_108, %swap3A_109], %broadcast_in_dim3A_104 {strides = array<i32>} : memref<80x128xf32, #tpu.memory_space<vmem>>, vector<16xf32>,
      %scan3A_111 = arith.constant 0 : i32
      scf.yield %scan3A_111 : i32
    }
    %scan3A_9 = arith.constant 640 : i32
    %mul3A_10 = arith.constant 640 : i32
    %mul3A_11 = arith.muli %arg1, %mul3A_10 : i32
    %add3A_12 = arith.constant 0 : i32
    %add3A_13 = arith.addi %mul3A_11, %add3A_12 : i32
    %run_scoped3A = arith.constant 0 : i32
    "tpu.region"() ({
      %run_scoped3A_69 = tpu.sem_alloc : memref<!tpu.dma_semaphore, #tpu.memory_space<semaphore_mem>>
      %dma_start3A = arith.constant 0 : i32
      %dma_start3A_70 = arith.constant 0 : i32
      %dma_start3A_71 = tpu.memref_slice %arg9[%run_scoped3A, %dma_start3A, %dma_start3A_70] : memref<2x80x128xf32, #tpu.memory_space<vmem>> -> memref<1x80x128xf32, #tpu.memory_space<vmem>>
      %dma_start3A_72 = tpu.memref_squeeze %dma_start3A_71 : memref<1x80x128xf32, #tpu.memory_space<vmem>> -> memref<80x128xf32, #tpu.memory_space<vmem>>
      %dma_start3A_73 = arith.constant 0 : i32
      %dma_start3A_74 = tpu.memref_slice %arg10[%add3A_13, %dma_start3A_73] : memref<10240x128xf32, #tpu.memory_space<vmem_shared>> -> memref<80x128xf32, #tpu.memory_space<vmem_shared>>
      %dma_start3A_75 = arith.constant 0 : i32
      %dma_start3A_76 = tpu.memref_slice %arg10[%add3A_13, %dma_start3A_75] : memref<10240x128xf32, #tpu.memory_space<vmem_shared>> -> memref<80x128xf32, #tpu.memory_space<vmem_shared>>
      %dma_start3A_77 = arith.constant 0 : i32
      %dma_start3A_78 = arith.constant 0 : i32
      %dma_start3A_79 = tpu.memref_slice %arg9[%run_scoped3A, %dma_start3A_77, %dma_start3A_78] : memref<2x80x128xf32, #tpu.memory_space<vmem>> -> memref<1x80x128xf32, #tpu.memory_space<vmem>>
      %dma_start3A_80 = tpu.memref_squeeze %dma_start3A_79 : memref<1x80x128xf32, #tpu.memory_space<vmem>> -> memref<80x128xf32, #tpu.memory_space<vmem>>
      tpu.enqueue_dma source(%dma_start3A_80 : memref<80x128xf32, #tpu.memory_space<vmem>>) target(%dma_start3A_76 : memref<80x128xf32, #tpu.memory_space<vmem_shared>>) target_semaphore(%run_scoped3A_69 : memref<!tpu.dma_semaphore, #tpu.memory_space<semaphore_mem>>)
      %dma_wait3A = arith.constant 0 : i32
      %dma_wait3A_81 = arith.constant 0 : i32
      %dma_wait3A_82 = tpu.memref_slice %arg9[%run_scoped3A, %dma_wait3A, %dma_wait3A_81] : memref<2x80x128xf32, #tpu.memory_space<vmem>> -> memref<1x80x128xf32, #tpu.memory_space<vmem>>
      %dma_wait3A_83 = tpu.memref_squeeze %dma_wait3A_82 : memref<1x80x128xf32, #tpu.memory_space<vmem>> -> memref<80x128xf32, #tpu.memory_space<vmem>>
      %dma_wait3A_84 = arith.constant 0 : i32
      %dma_wait3A_85 = tpu.memref_slice %arg10[%add3A_13, %dma_wait3A_84] : memref<10240x128xf32, #tpu.memory_space<vmem_shared>> -> memref<80x128xf32, #tpu.memory_space<vmem_shared>>
      %dma_wait3A_86 = arith.constant 0 : i32
      %dma_wait3A_87 = tpu.memref_slice %arg10[%add3A_13, %dma_wait3A_86] : memref<10240x128xf32, #tpu.memory_space<vmem_shared>> -> memref<80x128xf32, #tpu.memory_space<vmem_shared>>
      %dma_wait3A_88 = arith.constant 0 : i32
      %dma_wait3A_89 = arith.constant 0 : i32
      %dma_wait3A_90 = tpu.memref_slice %arg9[%run_scoped3A, %dma_wait3A_88, %dma_wait3A_89] : memref<2x80x128xf32, #tpu.memory_space<vmem>> -> memref<1x80x128xf32, #tpu.memory_space<vmem>>
      %dma_wait3A_91 = tpu.memref_squeeze %dma_wait3A_90 : memref<1x80x128xf32, #tpu.memory_space<vmem>> -> memref<80x128xf32, #tpu.memory_space<vmem>>
      tpu.wait_dma2 semaphore(%run_scoped3A_69 : memref<!tpu.dma_semaphore, #tpu.memory_space<semaphore_mem>>) src(%dma_wait3A_91 : memref<80x128xf32, #tpu.memory_space<vmem>>) dst(%dma_wait3A_87 : memref<80x128xf32, #tpu.memory_space<vmem_shared>>)
      tpu.yield
    }) : () -> ()
    %mul3A_14 = arith.constant 640 : i32
    %mul3A_15 = arith.muli %arg1, %mul3A_14 : i32
    %add3A_16 = arith.constant 80 : i32
    %add3A_17 = arith.addi %mul3A_15, %add3A_16 : i32
    %run_scoped3A_18 = arith.constant 0 : i32
    "tpu.region"() ({
      %run_scoped3A_69 = tpu.sem_alloc : memref<!tpu.dma_semaphore, #tpu.memory_space<semaphore_mem>>
      %dma_start3A = arith.constant 0 : i32
      %dma_start3A_70 = arith.constant 0 : i32
      %dma_start3A_71 = tpu.memref_slice %arg9[%run_scoped3A_18, %dma_start3A, %dma_start3A_70] : memref<2x80x128xf32, #tpu.memory_space<vmem>> -> memref<1x80x128xf32, #tpu.memory_space<vmem>>
      %dma_start3A_72 = tpu.memref_squeeze %dma_start3A_71 : memref<1x80x128xf32, #tpu.memory_space<vmem>> -> memref<80x128xf32, #tpu.memory_space<vmem>>
      %dma_start3A_73 = arith.constant 0 : i32
      %dma_start3A_74 = tpu.memref_slice %arg10[%add3A_17, %dma_start3A_73] : memref<10240x128xf32, #tpu.memory_space<vmem_shared>> -> memref<80x128xf32, #tpu.memory_space<vmem_shared>>
      %dma_start3A_75 = arith.constant 0 : i32
      %dma_start3A_76 = tpu.memref_slice %arg10[%add3A_17, %dma_start3A_75] : memref<10240x128xf32, #tpu.memory_space<vmem_shared>> -> memref<80x128xf32, #tpu.memory_space<vmem_shared>>
      %dma_start3A_77 = arith.constant 0 : i32
      %dma_start3A_78 = arith.constant 0 : i32
      %dma_start3A_79 = tpu.memref_slice %arg9[%run_scoped3A_18, %dma_start3A_77, %dma_start3A_78] : memref<2x80x128xf32, #tpu.memory_space<vmem>> -> memref<1x80x128xf32, #tpu.memory_space<vmem>>
      %dma_start3A_80 = tpu.memref_squeeze %dma_start3A_79 : memref<1x80x128xf32, #tpu.memory_space<vmem>> -> memref<80x128xf32, #tpu.memory_space<vmem>>
      tpu.enqueue_dma source(%dma_start3A_80 : memref<80x128xf32, #tpu.memory_space<vmem>>) target(%dma_start3A_76 : memref<80x128xf32, #tpu.memory_space<vmem_shared>>) target_semaphore(%run_scoped3A_69 : memref<!tpu.dma_semaphore, #tpu.memory_space<semaphore_mem>>)
      %dma_wait3A = arith.constant 0 : i32
      %dma_wait3A_81 = arith.constant 0 : i32
      %dma_wait3A_82 = tpu.memref_slice %arg9[%run_scoped3A_18, %dma_wait3A, %dma_wait3A_81] : memref<2x80x128xf32, #tpu.memory_space<vmem>> -> memref<1x80x128xf32, #tpu.memory_space<vmem>>
      %dma_wait3A_83 = tpu.memref_squeeze %dma_wait3A_82 : memref<1x80x128xf32, #tpu.memory_space<vmem>> -> memref<80x128xf32, #tpu.memory_space<vmem>>
      %dma_wait3A_84 = arith.constant 0 : i32
      %dma_wait3A_85 = tpu.memref_slice %arg10[%add3A_17, %dma_wait3A_84] : memref<10240x128xf32, #tpu.memory_space<vmem_shared>> -> memref<80x128xf32, #tpu.memory_space<vmem_shared>>
      %dma_wait3A_86 = arith.constant 0 : i32
      %dma_wait3A_87 = tpu.memref_slice %arg10[%add3A_17, %dma_wait3A_86] : memref<10240x128xf32, #tpu.memory_space<vmem_shared>> -> memref<80x128xf32, #tpu.memory_space<vmem_shared>>
      %dma_wait3A_88 = arith.constant 0 : i32
      %dma_wait3A_89 = arith.constant 0 : i32
      %dma_wait3A_90 = tpu.memref_slice %arg9[%run_scoped3A_18, %dma_wait3A_88, %dma_wait3A_89] : memref<2x80x128xf32, #tpu.memory_space<vmem>> -> memref<1x80x128xf32, #tpu.memory_space<vmem>>
      %dma_wait3A_91 = tpu.memref_squeeze %dma_wait3A_90 : memref<1x80x128xf32, #tpu.memory_space<vmem>> -> memref<80x128xf32, #tpu.memory_space<vmem>>
      tpu.wait_dma2 semaphore(%run_scoped3A_69 : memref<!tpu.dma_semaphore, #tpu.memory_space<semaphore_mem>>) src(%dma_wait3A_91 : memref<80x128xf32, #tpu.memory_space<vmem>>) dst(%dma_wait3A_87 : memref<80x128xf32, #tpu.memory_space<vmem_shared>>)
      tpu.yield
    }) : () -> ()
    %mul3A_19 = arith.constant 640 : i32
    %mul3A_20 = arith.muli %arg1, %mul3A_19 : i32
    %add3A_21 = arith.constant 160 : i32
    %add3A_22 = arith.addi %mul3A_20, %add3A_21 : i32
    %run_scoped3A_23 = arith.constant 0 : i32
    "tpu.region"() ({
      %run_scoped3A_69 = tpu.sem_alloc : memref<!tpu.dma_semaphore, #tpu.memory_space<semaphore_mem>>
      %dma_start3A = arith.constant 0 : i32
      %dma_start3A_70 = arith.constant 0 : i32
      %dma_start3A_71 = tpu.memref_slice %arg9[%run_scoped3A_23, %dma_start3A, %dma_start3A_70] : memref<2x80x128xf32, #tpu.memory_space<vmem>> -> memref<1x80x128xf32, #tpu.memory_space<vmem>>
      %dma_start3A_72 = tpu.memref_squeeze %dma_start3A_71 : memref<1x80x128xf32, #tpu.memory_space<vmem>> -> memref<80x128xf32, #tpu.memory_space<vmem>>
      %dma_start3A_73 = arith.constant 0 : i32
      %dma_start3A_74 = tpu.memref_slice %arg10[%add3A_22, %dma_start3A_73] : memref<10240x128xf32, #tpu.memory_space<vmem_shared>> -> memref<80x128xf32, #tpu.memory_space<vmem_shared>>
      %dma_start3A_75 = arith.constant 0 : i32
      %dma_start3A_76 = tpu.memref_slice %arg10[%add3A_22, %dma_start3A_75] : memref<10240x128xf32, #tpu.memory_space<vmem_shared>> -> memref<80x128xf32, #tpu.memory_space<vmem_shared>>
      %dma_start3A_77 = arith.constant 0 : i32
      %dma_start3A_78 = arith.constant 0 : i32
      %dma_start3A_79 = tpu.memref_slice %arg9[%run_scoped3A_23, %dma_start3A_77, %dma_start3A_78] : memref<2x80x128xf32, #tpu.memory_space<vmem>> -> memref<1x80x128xf32, #tpu.memory_space<vmem>>
      %dma_start3A_80 = tpu.memref_squeeze %dma_start3A_79 : memref<1x80x128xf32, #tpu.memory_space<vmem>> -> memref<80x128xf32, #tpu.memory_space<vmem>>
      tpu.enqueue_dma source(%dma_start3A_80 : memref<80x128xf32, #tpu.memory_space<vmem>>) target(%dma_start3A_76 : memref<80x128xf32, #tpu.memory_space<vmem_shared>>) target_semaphore(%run_scoped3A_69 : memref<!tpu.dma_semaphore, #tpu.memory_space<semaphore_mem>>)
      %dma_wait3A = arith.constant 0 : i32
      %dma_wait3A_81 = arith.constant 0 : i32
      %dma_wait3A_82 = tpu.memref_slice %arg9[%run_scoped3A_23, %dma_wait3A, %dma_wait3A_81] : memref<2x80x128xf32, #tpu.memory_space<vmem>> -> memref<1x80x128xf32, #tpu.memory_space<vmem>>
      %dma_wait3A_83 = tpu.memref_squeeze %dma_wait3A_82 : memref<1x80x128xf32, #tpu.memory_space<vmem>> -> memref<80x128xf32, #tpu.memory_space<vmem>>
      %dma_wait3A_84 = arith.constant 0 : i32
      %dma_wait3A_85 = tpu.memref_slice %arg10[%add3A_22, %dma_wait3A_84] : memref<10240x128xf32, #tpu.memory_space<vmem_shared>> -> memref<80x128xf32, #tpu.memory_space<vmem_shared>>
      %dma_wait3A_86 = arith.constant 0 : i32
      %dma_wait3A_87 = tpu.memref_slice %arg10[%add3A_22, %dma_wait3A_86] : memref<10240x128xf32, #tpu.memory_space<vmem_shared>> -> memref<80x128xf32, #tpu.memory_space<vmem_shared>>
      %dma_wait3A_88 = arith.constant 0 : i32
      %dma_wait3A_89 = arith.constant 0 : i32
      %dma_wait3A_90 = tpu.memref_slice %arg9[%run_scoped3A_23, %dma_wait3A_88, %dma_wait3A_89] : memref<2x80x128xf32, #tpu.memory_space<vmem>> -> memref<1x80x128xf32, #tpu.memory_space<vmem>>
      %dma_wait3A_91 = tpu.memref_squeeze %dma_wait3A_90 : memref<1x80x128xf32, #tpu.memory_space<vmem>> -> memref<80x128xf32, #tpu.memory_space<vmem>>
      tpu.wait_dma2 semaphore(%run_scoped3A_69 : memref<!tpu.dma_semaphore, #tpu.memory_space<semaphore_mem>>) src(%dma_wait3A_91 : memref<80x128xf32, #tpu.memory_space<vmem>>) dst(%dma_wait3A_87 : memref<80x128xf32, #tpu.memory_space<vmem_shared>>)
      tpu.yield
    }) : () -> ()
    %mul3A_24 = arith.constant 640 : i32
    %mul3A_25 = arith.muli %arg1, %mul3A_24 : i32
    %add3A_26 = arith.constant 240 : i32
    %add3A_27 = arith.addi %mul3A_25, %add3A_26 : i32
    %run_scoped3A_28 = arith.constant 0 : i32
    "tpu.region"() ({
      %run_scoped3A_69 = tpu.sem_alloc : memref<!tpu.dma_semaphore, #tpu.memory_space<semaphore_mem>>
      %dma_start3A = arith.constant 0 : i32
      %dma_start3A_70 = arith.constant 0 : i32
      %dma_start3A_71 = tpu.memref_slice %arg9[%run_scoped3A_28, %dma_start3A, %dma_start3A_70] : memref<2x80x128xf32, #tpu.memory_space<vmem>> -> memref<1x80x128xf32, #tpu.memory_space<vmem>>
      %dma_start3A_72 = tpu.memref_squeeze %dma_start3A_71 : memref<1x80x128xf32, #tpu.memory_space<vmem>> -> memref<80x128xf32, #tpu.memory_space<vmem>>
      %dma_start3A_73 = arith.constant 0 : i32
      %dma_start3A_74 = tpu.memref_slice %arg10[%add3A_27, %dma_start3A_73] : memref<10240x128xf32, #tpu.memory_space<vmem_shared>> -> memref<80x128xf32, #tpu.memory_space<vmem_shared>>
      %dma_start3A_75 = arith.constant 0 : i32
      %dma_start3A_76 = tpu.memref_slice %arg10[%add3A_27, %dma_start3A_75] : memref<10240x128xf32, #tpu.memory_space<vmem_shared>> -> memref<80x128xf32, #tpu.memory_space<vmem_shared>>
      %dma_start3A_77 = arith.constant 0 : i32
      %dma_start3A_78 = arith.constant 0 : i32
      %dma_start3A_79 = tpu.memref_slice %arg9[%run_scoped3A_28, %dma_start3A_77, %dma_start3A_78] : memref<2x80x128xf32, #tpu.memory_space<vmem>> -> memref<1x80x128xf32, #tpu.memory_space<vmem>>
      %dma_start3A_80 = tpu.memref_squeeze %dma_start3A_79 : memref<1x80x128xf32, #tpu.memory_space<vmem>> -> memref<80x128xf32, #tpu.memory_space<vmem>>
      tpu.enqueue_dma source(%dma_start3A_80 : memref<80x128xf32, #tpu.memory_space<vmem>>) target(%dma_start3A_76 : memref<80x128xf32, #tpu.memory_space<vmem_shared>>) target_semaphore(%run_scoped3A_69 : memref<!tpu.dma_semaphore, #tpu.memory_space<semaphore_mem>>)
      %dma_wait3A = arith.constant 0 : i32
      %dma_wait3A_81 = arith.constant 0 : i32
      %dma_wait3A_82 = tpu.memref_slice %arg9[%run_scoped3A_28, %dma_wait3A, %dma_wait3A_81] : memref<2x80x128xf32, #tpu.memory_space<vmem>> -> memref<1x80x128xf32, #tpu.memory_space<vmem>>
      %dma_wait3A_83 = tpu.memref_squeeze %dma_wait3A_82 : memref<1x80x128xf32, #tpu.memory_space<vmem>> -> memref<80x128xf32, #tpu.memory_space<vmem>>
      %dma_wait3A_84 = arith.constant 0 : i32
      %dma_wait3A_85 = tpu.memref_slice %arg10[%add3A_27, %dma_wait3A_84] : memref<10240x128xf32, #tpu.memory_space<vmem_shared>> -> memref<80x128xf32, #tpu.memory_space<vmem_shared>>
      %dma_wait3A_86 = arith.constant 0 : i32
      %dma_wait3A_87 = tpu.memref_slice %arg10[%add3A_27, %dma_wait3A_86] : memref<10240x128xf32, #tpu.memory_space<vmem_shared>> -> memref<80x128xf32, #tpu.memory_space<vmem_shared>>
      %dma_wait3A_88 = arith.constant 0 : i32
      %dma_wait3A_89 = arith.constant 0 : i32
      %dma_wait3A_90 = tpu.memref_slice %arg9[%run_scoped3A_28, %dma_wait3A_88, %dma_wait3A_89] : memref<2x80x128xf32, #tpu.memory_space<vmem>> -> memref<1x80x128xf32, #tpu.memory_space<vmem>>
      %dma_wait3A_91 = tpu.memref_squeeze %dma_wait3A_90 : memref<1x80x128xf32, #tpu.memory_space<vmem>> -> memref<80x128xf32, #tpu.memory_space<vmem>>
      tpu.wait_dma2 semaphore(%run_scoped3A_69 : memref<!tpu.dma_semaphore, #tpu.memory_space<semaphore_mem>>) src(%dma_wait3A_91 : memref<80x128xf32, #tpu.memory_space<vmem>>) dst(%dma_wait3A_87 : memref<80x128xf32, #tpu.memory_space<vmem_shared>>)
      tpu.yield
    }) : () -> ()
    %mul3A_29 = arith.constant 640 : i32
    %mul3A_30 = arith.muli %arg1, %mul3A_29 : i32
    %add3A_31 = arith.constant 320 : i32
    %add3A_32 = arith.addi %mul3A_30, %add3A_31 : i32
    %run_scoped3A_33 = arith.constant 0 : i32
    "tpu.region"() ({
      %run_scoped3A_69 = tpu.sem_alloc : memref<!tpu.dma_semaphore, #tpu.memory_space<semaphore_mem>>
      %dma_start3A = arith.constant 0 : i32
      %dma_start3A_70 = arith.constant 0 : i32
      %dma_start3A_71 = tpu.memref_slice %arg9[%run_scoped3A_33, %dma_start3A, %dma_start3A_70] : memref<2x80x128xf32, #tpu.memory_space<vmem>> -> memref<1x80x128xf32, #tpu.memory_space<vmem>>
      %dma_start3A_72 = tpu.memref_squeeze %dma_start3A_71 : memref<1x80x128xf32, #tpu.memory_space<vmem>> -> memref<80x128xf32, #tpu.memory_space<vmem>>
      %dma_start3A_73 = arith.constant 0 : i32
      %dma_start3A_74 = tpu.memref_slice %arg10[%add3A_32, %dma_start3A_73] : memref<10240x128xf32, #tpu.memory_space<vmem_shared>> -> memref<80x128xf32, #tpu.memory_space<vmem_shared>>
      %dma_start3A_75 = arith.constant 0 : i32
      %dma_start3A_76 = tpu.memref_slice %arg10[%add3A_32, %dma_start3A_75] : memref<10240x128xf32, #tpu.memory_space<vmem_shared>> -> memref<80x128xf32, #tpu.memory_space<vmem_shared>>
      %dma_start3A_77 = arith.constant 0 : i32
      %dma_start3A_78 = arith.constant 0 : i32
      %dma_start3A_79 = tpu.memref_slice %arg9[%run_scoped3A_33, %dma_start3A_77, %dma_start3A_78] : memref<2x80x128xf32, #tpu.memory_space<vmem>> -> memref<1x80x128xf32, #tpu.memory_space<vmem>>
      %dma_start3A_80 = tpu.memref_squeeze %dma_start3A_79 : memref<1x80x128xf32, #tpu.memory_space<vmem>> -> memref<80x128xf32, #tpu.memory_space<vmem>>
      tpu.enqueue_dma source(%dma_start3A_80 : memref<80x128xf32, #tpu.memory_space<vmem>>) target(%dma_start3A_76 : memref<80x128xf32, #tpu.memory_space<vmem_shared>>) target_semaphore(%run_scoped3A_69 : memref<!tpu.dma_semaphore, #tpu.memory_space<semaphore_mem>>)
      %dma_wait3A = arith.constant 0 : i32
      %dma_wait3A_81 = arith.constant 0 : i32
      %dma_wait3A_82 = tpu.memref_slice %arg9[%run_scoped3A_33, %dma_wait3A, %dma_wait3A_81] : memref<2x80x128xf32, #tpu.memory_space<vmem>> -> memref<1x80x128xf32, #tpu.memory_space<vmem>>
      %dma_wait3A_83 = tpu.memref_squeeze %dma_wait3A_82 : memref<1x80x128xf32, #tpu.memory_space<vmem>> -> memref<80x128xf32, #tpu.memory_space<vmem>>
      %dma_wait3A_84 = arith.constant 0 : i32
      %dma_wait3A_85 = tpu.memref_slice %arg10[%add3A_32, %dma_wait3A_84] : memref<10240x128xf32, #tpu.memory_space<vmem_shared>> -> memref<80x128xf32, #tpu.memory_space<vmem_shared>>
      %dma_wait3A_86 = arith.constant 0 : i32
      %dma_wait3A_87 = tpu.memref_slice %arg10[%add3A_32, %dma_wait3A_86] : memref<10240x128xf32, #tpu.memory_space<vmem_shared>> -> memref<80x128xf32, #tpu.memory_space<vmem_shared>>
      %dma_wait3A_88 = arith.constant 0 : i32
      %dma_wait3A_89 = arith.constant 0 : i32
      %dma_wait3A_90 = tpu.memref_slice %arg9[%run_scoped3A_33, %dma_wait3A_88, %dma_wait3A_89] : memref<2x80x128xf32, #tpu.memory_space<vmem>> -> memref<1x80x128xf32, #tpu.memory_space<vmem>>
      %dma_wait3A_91 = tpu.memref_squeeze %dma_wait3A_90 : memref<1x80x128xf32, #tpu.memory_space<vmem>> -> memref<80x128xf32, #tpu.memory_space<vmem>>
      tpu.wait_dma2 semaphore(%run_scoped3A_69 : memref<!tpu.dma_semaphore, #tpu.memory_space<semaphore_mem>>) src(%dma_wait3A_91 : memref<80x128xf32, #tpu.memory_space<vmem>>) dst(%dma_wait3A_87 : memref<80x128xf32, #tpu.memory_space<vmem_shared>>)
      tpu.yield
    }) : () -> ()
    %mul3A_34 = arith.constant 640 : i32
    %mul3A_35 = arith.muli %arg1, %mul3A_34 : i32
    %add3A_36 = arith.constant 400 : i32
    %add3A_37 = arith.addi %mul3A_35, %add3A_36 : i32
    %run_scoped3A_38 = arith.constant 0 : i32
    "tpu.region"() ({
      %run_scoped3A_69 = tpu.sem_alloc : memref<!tpu.dma_semaphore, #tpu.memory_space<semaphore_mem>>
      %dma_start3A = arith.constant 0 : i32
      %dma_start3A_70 = arith.constant 0 : i32
      %dma_start3A_71 = tpu.memref_slice %arg9[%run_scoped3A_38, %dma_start3A, %dma_start3A_70] : memref<2x80x128xf32, #tpu.memory_space<vmem>> -> memref<1x80x128xf32, #tpu.memory_space<vmem>>
      %dma_start3A_72 = tpu.memref_squeeze %dma_start3A_71 : memref<1x80x128xf32, #tpu.memory_space<vmem>> -> memref<80x128xf32, #tpu.memory_space<vmem>>
      %dma_start3A_73 = arith.constant 0 : i32
      %dma_start3A_74 = tpu.memref_slice %arg10[%add3A_37, %dma_start3A_73] : memref<10240x128xf32, #tpu.memory_space<vmem_shared>> -> memref<80x128xf32, #tpu.memory_space<vmem_shared>>
      %dma_start3A_75 = arith.constant 0 : i32
      %dma_start3A_76 = tpu.memref_slice %arg10[%add3A_37, %dma_start3A_75] : memref<10240x128xf32, #tpu.memory_space<vmem_shared>> -> memref<80x128xf32, #tpu.memory_space<vmem_shared>>
      %dma_start3A_77 = arith.constant 0 : i32
      %dma_start3A_78 = arith.constant 0 : i32
      %dma_start3A_79 = tpu.memref_slice %arg9[%run_scoped3A_38, %dma_start3A_77, %dma_start3A_78] : memref<2x80x128xf32, #tpu.memory_space<vmem>> -> memref<1x80x128xf32, #tpu.memory_space<vmem>>
      %dma_start3A_80 = tpu.memref_squeeze %dma_start3A_79 : memref<1x80x128xf32, #tpu.memory_space<vmem>> -> memref<80x128xf32, #tpu.memory_space<vmem>>
      tpu.enqueue_dma source(%dma_start3A_80 : memref<80x128xf32, #tpu.memory_space<vmem>>) target(%dma_start3A_76 : memref<80x128xf32, #tpu.memory_space<vmem_shared>>) target_semaphore(%run_scoped3A_69 : memref<!tpu.dma_semaphore, #tpu.memory_space<semaphore_mem>>)
      %dma_wait3A = arith.constant 0 : i32
      %dma_wait3A_81 = arith.constant 0 : i32
      %dma_wait3A_82 = tpu.memref_slice %arg9[%run_scoped3A_38, %dma_wait3A, %dma_wait3A_81] : memref<2x80x128xf32, #tpu.memory_space<vmem>> -> memref<1x80x128xf32, #tpu.memory_space<vmem>>
      %dma_wait3A_83 = tpu.memref_squeeze %dma_wait3A_82 : memref<1x80x128xf32, #tpu.memory_space<vmem>> -> memref<80x128xf32, #tpu.memory_space<vmem>>
      %dma_wait3A_84 = arith.constant 0 : i32
      %dma_wait3A_85 = tpu.memref_slice %arg10[%add3A_37, %dma_wait3A_84] : memref<10240x128xf32, #tpu.memory_space<vmem_shared>> -> memref<80x128xf32, #tpu.memory_space<vmem_shared>>
      %dma_wait3A_86 = arith.constant 0 : i32
      %dma_wait3A_87 = tpu.memref_slice %arg10[%add3A_37, %dma_wait3A_86] : memref<10240x128xf32, #tpu.memory_space<vmem_shared>> -> memref<80x128xf32, #tpu.memory_space<vmem_shared>>
      %dma_wait3A_88 = arith.constant 0 : i32
      %dma_wait3A_89 = arith.constant 0 : i32
      %dma_wait3A_90 = tpu.memref_slice %arg9[%run_scoped3A_38, %dma_wait3A_88, %dma_wait3A_89] : memref<2x80x128xf32, #tpu.memory_space<vmem>> -> memref<1x80x128xf32, #tpu.memory_space<vmem>>
      %dma_wait3A_91 = tpu.memref_squeeze %dma_wait3A_90 : memref<1x80x128xf32, #tpu.memory_space<vmem>> -> memref<80x128xf32, #tpu.memory_space<vmem>>
      tpu.wait_dma2 semaphore(%run_scoped3A_69 : memref<!tpu.dma_semaphore, #tpu.memory_space<semaphore_mem>>) src(%dma_wait3A_91 : memref<80x128xf32, #tpu.memory_space<vmem>>) dst(%dma_wait3A_87 : memref<80x128xf32, #tpu.memory_space<vmem_shared>>)
      tpu.yield
    }) : () -> ()
    %mul3A_39 = arith.constant 640 : i32
    %mul3A_40 = arith.muli %arg1, %mul3A_39 : i32
    %add3A_41 = arith.constant 480 : i32
    %add3A_42 = arith.addi %mul3A_40, %add3A_41 : i32
    %run_scoped3A_43 = arith.constant 0 : i32
    "tpu.region"() ({
      %run_scoped3A_69 = tpu.sem_alloc : memref<!tpu.dma_semaphore, #tpu.memory_space<semaphore_mem>>
      %dma_start3A = arith.constant 0 : i32
      %dma_start3A_70 = arith.constant 0 : i32
      %dma_start3A_71 = tpu.memref_slice %arg9[%run_scoped3A_43, %dma_start3A, %dma_start3A_70] : memref<2x80x128xf32, #tpu.memory_space<vmem>> -> memref<1x80x128xf32, #tpu.memory_space<vmem>>
      %dma_start3A_72 = tpu.memref_squeeze %dma_start3A_71 : memref<1x80x128xf32, #tpu.memory_space<vmem>> -> memref<80x128xf32, #tpu.memory_space<vmem>>
      %dma_start3A_73 = arith.constant 0 : i32
      %dma_start3A_74 = tpu.memref_slice %arg10[%add3A_42, %dma_start3A_73] : memref<10240x128xf32, #tpu.memory_space<vmem_shared>> -> memref<80x128xf32, #tpu.memory_space<vmem_shared>>
      %dma_start3A_75 = arith.constant 0 : i32
      %dma_start3A_76 = tpu.memref_slice %arg10[%add3A_42, %dma_start3A_75] : memref<10240x128xf32, #tpu.memory_space<vmem_shared>> -> memref<80x128xf32, #tpu.memory_space<vmem_shared>>
      %dma_start3A_77 = arith.constant 0 : i32
      %dma_start3A_78 = arith.constant 0 : i32
      %dma_start3A_79 = tpu.memref_slice %arg9[%run_scoped3A_43, %dma_start3A_77, %dma_start3A_78] : memref<2x80x128xf32, #tpu.memory_space<vmem>> -> memref<1x80x128xf32, #tpu.memory_space<vmem>>
      %dma_start3A_80 = tpu.memref_squeeze %dma_start3A_79 : memref<1x80x128xf32, #tpu.memory_space<vmem>> -> memref<80x128xf32, #tpu.memory_space<vmem>>
      tpu.enqueue_dma source(%dma_start3A_80 : memref<80x128xf32, #tpu.memory_space<vmem>>) target(%dma_start3A_76 : memref<80x128xf32, #tpu.memory_space<vmem_shared>>) target_semaphore(%run_scoped3A_69 : memref<!tpu.dma_semaphore, #tpu.memory_space<semaphore_mem>>)
      %dma_wait3A = arith.constant 0 : i32
      %dma_wait3A_81 = arith.constant 0 : i32
      %dma_wait3A_82 = tpu.memref_slice %arg9[%run_scoped3A_43, %dma_wait3A, %dma_wait3A_81] : memref<2x80x128xf32, #tpu.memory_space<vmem>> -> memref<1x80x128xf32, #tpu.memory_space<vmem>>
      %dma_wait3A_83 = tpu.memref_squeeze %dma_wait3A_82 : memref<1x80x128xf32, #tpu.memory_space<vmem>> -> memref<80x128xf32, #tpu.memory_space<vmem>>
      %dma_wait3A_84 = arith.constant 0 : i32
      %dma_wait3A_85 = tpu.memref_slice %arg10[%add3A_42, %dma_wait3A_84] : memref<10240x128xf32, #tpu.memory_space<vmem_shared>> -> memref<80x128xf32, #tpu.memory_space<vmem_shared>>
      %dma_wait3A_86 = arith.constant 0 : i32
      %dma_wait3A_87 = tpu.memref_slice %arg10[%add3A_42, %dma_wait3A_86] : memref<10240x128xf32, #tpu.memory_space<vmem_shared>> -> memref<80x128xf32, #tpu.memory_space<vmem_shared>>
      %dma_wait3A_88 = arith.constant 0 : i32
      %dma_wait3A_89 = arith.constant 0 : i32
      %dma_wait3A_90 = tpu.memref_slice %arg9[%run_scoped3A_43, %dma_wait3A_88, %dma_wait3A_89] : memref<2x80x128xf32, #tpu.memory_space<vmem>> -> memref<1x80x128xf32, #tpu.memory_space<vmem>>
      %dma_wait3A_91 = tpu.memref_squeeze %dma_wait3A_90 : memref<1x80x128xf32, #tpu.memory_space<vmem>> -> memref<80x128xf32, #tpu.memory_space<vmem>>
      tpu.wait_dma2 semaphore(%run_scoped3A_69 : memref<!tpu.dma_semaphore, #tpu.memory_space<semaphore_mem>>) src(%dma_wait3A_91 : memref<80x128xf32, #tpu.memory_space<vmem>>) dst(%dma_wait3A_87 : memref<80x128xf32, #tpu.memory_space<vmem_shared>>)
      tpu.yield
    }) : () -> ()
    %mul3A_44 = arith.constant 640 : i32
    %mul3A_45 = arith.muli %arg1, %mul3A_44 : i32
    %add3A_46 = arith.constant 560 : i32
    %add3A_47 = arith.addi %mul3A_45, %add3A_46 : i32
    %run_scoped3A_48 = arith.constant 0 : i32
    "tpu.region"() ({
      %run_scoped3A_69 = tpu.sem_alloc : memref<!tpu.dma_semaphore, #tpu.memory_space<semaphore_mem>>
      %dma_start3A = arith.constant 0 : i32
      %dma_start3A_70 = arith.constant 0 : i32
      %dma_start3A_71 = tpu.memref_slice %arg9[%run_scoped3A_48, %dma_start3A, %dma_start3A_70] : memref<2x80x128xf32, #tpu.memory_space<vmem>> -> memref<1x80x128xf32, #tpu.memory_space<vmem>>
      %dma_start3A_72 = tpu.memref_squeeze %dma_start3A_71 : memref<1x80x128xf32, #tpu.memory_space<vmem>> -> memref<80x128xf32, #tpu.memory_space<vmem>>
      %dma_start3A_73 = arith.constant 0 : i32
      %dma_start3A_74 = tpu.memref_slice %arg10[%add3A_47, %dma_start3A_73] : memref<10240x128xf32, #tpu.memory_space<vmem_shared>> -> memref<80x128xf32, #tpu.memory_space<vmem_shared>>
      %dma_start3A_75 = arith.constant 0 : i32
      %dma_start3A_76 = tpu.memref_slice %arg10[%add3A_47, %dma_start3A_75] : memref<10240x128xf32, #tpu.memory_space<vmem_shared>> -> memref<80x128xf32, #tpu.memory_space<vmem_shared>>
      %dma_start3A_77 = arith.constant 0 : i32
      %dma_start3A_78 = arith.constant 0 : i32
      %dma_start3A_79 = tpu.memref_slice %arg9[%run_scoped3A_48, %dma_start3A_77, %dma_start3A_78] : memref<2x80x128xf32, #tpu.memory_space<vmem>> -> memref<1x80x128xf32, #tpu.memory_space<vmem>>
      %dma_start3A_80 = tpu.memref_squeeze %dma_start3A_79 : memref<1x80x128xf32, #tpu.memory_space<vmem>> -> memref<80x128xf32, #tpu.memory_space<vmem>>
      tpu.enqueue_dma source(%dma_start3A_80 : memref<80x128xf32, #tpu.memory_space<vmem>>) target(%dma_start3A_76 : memref<80x128xf32, #tpu.memory_space<vmem_shared>>) target_semaphore(%run_scoped3A_69 : memref<!tpu.dma_semaphore, #tpu.memory_space<semaphore_mem>>)
      %dma_wait3A = arith.constant 0 : i32
      %dma_wait3A_81 = arith.constant 0 : i32
      %dma_wait3A_82 = tpu.memref_slice %arg9[%run_scoped3A_48, %dma_wait3A, %dma_wait3A_81] : memref<2x80x128xf32, #tpu.memory_space<vmem>> -> memref<1x80x128xf32, #tpu.memory_space<vmem>>
      %dma_wait3A_83 = tpu.memref_squeeze %dma_wait3A_82 : memref<1x80x128xf32, #tpu.memory_space<vmem>> -> memref<80x128xf32, #tpu.memory_space<vmem>>
      %dma_wait3A_84 = arith.constant 0 : i32
      %dma_wait3A_85 = tpu.memref_slice %arg10[%add3A_47, %dma_wait3A_84] : memref<10240x128xf32, #tpu.memory_space<vmem_shared>> -> memref<80x128xf32, #tpu.memory_space<vmem_shared>>
      %dma_wait3A_86 = arith.constant 0 : i32
      %dma_wait3A_87 = tpu.memref_slice %arg10[%add3A_47, %dma_wait3A_86] : memref<10240x128xf32, #tpu.memory_space<vmem_shared>> -> memref<80x128xf32, #tpu.memory_space<vmem_shared>>
      %dma_wait3A_88 = arith.constant 0 : i32
      %dma_wait3A_89 = arith.constant 0 : i32
      %dma_wait3A_90 = tpu.memref_slice %arg9[%run_scoped3A_48, %dma_wait3A_88, %dma_wait3A_89] : memref<2x80x128xf32, #tpu.memory_space<vmem>> -> memref<1x80x128xf32, #tpu.memory_space<vmem>>
      %dma_wait3A_91 = tpu.memref_squeeze %dma_wait3A_90 : memref<1x80x128xf32, #tpu.memory_space<vmem>> -> memref<80x128xf32, #tpu.memory_space<vmem>>
      tpu.wait_dma2 semaphore(%run_scoped3A_69 : memref<!tpu.dma_semaphore, #tpu.memory_space<semaphore_mem>>) src(%dma_wait3A_91 : memref<80x128xf32, #tpu.memory_space<vmem>>) dst(%dma_wait3A_87 : memref<80x128xf32, #tpu.memory_space<vmem_shared>>)
      tpu.yield
    }) : () -> ()
    %barrier3A = arith.constant 0 : index
    tpu.barrier barrier_id(%barrier3A)
    %broadcast_in_dim3A = arith.constant 1.000000e+00 : f32
    %broadcast_in_dim3A_49 = vector.broadcast %broadcast_in_dim3A : f32 to vector<16xf32>
    "tpu.region"() ({
      %run_scoped3A_69 = tpu.sem_alloc : memref<!tpu.dma_semaphore, #tpu.memory_space<semaphore_mem>>
      %dma_start3A = arith.constant 0 : i32
      %dma_start3A_70 = tpu.memref_slice %arg6[%dma_start3A] : memref<4000xi32, #tpu.memory_space<vmem>> -> memref<2000xi32, #tpu.memory_space<vmem>>
      %dma_start3A_71 = tpu.memref_slice %arg3[%mul3A_2] : memref<320000xi32, #tpu.memory_space<hbm>> -> memref<2000xi32, #tpu.memory_space<hbm>>
      %dma_start3A_72 = arith.constant 0 : i32
      %dma_start3A_73 = tpu.memref_slice %arg6[%dma_start3A_72] : memref<4000xi32, #tpu.memory_space<vmem>> -> memref<2000xi32, #tpu.memory_space<vmem>>
      %dma_start3A_74 = tpu.memref_slice %arg3[%mul3A_2] : memref<320000xi32, #tpu.memory_space<hbm>> -> memref<2000xi32, #tpu.memory_space<hbm>>
      tpu.enqueue_dma source(%dma_start3A_74 : memref<2000xi32, #tpu.memory_space<hbm>>) target(%dma_start3A_73 : memref<2000xi32, #tpu.memory_space<vmem>>) target_semaphore(%run_scoped3A_69 : memref<!tpu.dma_semaphore, #tpu.memory_space<semaphore_mem>>)
      %dma_wait3A = arith.constant 0 : i32
      %dma_wait3A_75 = tpu.memref_slice %arg6[%dma_wait3A] : memref<4000xi32, #tpu.memory_space<vmem>> -> memref<2000xi32, #tpu.memory_space<vmem>>
      %dma_wait3A_76 = tpu.memref_slice %arg3[%mul3A_2] : memref<320000xi32, #tpu.memory_space<hbm>> -> memref<2000xi32, #tpu.memory_space<hbm>>
      %dma_wait3A_77 = arith.constant 0 : i32
      %dma_wait3A_78 = tpu.memref_slice %arg6[%dma_wait3A_77] : memref<4000xi32, #tpu.memory_space<vmem>> -> memref<2000xi32, #tpu.memory_space<vmem>>
      %dma_wait3A_79 = tpu.memref_slice %arg3[%mul3A_2] : memref<320000xi32, #tpu.memory_space<hbm>> -> memref<2000xi32, #tpu.memory_space<hbm>>
      tpu.wait_dma2 semaphore(%run_scoped3A_69 : memref<!tpu.dma_semaphore, #tpu.memory_space<semaphore_mem>>) src(%dma_wait3A_79 : memref<2000xi32, #tpu.memory_space<hbm>>) dst(%dma_wait3A_78 : memref<2000xi32, #tpu.memory_space<vmem>>)
      tpu.yield
    }) : () -> ()
    "tpu.region"() ({
      %run_scoped3A_69 = tpu.sem_alloc : memref<!tpu.dma_semaphore, #tpu.memory_space<semaphore_mem>>
      %dma_start3A = arith.constant 0 : i32
      %dma_start3A_70 = tpu.memref_slice %arg7[%dma_start3A] : memref<4000xi32, #tpu.memory_space<vmem>> -> memref<2000xi32, #tpu.memory_space<vmem>>
      %dma_start3A_71 = tpu.memref_slice %arg4[%mul3A_2] : memref<320000xi32, #tpu.memory_space<hbm>> -> memref<2000xi32, #tpu.memory_space<hbm>>
      %dma_start3A_72 = arith.constant 0 : i32
      %dma_start3A_73 = tpu.memref_slice %arg7[%dma_start3A_72] : memref<4000xi32, #tpu.memory_space<vmem>> -> memref<2000xi32, #tpu.memory_space<vmem>>
      %dma_start3A_74 = tpu.memref_slice %arg4[%mul3A_2] : memref<320000xi32, #tpu.memory_space<hbm>> -> memref<2000xi32, #tpu.memory_space<hbm>>
      tpu.enqueue_dma source(%dma_start3A_74 : memref<2000xi32, #tpu.memory_space<hbm>>) target(%dma_start3A_73 : memref<2000xi32, #tpu.memory_space<vmem>>) target_semaphore(%run_scoped3A_69 : memref<!tpu.dma_semaphore, #tpu.memory_space<semaphore_mem>>)
      %dma_wait3A = arith.constant 0 : i32
      %dma_wait3A_75 = tpu.memref_slice %arg7[%dma_wait3A] : memref<4000xi32, #tpu.memory_space<vmem>> -> memref<2000xi32, #tpu.memory_space<vmem>>
      %dma_wait3A_76 = tpu.memref_slice %arg4[%mul3A_2] : memref<320000xi32, #tpu.memory_space<hbm>> -> memref<2000xi32, #tpu.memory_space<hbm>>
      %dma_wait3A_77 = arith.constant 0 : i32
      %dma_wait3A_78 = tpu.memref_slice %arg7[%dma_wait3A_77] : memref<4000xi32, #tpu.memory_space<vmem>> -> memref<2000xi32, #tpu.memory_space<vmem>>
      %dma_wait3A_79 = tpu.memref_slice %arg4[%mul3A_2] : memref<320000xi32, #tpu.memory_space<hbm>> -> memref<2000xi32, #tpu.memory_space<hbm>>
      tpu.wait_dma2 semaphore(%run_scoped3A_69 : memref<!tpu.dma_semaphore, #tpu.memory_space<semaphore_mem>>) src(%dma_wait3A_79 : memref<2000xi32, #tpu.memory_space<hbm>>) dst(%dma_wait3A_78 : memref<2000xi32, #tpu.memory_space<vmem>>)
      tpu.yield
    }) : () -> ()
    %scan3A_50 = arith.constant 0 : i32
    %scan3A_51 = arith.constant 0 : i32
    %scan3A_52 = arith.constant 125 : i32
    %scan3A_53 = arith.addi %scan3A_51, %scan3A_52 : i32
    %scan3A_54 = arith.constant 1 : i32
    %scan3A_55 = scf.for %scan3A_69 = %scan3A_51 to %scan3A_53 step %scan3A_54 iter_args(%scan3A_70 = %scan3A_50) -> (i32)  : i32 {
      %jit3A = arith.constant 5 : i32
      %div3A = arith.divsi %scan3A_69, %jit3A : i32
      %sign3A = arith.constant 0 : i32
      %sign3A_71 = arith.cmpi sgt, %scan3A_69, %sign3A : i32
      %sign3A_72 = arith.extui %sign3A_71 : i1 to i32
      %sign3A_73 = arith.constant 0 : i32
      %sign3A_74 = arith.cmpi slt, %scan3A_69, %sign3A_73 : i32
      %sign3A_75 = arith.extui %sign3A_74 : i1 to i32
      %sign3A_76 = arith.subi %sign3A_72, %sign3A_75 : i32
      %sign3A_77 = arith.constant 0 : i32
      %sign3A_78 = arith.cmpi sgt, %jit3A, %sign3A_77 : i32
      %sign3A_79 = arith.extui %sign3A_78 : i1 to i32
      %sign3A_80 = arith.constant 0 : i32
      %sign3A_81 = arith.cmpi slt, %jit3A, %sign3A_80 : i32
      %sign3A_82 = arith.extui %sign3A_81 : i1 to i32
      %sign3A_83 = arith.subi %sign3A_79, %sign3A_82 : i32
      %ne3A = arith.cmpi ne, %sign3A_76, %sign3A_83 : i32
      %rem3A = arith.remsi %scan3A_69, %jit3A : i32
      %ne3A_84 = arith.constant 0 : i32
      %ne3A_85 = arith.cmpi ne, %rem3A, %ne3A_84 : i32
      %and3A = arith.andi %ne3A, %ne3A_85 : i1
      %sub3A = arith.constant 1 : i32
      %sub3A_86 = arith.subi %div3A, %sub3A : i32
      %select_n3A = arith.select %and3A, %sub3A_86, %div3A : i32
      %jit3A_87 = arith.constant 5 : i32
      %eq3A = arith.constant 0 : i32
      %eq3A_88 = arith.cmpi eq, %jit3A_87, %eq3A : i32
      %jit3A_89 = arith.constant 1 : i32
      %select_n3A_90 = arith.select %eq3A_88, %jit3A_89, %jit3A_87 : i32
      %rem3A_91 = arith.remsi %scan3A_69, %select_n3A_90 : i32
      %ne3A_92 = arith.constant 0 : i32
      %ne3A_93 = arith.cmpi ne, %rem3A_91, %ne3A_92 : i32
      %lt3A = arith.constant 0 : i32
      %lt3A_94 = arith.cmpi slt, %rem3A_91, %lt3A : i32
      %lt3A_95 = arith.constant 0 : i32
      %lt3A_96 = arith.cmpi slt, %select_n3A_90, %lt3A_95 : i32
      %ne3A_97 = arith.xori %lt3A_94, %lt3A_96 : i1
      %and3A_98 = arith.andi %ne3A_97, %ne3A_93 : i1
      %add3A_99 = arith.addi %rem3A_91, %select_n3A_90 : i32
      %select_n3A_100 = arith.select %and3A_98, %add3A_99, %rem3A_91 : i32
      %mul3A_101 = arith.constant 16 : i32
      %mul3A_102 = arith.muli %select_n3A_100, %mul3A_101 : i32
      %mul3A_103 = arith.constant 16 : i32
      %mul3A_104 = arith.muli %scan3A_69, %mul3A_103 : i32
      %add3A_105 = arith.constant 0 : i32
      %add3A_106 = arith.addi %add3A_105, %mul3A_104 : i32
      %get3A = arith.index_cast %add3A_106 : i32 to index
      %get3A_107 = tpu.vector_load %arg7[%get3A] {strides = array<i32>} : memref<4000xi32, #tpu.memory_space<vmem>>, vector<16xi32>,
      %add3A_108 = arith.constant 0 : i32
      %add3A_109 = arith.addi %add3A_108, %select_n3A : i32
      %swap3A = arith.index_cast %add3A_109 : i32 to index
      %swap3A_110 = arith.index_cast %mul3A_102 : i32 to index
      %swap3A_111 = tpu.vector_load %arg8[%swap3A, %swap3A_110] {strides = array<i32>} : memref<50x80xi32, #tpu.memory_space<vmem>>, vector<16xi32>,
      tpu.vector_store %arg8[%swap3A, %swap3A_110], %get3A_107 {strides = array<i32>} : memref<50x80xi32, #tpu.memory_space<vmem>>, vector<16xi32>,
      %scan3A_112 = arith.constant 0 : i32
      scf.yield %scan3A_112 : i32
    }
    %scan3A_56 = arith.constant 125 : i32
    %scan3A_57 = arith.constant 0 : i32
    %scan3A_58 = arith.constant 0 : i32
    %scan3A_59 = arith.constant 5 : i32
    %scan3A_60 = arith.addi %scan3A_58, %scan3A_59 : i32
    %scan3A_61 = arith.constant 1 : i32
    %scan3A_62 = scf.for %scan3A_69 = %scan3A_58 to %scan3A_60 step %scan3A_61 iter_args(%scan3A_70 = %scan3A_57) -> (i32)  : i32 {
      %rem3A = arith.constant 2 : i32
      %rem3A_71 = arith.remsi %scan3A_69, %rem3A : i32
      %sub3A = arith.constant 1 : i32
      %sub3A_72 = arith.subi %sub3A, %rem3A_71 : i32
      %add3A_73 = arith.constant 1 : i32
      %add3A_74 = arith.addi %scan3A_69, %add3A_73 : i32
      %min3A = arith.constant 4 : i32
      %min3A_75 = arith.minsi %add3A_74, %min3A : i32
      %mul3A_76 = arith.constant 2000 : i32
      %mul3A_77 = arith.muli %min3A_75, %mul3A_76 : i32
      %add3A_78 = arith.addi %mul3A_2, %mul3A_77 : i32
      %mul3A_79 = arith.constant 2000 : i32
      %mul3A_80 = arith.muli %sub3A_72, %mul3A_79 : i32
      %dma_start3A = tpu.memref_slice %arg6[%mul3A_80] : memref<4000xi32, #tpu.memory_space<vmem>> -> memref<2000xi32, #tpu.memory_space<vmem>>
      %dma_start3A_81 = tpu.memref_slice %arg3[%add3A_78] : memref<320000xi32, #tpu.memory_space<hbm>> -> memref<2000xi32, #tpu.memory_space<hbm>>
      %dma_start3A_82 = tpu.memref_slice %arg6[%mul3A_80] : memref<4000xi32, #tpu.memory_space<vmem>> -> memref<2000xi32, #tpu.memory_space<vmem>>
      %dma_start3A_83 = tpu.memref_slice %arg3[%add3A_78] : memref<320000xi32, #tpu.memory_space<hbm>> -> memref<2000xi32, #tpu.memory_space<hbm>>
      tpu.enqueue_dma source(%dma_start3A_83 : memref<2000xi32, #tpu.memory_space<hbm>>) target(%dma_start3A_82 : memref<2000xi32, #tpu.memory_space<vmem>>) target_semaphore(%arg15 : memref<!tpu.dma_semaphore, #tpu.memory_space<semaphore_mem>>)
      %mul3A_84 = arith.constant 2000 : i32
      %mul3A_85 = arith.muli %sub3A_72, %mul3A_84 : i32
      %dma_start3A_86 = tpu.memref_slice %arg7[%mul3A_85] : memref<4000xi32, #tpu.memory_space<vmem>> -> memref<2000xi32, #tpu.memory_space<vmem>>
      %dma_start3A_87 = tpu.memref_slice %arg4[%add3A_78] : memref<320000xi32, #tpu.memory_space<hbm>> -> memref<2000xi32, #tpu.memory_space<hbm>>
      %dma_start3A_88 = tpu.memref_slice %arg7[%mul3A_85] : memref<4000xi32, #tpu.memory_space<vmem>> -> memref<2000xi32, #tpu.memory_space<vmem>>
      %dma_start3A_89 = tpu.memref_slice %arg4[%add3A_78] : memref<320000xi32, #tpu.memory_space<hbm>> -> memref<2000xi32, #tpu.memory_space<hbm>>
      tpu.enqueue_dma source(%dma_start3A_89 : memref<2000xi32, #tpu.memory_space<hbm>>) target(%dma_start3A_88 : memref<2000xi32, #tpu.memory_space<vmem>>) target_semaphore(%arg15 : memref<!tpu.dma_semaphore, #tpu.memory_space<semaphore_mem>>)
      %min3A_90 = arith.constant 0 : i32
      %min3A_91 = arith.constant 24 : i32
      %min3A_92 = arith.minsi %min3A_90, %min3A_91 : i32
      %mul3A_93 = arith.constant 2000 : i32
      %mul3A_94 = arith.muli %rem3A_71, %mul3A_93 : i32
      %mul3A_95 = arith.constant 80 : i32
      %mul3A_96 = arith.muli %min3A_92, %mul3A_95 : i32
      %add3A_97 = arith.addi %mul3A_94, %mul3A_96 : i32
      %dma_start3A_98 = arith.constant 0 : i32
      %dma_start3A_99 = arith.constant 0 : i32
      %dma_start3A_100 = arith.constant 0 : i32
      %dma_start3A_101 = tpu.memref_slice %arg9[%dma_start3A_98, %dma_start3A_99, %dma_start3A_100] : memref<2x80x128xf32, #tpu.memory_space<vmem>> -> memref<1x80x128xf32, #tpu.memory_space<vmem>>
      %dma_start3A_102 = tpu.memref_squeeze %dma_start3A_101 : memref<1x80x128xf32, #tpu.memory_space<vmem>> -> memref<80x128xf32, #tpu.memory_space<vmem>>
      %dma_start3A_103 = tpu.memref_slice %arg6[%add3A_97] : memref<4000xi32, #tpu.memory_space<vmem>> -> memref<80xi32, #tpu.memory_space<vmem>>
      %dma_start3A_104 = arith.constant 0 : i32
      %dma_start3A_105 = arith.constant 0 : i32
      %dma_start3A_106 = tpu.memref_slice %arg2[%dma_start3A_104, %dma_start3A_105] : memref<10000x128xf32, #tpu.memory_space<hbm>> -> memref<10000x128xf32, #tpu.memory_space<hbm>>
      tpu.enqueue_indirect_dma source(%dma_start3A_106 : memref<10000x128xf32, #tpu.memory_space<hbm>>) target(%dma_start3A_102 : memref<80x128xf32, #tpu.memory_space<vmem>>) offsets(%dma_start3A_103 : memref<80xi32, #tpu.memory_space<vmem>>) semaphore(%arg11 : memref<!tpu.dma_semaphore, #tpu.memory_space<semaphore_mem>>)
      %min3A_107 = arith.constant 1 : i32
      %min3A_108 = arith.constant 24 : i32
      %min3A_109 = arith.minsi %min3A_107, %min3A_108 : i32
      %mul3A_110 = arith.constant 2000 : i32
      %mul3A_111 = arith.muli %rem3A_71, %mul3A_110 : i32
      %mul3A_112 = arith.constant 80 : i32
      %mul3A_113 = arith.muli %min3A_109, %mul3A_112 : i32
      %add3A_114 = arith.addi %mul3A_111, %mul3A_113 : i32
      %dma_start3A_115 = arith.constant 1 : i32
      %dma_start3A_116 = arith.constant 0 : i32
      %dma_start3A_117 = arith.constant 0 : i32
      %dma_start3A_118 = tpu.memref_slice %arg9[%dma_start3A_115, %dma_start3A_116, %dma_start3A_117] : memref<2x80x128xf32, #tpu.memory_space<vmem>> -> memref<1x80x128xf32, #tpu.memory_space<vmem>>
      %dma_start3A_119 = tpu.memref_squeeze %dma_start3A_118 : memref<1x80x128xf32, #tpu.memory_space<vmem>> -> memref<80x128xf32, #tpu.memory_space<vmem>>
      %dma_start3A_120 = tpu.memref_slice %arg6[%add3A_114] : memref<4000xi32, #tpu.memory_space<vmem>> -> memref<80xi32, #tpu.memory_space<vmem>>
      %dma_start3A_121 = arith.constant 0 : i32
      %dma_start3A_122 = arith.constant 0 : i32
      %dma_start3A_123 = tpu.memref_slice %arg2[%dma_start3A_121, %dma_start3A_122] : memref<10000x128xf32, #tpu.memory_space<hbm>> -> memref<10000x128xf32, #tpu.memory_space<hbm>>
      tpu.enqueue_indirect_dma source(%dma_start3A_123 : memref<10000x128xf32, #tpu.memory_space<hbm>>) target(%dma_start3A_119 : memref<80x128xf32, #tpu.memory_space<vmem>>) offsets(%dma_start3A_120 : memref<80xi32, #tpu.memory_space<vmem>>) semaphore(%arg12 : memref<!tpu.dma_semaphore, #tpu.memory_space<semaphore_mem>>)
      %scan3A_124 = arith.constant 0 : i32
      %scan3A_125 = arith.constant 0 : i32
      %scan3A_126 = arith.constant 12 : i32
      %scan3A_127 = arith.addi %scan3A_125, %scan3A_126 : i32
      %scan3A_128 = arith.constant 1 : i32
      %scan3A_129 = scf.for %scan3A_214 = %scan3A_125 to %scan3A_127 step %scan3A_128 iter_args(%scan3A_215 = %scan3A_124) -> (i32)  : i32 {
        %mul3A_216 = arith.constant 2 : i32
        %mul3A_217 = arith.muli %scan3A_214, %mul3A_216 : i32
        %min3A_218 = arith.constant 24 : i32
        %min3A_219 = arith.minsi %mul3A_217, %min3A_218 : i32
        %mul3A_220 = arith.constant 2000 : i32
        %mul3A_221 = arith.muli %rem3A_71, %mul3A_220 : i32
        %mul3A_222 = arith.constant 80 : i32
        %mul3A_223 = arith.muli %min3A_219, %mul3A_222 : i32
        %add3A_224 = arith.addi %mul3A_221, %mul3A_223 : i32
        %dma_wait3A_225 = arith.constant 0 : i32
        %dma_wait3A_226 = arith.constant 0 : i32
        %dma_wait3A_227 = arith.constant 0 : i32
        %dma_wait3A_228 = tpu.memref_slice %arg9[%dma_wait3A_225, %dma_wait3A_226, %dma_wait3A_227] : memref<2x80x128xf32, #tpu.memory_space<vmem>> -> memref<1x80x128xf32, #tpu.memory_space<vmem>>
        %dma_wait3A_229 = tpu.memref_squeeze %dma_wait3A_228 : memref<1x80x128xf32, #tpu.memory_space<vmem>> -> memref<80x128xf32, #tpu.memory_space<vmem>>
        %dma_wait3A_230 = tpu.memref_slice %arg6[%add3A_224] : memref<4000xi32, #tpu.memory_space<vmem>> -> memref<80xi32, #tpu.memory_space<vmem>>
        %dma_wait3A_231 = arith.constant 0 : i32
        %dma_wait3A_232 = arith.constant 0 : i32
        %dma_wait3A_233 = tpu.memref_slice %arg2[%dma_wait3A_231, %dma_wait3A_232] : memref<10000x128xf32, #tpu.memory_space<hbm>> -> memref<10000x128xf32, #tpu.memory_space<hbm>>
        tpu.wait_indirect_dma semaphore(%arg11 : memref<!tpu.dma_semaphore, #tpu.memory_space<semaphore_mem>>) src(%dma_wait3A_233 : memref<10000x128xf32, #tpu.memory_space<hbm>>) dst(%dma_wait3A_229 : memref<80x128xf32, #tpu.memory_space<vmem>>)
        %mul3A_234 = arith.constant 25 : i32
        %mul3A_235 = arith.muli %rem3A_71, %mul3A_234 : i32
        %add3A_236 = arith.addi %mul3A_235, %mul3A_217 : i32
        %dma_start3A_237 = arith.constant 0 : i32
        %dma_start3A_238 = arith.constant 0 : i32
        %dma_start3A_239 = arith.constant 0 : i32
        %dma_start3A_240 = tpu.memref_slice %arg9[%dma_start3A_237, %dma_start3A_238, %dma_start3A_239] : memref<2x80x128xf32, #tpu.memory_space<vmem>> -> memref<1x80x128xf32, #tpu.memory_space<vmem>>
        %dma_start3A_241 = tpu.memref_squeeze %dma_start3A_240 : memref<1x80x128xf32, #tpu.memory_space<vmem>> -> memref<80x128xf32, #tpu.memory_space<vmem>>
        %dma_start3A_242 = arith.constant 0 : i32
        %dma_start3A_243 = tpu.memref_slice %arg8[%add3A_236, %dma_start3A_242] : memref<50x80xi32, #tpu.memory_space<vmem>> -> memref<1x80xi32, #tpu.memory_space<vmem>>
        %dma_start3A_244 = tpu.memref_squeeze %dma_start3A_243 : memref<1x80xi32, #tpu.memory_space<vmem>> -> memref<80xi32, #tpu.memory_space<vmem>>
        %dma_start3A_245 = arith.constant 0 : i32
        %dma_start3A_246 = arith.constant 0 : i32
        %dma_start3A_247 = tpu.memref_slice %arg10[%dma_start3A_245, %dma_start3A_246] : memref<10240x128xf32, #tpu.memory_space<vmem_shared>> -> memref<10240x128xf32, #tpu.memory_space<vmem_shared>>
        tpu.enqueue_indirect_dma source(%dma_start3A_241 : memref<80x128xf32, #tpu.memory_space<vmem>>) target(%dma_start3A_247 : memref<10240x128xf32, #tpu.memory_space<vmem_shared>>) offsets(%dma_start3A_244 : memref<80xi32, #tpu.memory_space<vmem>>) semaphore(%arg13 : memref<!tpu.dma_semaphore, #tpu.memory_space<semaphore_mem>>) {add = true}
        %add3A_248 = arith.constant 1 : i32
        %add3A_249 = arith.addi %mul3A_217, %add3A_248 : i32
        %min3A_250 = arith.constant 24 : i32
        %min3A_251 = arith.minsi %add3A_249, %min3A_250 : i32
        %mul3A_252 = arith.constant 2000 : i32
        %mul3A_253 = arith.muli %rem3A_71, %mul3A_252 : i32
        %mul3A_254 = arith.constant 80 : i32
        %mul3A_255 = arith.muli %min3A_251, %mul3A_254 : i32
        %add3A_256 = arith.addi %mul3A_253, %mul3A_255 : i32
        %dma_wait3A_257 = arith.constant 1 : i32
        %dma_wait3A_258 = arith.constant 0 : i32
        %dma_wait3A_259 = arith.constant 0 : i32
        %dma_wait3A_260 = tpu.memref_slice %arg9[%dma_wait3A_257, %dma_wait3A_258, %dma_wait3A_259] : memref<2x80x128xf32, #tpu.memory_space<vmem>> -> memref<1x80x128xf32, #tpu.memory_space<vmem>>
        %dma_wait3A_261 = tpu.memref_squeeze %dma_wait3A_260 : memref<1x80x128xf32, #tpu.memory_space<vmem>> -> memref<80x128xf32, #tpu.memory_space<vmem>>
        %dma_wait3A_262 = tpu.memref_slice %arg6[%add3A_256] : memref<4000xi32, #tpu.memory_space<vmem>> -> memref<80xi32, #tpu.memory_space<vmem>>
        %dma_wait3A_263 = arith.constant 0 : i32
        %dma_wait3A_264 = arith.constant 0 : i32
        %dma_wait3A_265 = tpu.memref_slice %arg2[%dma_wait3A_263, %dma_wait3A_264] : memref<10000x128xf32, #tpu.memory_space<hbm>> -> memref<10000x128xf32, #tpu.memory_space<hbm>>
        tpu.wait_indirect_dma semaphore(%arg12 : memref<!tpu.dma_semaphore, #tpu.memory_space<semaphore_mem>>) src(%dma_wait3A_265 : memref<10000x128xf32, #tpu.memory_space<hbm>>) dst(%dma_wait3A_261 : memref<80x128xf32, #tpu.memory_space<vmem>>)
        %add3A_266 = arith.constant 1 : i32
        %add3A_267 = arith.addi %mul3A_217, %add3A_266 : i32
        %mul3A_268 = arith.constant 25 : i32
        %mul3A_269 = arith.muli %rem3A_71, %mul3A_268 : i32
        %add3A_270 = arith.addi %mul3A_269, %add3A_267 : i32
        %dma_start3A_271 = arith.constant 1 : i32
        %dma_start3A_272 = arith.constant 0 : i32
        %dma_start3A_273 = arith.constant 0 : i32
        %dma_start3A_274 = tpu.memref_slice %arg9[%dma_start3A_271, %dma_start3A_272, %dma_start3A_273] : memref<2x80x128xf32, #tpu.memory_space<vmem>> -> memref<1x80x128xf32, #tpu.memory_space<vmem>>
        %dma_start3A_275 = tpu.memref_squeeze %dma_start3A_274 : memref<1x80x128xf32, #tpu.memory_space<vmem>> -> memref<80x128xf32, #tpu.memory_space<vmem>>
        %dma_start3A_276 = arith.constant 0 : i32
        %dma_start3A_277 = tpu.memref_slice %arg8[%add3A_270, %dma_start3A_276] : memref<50x80xi32, #tpu.memory_space<vmem>> -> memref<1x80xi32, #tpu.memory_space<vmem>>
        %dma_start3A_278 = tpu.memref_squeeze %dma_start3A_277 : memref<1x80xi32, #tpu.memory_space<vmem>> -> memref<80xi32, #tpu.memory_space<vmem>>
        %dma_start3A_279 = arith.constant 0 : i32
        %dma_start3A_280 = arith.constant 0 : i32
        %dma_start3A_281 = tpu.memref_slice %arg10[%dma_start3A_279, %dma_start3A_280] : memref<10240x128xf32, #tpu.memory_space<vmem_shared>> -> memref<10240x128xf32, #tpu.memory_space<vmem_shared>>
        tpu.enqueue_indirect_dma source(%dma_start3A_275 : memref<80x128xf32, #tpu.memory_space<vmem>>) target(%dma_start3A_281 : memref<10240x128xf32, #tpu.memory_space<vmem_shared>>) offsets(%dma_start3A_278 : memref<80xi32, #tpu.memory_space<vmem>>) semaphore(%arg14 : memref<!tpu.dma_semaphore, #tpu.memory_space<semaphore_mem>>) {add = true}
        %mul3A_282 = arith.constant 25 : i32
        %mul3A_283 = arith.muli %rem3A_71, %mul3A_282 : i32
        %add3A_284 = arith.addi %mul3A_283, %mul3A_217 : i32
        %dma_wait3A_285 = arith.constant 0 : i32
        %dma_wait3A_286 = arith.constant 0 : i32
        %dma_wait3A_287 = arith.constant 0 : i32
        %dma_wait3A_288 = tpu.memref_slice %arg9[%dma_wait3A_285, %dma_wait3A_286, %dma_wait3A_287] : memref<2x80x128xf32, #tpu.memory_space<vmem>> -> memref<1x80x128xf32, #tpu.memory_space<vmem>>
        %dma_wait3A_289 = tpu.memref_squeeze %dma_wait3A_288 : memref<1x80x128xf32, #tpu.memory_space<vmem>> -> memref<80x128xf32, #tpu.memory_space<vmem>>
        %dma_wait3A_290 = arith.constant 0 : i32
        %dma_wait3A_291 = tpu.memref_slice %arg8[%add3A_284, %dma_wait3A_290] : memref<50x80xi32, #tpu.memory_space<vmem>> -> memref<1x80xi32, #tpu.memory_space<vmem>>
        %dma_wait3A_292 = tpu.memref_squeeze %dma_wait3A_291 : memref<1x80xi32, #tpu.memory_space<vmem>> -> memref<80xi32, #tpu.memory_space<vmem>>
        %dma_wait3A_293 = arith.constant 0 : i32
        %dma_wait3A_294 = arith.constant 0 : i32
        %dma_wait3A_295 = tpu.memref_slice %arg10[%dma_wait3A_293, %dma_wait3A_294] : memref<10240x128xf32, #tpu.memory_space<vmem_shared>> -> memref<10240x128xf32, #tpu.memory_space<vmem_shared>>
        tpu.wait_indirect_dma semaphore(%arg13 : memref<!tpu.dma_semaphore, #tpu.memory_space<semaphore_mem>>) src(%dma_wait3A_289 : memref<80x128xf32, #tpu.memory_space<vmem>>) dst(%dma_wait3A_295 : memref<10240x128xf32, #tpu.memory_space<vmem_shared>>)
        %add3A_296 = arith.constant 2 : i32
        %add3A_297 = arith.addi %mul3A_217, %add3A_296 : i32
        %min3A_298 = arith.constant 24 : i32
        %min3A_299 = arith.minsi %add3A_297, %min3A_298 : i32
        %mul3A_300 = arith.constant 2000 : i32
        %mul3A_301 = arith.muli %rem3A_71, %mul3A_300 : i32
        %mul3A_302 = arith.constant 80 : i32
        %mul3A_303 = arith.muli %min3A_299, %mul3A_302 : i32
        %add3A_304 = arith.addi %mul3A_301, %mul3A_303 : i32
        %dma_start3A_305 = arith.constant 0 : i32
        %dma_start3A_306 = arith.constant 0 : i32
        %dma_start3A_307 = arith.constant 0 : i32
        %dma_start3A_308 = tpu.memref_slice %arg9[%dma_start3A_305, %dma_start3A_306, %dma_start3A_307] : memref<2x80x128xf32, #tpu.memory_space<vmem>> -> memref<1x80x128xf32, #tpu.memory_space<vmem>>
        %dma_start3A_309 = tpu.memref_squeeze %dma_start3A_308 : memref<1x80x128xf32, #tpu.memory_space<vmem>> -> memref<80x128xf32, #tpu.memory_space<vmem>>
        %dma_start3A_310 = tpu.memref_slice %arg6[%add3A_304] : memref<4000xi32, #tpu.memory_space<vmem>> -> memref<80xi32, #tpu.memory_space<vmem>>
        %dma_start3A_311 = arith.constant 0 : i32
        %dma_start3A_312 = arith.constant 0 : i32
        %dma_start3A_313 = tpu.memref_slice %arg2[%dma_start3A_311, %dma_start3A_312] : memref<10000x128xf32, #tpu.memory_space<hbm>> -> memref<10000x128xf32, #tpu.memory_space<hbm>>
        tpu.enqueue_indirect_dma source(%dma_start3A_313 : memref<10000x128xf32, #tpu.memory_space<hbm>>) target(%dma_start3A_309 : memref<80x128xf32, #tpu.memory_space<vmem>>) offsets(%dma_start3A_310 : memref<80xi32, #tpu.memory_space<vmem>>) semaphore(%arg11 : memref<!tpu.dma_semaphore, #tpu.memory_space<semaphore_mem>>)
        %add3A_314 = arith.constant 1 : i32
        %add3A_315 = arith.addi %mul3A_217, %add3A_314 : i32
        %mul3A_316 = arith.constant 25 : i32
        %mul3A_317 = arith.muli %rem3A_71, %mul3A_316 : i32
        %add3A_318 = arith.addi %mul3A_317, %add3A_315 : i32
        %dma_wait3A_319 = arith.constant 1 : i32
        %dma_wait3A_320 = arith.constant 0 : i32
        %dma_wait3A_321 = arith.constant 0 : i32
        %dma_wait3A_322 = tpu.memref_slice %arg9[%dma_wait3A_319, %dma_wait3A_320, %dma_wait3A_321] : memref<2x80x128xf32, #tpu.memory_space<vmem>> -> memref<1x80x128xf32, #tpu.memory_space<vmem>>
        %dma_wait3A_323 = tpu.memref_squeeze %dma_wait3A_322 : memref<1x80x128xf32, #tpu.memory_space<vmem>> -> memref<80x128xf32, #tpu.memory_space<vmem>>
        %dma_wait3A_324 = arith.constant 0 : i32
        %dma_wait3A_325 = tpu.memref_slice %arg8[%add3A_318, %dma_wait3A_324] : memref<50x80xi32, #tpu.memory_space<vmem>> -> memref<1x80xi32, #tpu.memory_space<vmem>>
        %dma_wait3A_326 = tpu.memref_squeeze %dma_wait3A_325 : memref<1x80xi32, #tpu.memory_space<vmem>> -> memref<80xi32, #tpu.memory_space<vmem>>
        %dma_wait3A_327 = arith.constant 0 : i32
        %dma_wait3A_328 = arith.constant 0 : i32
        %dma_wait3A_329 = tpu.memref_slice %arg10[%dma_wait3A_327, %dma_wait3A_328] : memref<10240x128xf32, #tpu.memory_space<vmem_shared>> -> memref<10240x128xf32, #tpu.memory_space<vmem_shared>>
        tpu.wait_indirect_dma semaphore(%arg14 : memref<!tpu.dma_semaphore, #tpu.memory_space<semaphore_mem>>) src(%dma_wait3A_323 : memref<80x128xf32, #tpu.memory_space<vmem>>) dst(%dma_wait3A_329 : memref<10240x128xf32, #tpu.memory_space<vmem_shared>>)
        %add3A_330 = arith.constant 3 : i32
        %add3A_331 = arith.addi %mul3A_217, %add3A_330 : i32
        %min3A_332 = arith.constant 24 : i32
        %min3A_333 = arith.minsi %add3A_331, %min3A_332 : i32
        %mul3A_334 = arith.constant 2000 : i32
        %mul3A_335 = arith.muli %rem3A_71, %mul3A_334 : i32
        %mul3A_336 = arith.constant 80 : i32
        %mul3A_337 = arith.muli %min3A_333, %mul3A_336 : i32
        %add3A_338 = arith.addi %mul3A_335, %mul3A_337 : i32
        %dma_start3A_339 = arith.constant 1 : i32
        %dma_start3A_340 = arith.constant 0 : i32
        %dma_start3A_341 = arith.constant 0 : i32
        %dma_start3A_342 = tpu.memref_slice %arg9[%dma_start3A_339, %dma_start3A_340, %dma_start3A_341] : memref<2x80x128xf32, #tpu.memory_space<vmem>> -> memref<1x80x128xf32, #tpu.memory_space<vmem>>
        %dma_start3A_343 = tpu.memref_squeeze %dma_start3A_342 : memref<1x80x128xf32, #tpu.memory_space<vmem>> -> memref<80x128xf32, #tpu.memory_space<vmem>>
        %dma_start3A_344 = tpu.memref_slice %arg6[%add3A_338] : memref<4000xi32, #tpu.memory_space<vmem>> -> memref<80xi32, #tpu.memory_space<vmem>>
        %dma_start3A_345 = arith.constant 0 : i32
        %dma_start3A_346 = arith.constant 0 : i32
        %dma_start3A_347 = tpu.memref_slice %arg2[%dma_start3A_345, %dma_start3A_346] : memref<10000x128xf32, #tpu.memory_space<hbm>> -> memref<10000x128xf32, #tpu.memory_space<hbm>>
        tpu.enqueue_indirect_dma source(%dma_start3A_347 : memref<10000x128xf32, #tpu.memory_space<hbm>>) target(%dma_start3A_343 : memref<80x128xf32, #tpu.memory_space<vmem>>) offsets(%dma_start3A_344 : memref<80xi32, #tpu.memory_space<vmem>>) semaphore(%arg12 : memref<!tpu.dma_semaphore, #tpu.memory_space<semaphore_mem>>)
        %scan3A_348 = arith.constant 0 : i32
        scf.yield %scan3A_348 : i32
      }
      %scan3A_130 = arith.constant 12 : i32
      %min3A_131 = arith.constant 24 : i32
      %min3A_132 = arith.constant 24 : i32
      %min3A_133 = arith.minsi %min3A_131, %min3A_132 : i32
      %mul3A_134 = arith.constant 2000 : i32
      %mul3A_135 = arith.muli %rem3A_71, %mul3A_134 : i32
      %mul3A_136 = arith.constant 80 : i32
      %mul3A_137 = arith.muli %min3A_133, %mul3A_136 : i32
      %add3A_138 = arith.addi %mul3A_135, %mul3A_137 : i32
      %dma_wait3A = arith.constant 0 : i32
      %dma_wait3A_139 = arith.constant 0 : i32
      %dma_wait3A_140 = arith.constant 0 : i32
      %dma_wait3A_141 = tpu.memref_slice %arg9[%dma_wait3A, %dma_wait3A_139, %dma_wait3A_140] : memref<2x80x128xf32, #tpu.memory_space<vmem>> -> memref<1x80x128xf32, #tpu.memory_space<vmem>>
      %dma_wait3A_142 = tpu.memref_squeeze %dma_wait3A_141 : memref<1x80x128xf32, #tpu.memory_space<vmem>> -> memref<80x128xf32, #tpu.memory_space<vmem>>
      %dma_wait3A_143 = tpu.memref_slice %arg6[%add3A_138] : memref<4000xi32, #tpu.memory_space<vmem>> -> memref<80xi32, #tpu.memory_space<vmem>>
      %dma_wait3A_144 = arith.constant 0 : i32
      %dma_wait3A_145 = arith.constant 0 : i32
      %dma_wait3A_146 = tpu.memref_slice %arg2[%dma_wait3A_144, %dma_wait3A_145] : memref<10000x128xf32, #tpu.memory_space<hbm>> -> memref<10000x128xf32, #tpu.memory_space<hbm>>
      tpu.wait_indirect_dma semaphore(%arg11 : memref<!tpu.dma_semaphore, #tpu.memory_space<semaphore_mem>>) src(%dma_wait3A_146 : memref<10000x128xf32, #tpu.memory_space<hbm>>) dst(%dma_wait3A_142 : memref<80x128xf32, #tpu.memory_space<vmem>>)
      %mul3A_147 = arith.constant 25 : i32
      %mul3A_148 = arith.muli %rem3A_71, %mul3A_147 : i32
      %add3A_149 = arith.constant 24 : i32
      %add3A_150 = arith.addi %mul3A_148, %add3A_149 : i32
      %dma_start3A_151 = arith.constant 0 : i32
      %dma_start3A_152 = arith.constant 0 : i32
      %dma_start3A_153 = arith.constant 0 : i32
      %dma_start3A_154 = tpu.memref_slice %arg9[%dma_start3A_151, %dma_start3A_152, %dma_start3A_153] : memref<2x80x128xf32, #tpu.memory_space<vmem>> -> memref<1x80x128xf32, #tpu.memory_space<vmem>>
      %dma_start3A_155 = tpu.memref_squeeze %dma_start3A_154 : memref<1x80x128xf32, #tpu.memory_space<vmem>> -> memref<80x128xf32, #tpu.memory_space<vmem>>
      %dma_start3A_156 = arith.constant 0 : i32
      %dma_start3A_157 = tpu.memref_slice %arg8[%add3A_150, %dma_start3A_156] : memref<50x80xi32, #tpu.memory_space<vmem>> -> memref<1x80xi32, #tpu.memory_space<vmem>>
      %dma_start3A_158 = tpu.memref_squeeze %dma_start3A_157 : memref<1x80xi32, #tpu.memory_space<vmem>> -> memref<80xi32, #tpu.memory_space<vmem>>
      %dma_start3A_159 = arith.constant 0 : i32
      %dma_start3A_160 = arith.constant 0 : i32
      %dma_start3A_161 = tpu.memref_slice %arg10[%dma_start3A_159, %dma_start3A_160] : memref<10240x128xf32, #tpu.memory_space<vmem_shared>> -> memref<10240x128xf32, #tpu.memory_space<vmem_shared>>
      tpu.enqueue_indirect_dma source(%dma_start3A_155 : memref<80x128xf32, #tpu.memory_space<vmem>>) target(%dma_start3A_161 : memref<10240x128xf32, #tpu.memory_space<vmem_shared>>) offsets(%dma_start3A_158 : memref<80xi32, #tpu.memory_space<vmem>>) semaphore(%arg13 : memref<!tpu.dma_semaphore, #tpu.memory_space<semaphore_mem>>) {add = true}
      %min3A_162 = arith.constant 24 : i32
      %min3A_163 = arith.constant 24 : i32
      %min3A_164 = arith.minsi %min3A_162, %min3A_163 : i32
      %mul3A_165 = arith.constant 2000 : i32
      %mul3A_166 = arith.muli %rem3A_71, %mul3A_165 : i32
      %mul3A_167 = arith.constant 80 : i32
      %mul3A_168 = arith.muli %min3A_164, %mul3A_167 : i32
      %add3A_169 = arith.addi %mul3A_166, %mul3A_168 : i32
      %dma_wait3A_170 = arith.constant 1 : i32
      %dma_wait3A_171 = arith.constant 0 : i32
      %dma_wait3A_172 = arith.constant 0 : i32
      %dma_wait3A_173 = tpu.memref_slice %arg9[%dma_wait3A_170, %dma_wait3A_171, %dma_wait3A_172] : memref<2x80x128xf32, #tpu.memory_space<vmem>> -> memref<1x80x128xf32, #tpu.memory_space<vmem>>
      %dma_wait3A_174 = tpu.memref_squeeze %dma_wait3A_173 : memref<1x80x128xf32, #tpu.memory_space<vmem>> -> memref<80x128xf32, #tpu.memory_space<vmem>>
      %dma_wait3A_175 = tpu.memref_slice %arg6[%add3A_169] : memref<4000xi32, #tpu.memory_space<vmem>> -> memref<80xi32, #tpu.memory_space<vmem>>
      %dma_wait3A_176 = arith.constant 0 : i32
      %dma_wait3A_177 = arith.constant 0 : i32
      %dma_wait3A_178 = tpu.memref_slice %arg2[%dma_wait3A_176, %dma_wait3A_177] : memref<10000x128xf32, #tpu.memory_space<hbm>> -> memref<10000x128xf32, #tpu.memory_space<hbm>>
      tpu.wait_indirect_dma semaphore(%arg12 : memref<!tpu.dma_semaphore, #tpu.memory_space<semaphore_mem>>) src(%dma_wait3A_178 : memref<10000x128xf32, #tpu.memory_space<hbm>>) dst(%dma_wait3A_174 : memref<80x128xf32, #tpu.memory_space<vmem>>)
      %mul3A_179 = arith.constant 25 : i32
      %mul3A_180 = arith.muli %rem3A_71, %mul3A_179 : i32
      %add3A_181 = arith.constant 24 : i32
      %add3A_182 = arith.addi %mul3A_180, %add3A_181 : i32
      %dma_wait3A_183 = arith.constant 0 : i32
      %dma_wait3A_184 = arith.constant 0 : i32
      %dma_wait3A_185 = arith.constant 0 : i32
      %dma_wait3A_186 = tpu.memref_slice %arg9[%dma_wait3A_183, %dma_wait3A_184, %dma_wait3A_185] : memref<2x80x128xf32, #tpu.memory_space<vmem>> -> memref<1x80x128xf32, #tpu.memory_space<vmem>>
      %dma_wait3A_187 = tpu.memref_squeeze %dma_wait3A_186 : memref<1x80x128xf32, #tpu.memory_space<vmem>> -> memref<80x128xf32, #tpu.memory_space<vmem>>
      %dma_wait3A_188 = arith.constant 0 : i32
      %dma_wait3A_189 = tpu.memref_slice %arg8[%add3A_182, %dma_wait3A_188] : memref<50x80xi32, #tpu.memory_space<vmem>> -> memref<1x80xi32, #tpu.memory_space<vmem>>
      %dma_wait3A_190 = tpu.memref_squeeze %dma_wait3A_189 : memref<1x80xi32, #tpu.memory_space<vmem>> -> memref<80xi32, #tpu.memory_space<vmem>>
      %dma_wait3A_191 = arith.constant 0 : i32
      %dma_wait3A_192 = arith.constant 0 : i32
      %dma_wait3A_193 = tpu.memref_slice %arg10[%dma_wait3A_191, %dma_wait3A_192] : memref<10240x128xf32, #tpu.memory_space<vmem_shared>> -> memref<10240x128xf32, #tpu.memory_space<vmem_shared>>
      tpu.wait_indirect_dma semaphore(%arg13 : memref<!tpu.dma_semaphore, #tpu.memory_space<semaphore_mem>>) src(%dma_wait3A_187 : memref<80x128xf32, #tpu.memory_space<vmem>>) dst(%dma_wait3A_193 : memref<10240x128xf32, #tpu.memory_space<vmem_shared>>)
      %mul3A_194 = arith.constant 2000 : i32
      %mul3A_195 = arith.muli %sub3A_72, %mul3A_194 : i32
      %dma_wait3A_196 = tpu.memref_slice %arg6[%mul3A_195] : memref<4000xi32, #tpu.memory_space<vmem>> -> memref<2000xi32, #tpu.memory_space<vmem>>
      %dma_wait3A_197 = tpu.memref_slice %arg3[%add3A_78] : memref<320000xi32, #tpu.memory_space<hbm>> -> memref<2000xi32, #tpu.memory_space<hbm>>
      %dma_wait3A_198 = tpu.memref_slice %arg6[%mul3A_195] : memref<4000xi32, #tpu.memory_space<vmem>> -> memref<2000xi32, #tpu.memory_space<vmem>>
      %dma_wait3A_199 = tpu.memref_slice %arg3[%add3A_78] : memref<320000xi32, #tpu.memory_space<hbm>> -> memref<2000xi32, #tpu.memory_space<hbm>>
      tpu.wait_dma2 semaphore(%arg15 : memref<!tpu.dma_semaphore, #tpu.memory_space<semaphore_mem>>) src(%dma_wait3A_199 : memref<2000xi32, #tpu.memory_space<hbm>>) dst(%dma_wait3A_198 : memref<2000xi32, #tpu.memory_space<vmem>>)
      %mul3A_200 = arith.constant 2000 : i32
      %mul3A_201 = arith.muli %sub3A_72, %mul3A_200 : i32
      %dma_wait3A_202 = tpu.memref_slice %arg7[%mul3A_201] : memref<4000xi32, #tpu.memory_space<vmem>> -> memref<2000xi32, #tpu.memory_space<vmem>>
      %dma_wait3A_203 = tpu.memref_slice %arg4[%add3A_78] : memref<320000xi32, #tpu.memory_space<hbm>> -> memref<2000xi32, #tpu.memory_space<hbm>>
      %dma_wait3A_204 = tpu.memref_slice %arg7[%mul3A_201] : memref<4000xi32, #tpu.memory_space<vmem>> -> memref<2000xi32, #tpu.memory_space<vmem>>
      %dma_wait3A_205 = tpu.memref_slice %arg4[%add3A_78] : memref<320000xi32, #tpu.memory_space<hbm>> -> memref<2000xi32, #tpu.memory_space<hbm>>
      tpu.wait_dma2 semaphore(%arg15 : memref<!tpu.dma_semaphore, #tpu.memory_space<semaphore_mem>>) src(%dma_wait3A_205 : memref<2000xi32, #tpu.memory_space<hbm>>) dst(%dma_wait3A_204 : memref<2000xi32, #tpu.memory_space<vmem>>)
      %scan3A_206 = arith.constant 0 : i32
      %scan3A_207 = arith.constant 0 : i32
      %scan3A_208 = arith.constant 125 : i32
      %scan3A_209 = arith.addi %scan3A_207, %scan3A_208 : i32
      %scan3A_210 = arith.constant 1 : i32
      %scan3A_211 = scf.for %scan3A_214 = %scan3A_207 to %scan3A_209 step %scan3A_210 iter_args(%scan3A_215 = %scan3A_206) -> (i32)  : i32 {
        %jit3A = arith.constant 5 : i32
        %div3A = arith.divsi %scan3A_214, %jit3A : i32
        %sign3A = arith.constant 0 : i32
        %sign3A_216 = arith.cmpi sgt, %scan3A_214, %sign3A : i32
        %sign3A_217 = arith.extui %sign3A_216 : i1 to i32
        %sign3A_218 = arith.constant 0 : i32
        %sign3A_219 = arith.cmpi slt, %scan3A_214, %sign3A_218 : i32
        %sign3A_220 = arith.extui %sign3A_219 : i1 to i32
        %sign3A_221 = arith.subi %sign3A_217, %sign3A_220 : i32
        %sign3A_222 = arith.constant 0 : i32
        %sign3A_223 = arith.cmpi sgt, %jit3A, %sign3A_222 : i32
        %sign3A_224 = arith.extui %sign3A_223 : i1 to i32
        %sign3A_225 = arith.constant 0 : i32
        %sign3A_226 = arith.cmpi slt, %jit3A, %sign3A_225 : i32
        %sign3A_227 = arith.extui %sign3A_226 : i1 to i32
        %sign3A_228 = arith.subi %sign3A_224, %sign3A_227 : i32
        %ne3A = arith.cmpi ne, %sign3A_221, %sign3A_228 : i32
        %rem3A_229 = arith.remsi %scan3A_214, %jit3A : i32
        %ne3A_230 = arith.constant 0 : i32
        %ne3A_231 = arith.cmpi ne, %rem3A_229, %ne3A_230 : i32
        %and3A = arith.andi %ne3A, %ne3A_231 : i1
        %sub3A_232 = arith.constant 1 : i32
        %sub3A_233 = arith.subi %div3A, %sub3A_232 : i32
        %select_n3A = arith.select %and3A, %sub3A_233, %div3A : i32
        %jit3A_234 = arith.constant 5 : i32
        %eq3A = arith.constant 0 : i32
        %eq3A_235 = arith.cmpi eq, %jit3A_234, %eq3A : i32
        %jit3A_236 = arith.constant 1 : i32
        %select_n3A_237 = arith.select %eq3A_235, %jit3A_236, %jit3A_234 : i32
        %rem3A_238 = arith.remsi %scan3A_214, %select_n3A_237 : i32
        %ne3A_239 = arith.constant 0 : i32
        %ne3A_240 = arith.cmpi ne, %rem3A_238, %ne3A_239 : i32
        %lt3A = arith.constant 0 : i32
        %lt3A_241 = arith.cmpi slt, %rem3A_238, %lt3A : i32
        %lt3A_242 = arith.constant 0 : i32
        %lt3A_243 = arith.cmpi slt, %select_n3A_237, %lt3A_242 : i32
        %ne3A_244 = arith.xori %lt3A_241, %lt3A_243 : i1
        %and3A_245 = arith.andi %ne3A_244, %ne3A_240 : i1
        %add3A_246 = arith.addi %rem3A_238, %select_n3A_237 : i32
        %select_n3A_247 = arith.select %and3A_245, %add3A_246, %rem3A_238 : i32
        %mul3A_248 = arith.constant 16 : i32
        %mul3A_249 = arith.muli %select_n3A_247, %mul3A_248 : i32
        %mul3A_250 = arith.constant 2000 : i32
        %mul3A_251 = arith.muli %sub3A_72, %mul3A_250 : i32
        %mul3A_252 = arith.constant 16 : i32
        %mul3A_253 = arith.muli %scan3A_214, %mul3A_252 : i32
        %add3A_254 = arith.addi %mul3A_251, %mul3A_253 : i32
        %get3A = arith.index_cast %add3A_254 : i32 to index
        %get3A_255 = tpu.vector_load %arg7[%get3A] {strides = array<i32>} : memref<4000xi32, #tpu.memory_space<vmem>>, vector<16xi32>,
        %mul3A_256 = arith.constant 25 : i32
        %mul3A_257 = arith.muli %sub3A_72, %mul3A_256 : i32
        %add3A_258 = arith.addi %mul3A_257, %select_n3A : i32
        %swap3A = arith.index_cast %add3A_258 : i32 to index
        %swap3A_259 = arith.index_cast %mul3A_249 : i32 to index
        %swap3A_260 = tpu.vector_load %arg8[%swap3A, %swap3A_259] {strides = array<i32>} : memref<50x80xi32, #tpu.memory_space<vmem>>, vector<16xi32>,
        tpu.vector_store %arg8[%swap3A, %swap3A_259], %get3A_255 {strides = array<i32>} : memref<50x80xi32, #tpu.memory_space<vmem>>, vector<16xi32>,
        %scan3A_261 = arith.constant 0 : i32
        scf.yield %scan3A_261 : i32
      }
      %scan3A_212 = arith.constant 125 : i32
      %scan3A_213 = arith.constant 0 : i32
      scf.yield %scan3A_213 : i32
    }
    %scan3A_63 = arith.constant 5 : i32
    %barrier3A_64 = arith.constant 0 : index
    tpu.barrier barrier_id(%barrier3A_64)
    %mul3A_65 = arith.constant 640 : i32
    %mul3A_66 = arith.muli %arg1, %mul3A_65 : i32
    %mul3A_67 = arith.constant 640 : i32
    %mul3A_68 = arith.muli %arg1, %mul3A_67 : i32
    "tpu.region"() ({
      %run_scoped3A_69 = tpu.sem_alloc : memref<!tpu.dma_semaphore, #tpu.memory_space<semaphore_mem>>
      %dma_start3A = arith.constant 0 : i32
      %dma_start3A_70 = tpu.memref_slice %arg5[%arg0, %mul3A_68, %dma_start3A] : memref<2x10240x128xf32, #tpu.memory_space<hbm>> -> memref<1x640x128xf32, #tpu.memory_space<hbm>>
      %dma_start3A_71 = tpu.memref_squeeze %dma_start3A_70 : memref<1x640x128xf32, #tpu.memory_space<hbm>> -> memref<640x128xf32, #tpu.memory_space<hbm>>
      %dma_start3A_72 = arith.constant 0 : i32
      %dma_start3A_73 = tpu.memref_slice %arg10[%mul3A_66, %dma_start3A_72] : memref<10240x128xf32, #tpu.memory_space<vmem_shared>> -> memref<640x128xf32, #tpu.memory_space<vmem_shared>>
      tpu.enqueue_dma source(%dma_start3A_73 : memref<640x128xf32, #tpu.memory_space<vmem_shared>>) target(%dma_start3A_71 : memref<640x128xf32, #tpu.memory_space<hbm>>) target_semaphore(%run_scoped3A_69 : memref<!tpu.dma_semaphore, #tpu.memory_space<semaphore_mem>>)
      %dma_wait3A = arith.constant 0 : i32
      %dma_wait3A_74 = tpu.memref_slice %arg5[%arg0, %mul3A_68, %dma_wait3A] : memref<2x10240x128xf32, #tpu.memory_space<hbm>> -> memref<1x640x128xf32, #tpu.memory_space<hbm>>
      %dma_wait3A_75 = tpu.memref_squeeze %dma_wait3A_74 : memref<1x640x128xf32, #tpu.memory_space<hbm>> -> memref<640x128xf32, #tpu.memory_space<hbm>>
      %dma_wait3A_76 = arith.constant 0 : i32
      %dma_wait3A_77 = tpu.memref_slice %arg10[%mul3A_66, %dma_wait3A_76] : memref<10240x128xf32, #tpu.memory_space<vmem_shared>> -> memref<640x128xf32, #tpu.memory_space<vmem_shared>>
      tpu.wait_dma2 semaphore(%run_scoped3A_69 : memref<!tpu.dma_semaphore, #tpu.memory_space<semaphore_mem>>) src(%dma_wait3A_77 : memref<640x128xf32, #tpu.memory_space<vmem_shared>>) dst(%dma_wait3A_75 : memref<640x128xf32, #tpu.memory_space<hbm>>)
      tpu.yield
    }) : () -> ()
    return
  }
}

module attributes {stable_mosaic.version = 14 : i64} {
  func.func @_layer1_body(%arg0: i32, %arg1: memref<1000x128xf32, #tpu.memory_space<vmem>>, %arg2: memref<2x1000x128xf32, #tpu.memory_space<vmem>>, %arg3: memref<1000x32xf32, #tpu.memory_space<vmem>>, %arg4: memref<128x128xf32, #tpu.memory_space<vmem>>, %arg5: memref<128x128xf32, #tpu.memory_space<vmem>>, %arg6: memref<1x128xf32, #tpu.memory_space<vmem>>, %arg7: memref<1000x128xf32, #tpu.memory_space<vmem>>) attributes {dimension_semantics = [#tpu.dimension_semantics<arbitrary>], iteration_bounds = array<i64: 10>, scalar_prefetch = 0 : i64, scratch_operands = 0 : i64, tpu.core_type = #tpu.core_type<tc>, window_params = [{transform_indices = @transform_0, window_bounds = array<i64: 1000, 128>}, {transform_indices = @transform_1, window_bounds = array<i64: 2, 1000, 128>}, {transform_indices = @transform_2, window_bounds = array<i64: 1000, 32>}, {pipeline_mode = #tpu.pipeline_mode<synchronous>, transform_indices = @transform_3, window_bounds = array<i64: 128, 128>}, {pipeline_mode = #tpu.pipeline_mode<synchronous>, transform_indices = @transform_4, window_bounds = array<i64: 128, 128>}, {pipeline_mode = #tpu.pipeline_mode<synchronous>, transform_indices = @transform_5, window_bounds = array<i64: 1, 128>}, {transform_indices = @transform_6, window_bounds = array<i64: 1000, 128>}]} {
    %get3A = arith.constant 0 : index
    %get3A_0 = arith.constant 0 : index
    %get3A_1 = arith.constant 0 : index
    %get3A_2 = vector.load %arg2[%get3A, %get3A_0, %get3A_1] : memref<2x1000x128xf32, #tpu.memory_space<vmem>>, vector<1x1000x128xf32>
    %get3A_3 = vector.shape_cast %get3A_2 : vector<1x1000x128xf32> to vector<1000x128xf32>
    %get3A_4 = arith.constant 1 : index
    %get3A_5 = arith.constant 0 : index
    %get3A_6 = arith.constant 0 : index
    %get3A_7 = vector.load %arg2[%get3A_4, %get3A_5, %get3A_6] : memref<2x1000x128xf32, #tpu.memory_space<vmem>>, vector<1x1000x128xf32>
    %get3A_8 = vector.shape_cast %get3A_7 : vector<1x1000x128xf32> to vector<1000x128xf32>
    %add3A = arith.addf %get3A_3, %get3A_8 : vector<1000x128xf32>
    %get3A_9 = arith.constant 0 : index
    %get3A_10 = arith.constant 0 : index
    %get3A_11 = vector.load %arg3[%get3A_9, %get3A_10] : memref<1000x32xf32, #tpu.memory_space<vmem>>, vector<1000x32xf32>
    %reduce_sum3A = arith.constant dense<0.000000e+00> : vector<1000xf32>
    %reduce_sum3A_12 = vector.multi_reduction <add>, %get3A_11, %reduce_sum3A [1] : vector<1000x32xf32> to vector<1000xf32>
    %broadcast_in_dim3A = vector.shape_cast %reduce_sum3A_12 : vector<1000xf32> to vector<1000x1xf32>
    %max3A = arith.constant 1.000000e+00 : f32
    %max3A_13 = vector.broadcast %max3A : f32 to vector<1000x1xf32>
    %max3A_14 = arith.maximumf %broadcast_in_dim3A, %max3A_13 : vector<1000x1xf32>
    %div3A = vector.broadcast %max3A_14 : vector<1000x1xf32> to vector<1000x128xf32>
    %div3A_15 = arith.divf %add3A, %div3A : vector<1000x128xf32>
    %get3A_16 = arith.constant 0 : index
    %get3A_17 = arith.constant 0 : index
    %get3A_18 = vector.load %arg1[%get3A_16, %get3A_17] : memref<1000x128xf32, #tpu.memory_space<vmem>>, vector<1000x128xf32>
    %get3A_19 = arith.constant 0 : index
    %get3A_20 = arith.constant 0 : index
    %get3A_21 = vector.load %arg4[%get3A_19, %get3A_20] : memref<128x128xf32, #tpu.memory_space<vmem>>, vector<128x128xf32>
    %dot_general3A = arith.constant dense<0.000000e+00> : vector<1000x128xf32>
    %dot_general3A_22 = tpu.matmul %get3A_18, %get3A_21, %dot_general3A {dimension_numbers = #tpu.dot_dimension_numbers<[1], [0], [0], [1], [0, 0, 1, 1], [], []>, transpose_lhs_hint = false} : vector<1000x128xf32>, vector<128x128xf32>, vector<1000x128xf32> -> vector<1000x128xf32>
    %get3A_23 = arith.constant 0 : index
    %get3A_24 = arith.constant 0 : index
    %get3A_25 = vector.load %arg5[%get3A_23, %get3A_24] : memref<128x128xf32, #tpu.memory_space<vmem>>, vector<128x128xf32>
    %dot_general3A_26 = arith.constant dense<0.000000e+00> : vector<1000x128xf32>
    %dot_general3A_27 = tpu.matmul %div3A_15, %get3A_25, %dot_general3A_26 {dimension_numbers = #tpu.dot_dimension_numbers<[1], [0], [0], [1], [0, 0, 1, 1], [], []>, transpose_lhs_hint = false} : vector<1000x128xf32>, vector<128x128xf32>, vector<1000x128xf32> -> vector<1000x128xf32>
    %add3A_28 = arith.addf %dot_general3A_22, %dot_general3A_27 : vector<1000x128xf32>
    %get3A_29 = arith.constant 0 : index
    %get3A_30 = arith.constant 0 : index
    %get3A_31 = vector.load %arg6[%get3A_29, %get3A_30] : memref<1x128xf32, #tpu.memory_space<vmem>>, vector<1x128xf32>
    %add3A_32 = vector.broadcast %get3A_31 : vector<1x128xf32> to vector<1000x128xf32>
    %add3A_33 = arith.addf %add3A_28, %add3A_32 : vector<1000x128xf32>
    %mul3A = arith.mulf %add3A_33, %add3A_33 : vector<1000x128xf32>
    %reduce_sum3A_34 = arith.constant dense<0.000000e+00> : vector<1000xf32>
    %reduce_sum3A_35 = vector.multi_reduction <add>, %mul3A, %reduce_sum3A_34 [1] : vector<1000x128xf32> to vector<1000xf32>
    %broadcast_in_dim3A_36 = vector.shape_cast %reduce_sum3A_35 : vector<1000xf32> to vector<1000x1xf32>
    %sqrt3A = math.sqrt %broadcast_in_dim3A_36 : vector<1000x1xf32>
    %max3A_37 = arith.constant 9.99999996E-13 : f32
    %max3A_38 = vector.broadcast %max3A_37 : f32 to vector<1000x1xf32>
    %max3A_39 = arith.maximumf %sqrt3A, %max3A_38 : vector<1000x1xf32>
    %div3A_40 = vector.broadcast %max3A_39 : vector<1000x1xf32> to vector<1000x128xf32>
    %div3A_41 = arith.divf %add3A_33, %div3A_40 : vector<1000x128xf32>
    %max3A_42 = arith.constant 0.000000e+00 : f32
    %max3A_43 = vector.broadcast %max3A_42 : f32 to vector<1000x128xf32>
    %max3A_44 = arith.maximumf %div3A_41, %max3A_43 : vector<1000x128xf32>
    %swap3A = arith.constant 0 : index
    %swap3A_45 = arith.constant 0 : index
    %swap3A_46 = vector.load %arg7[%swap3A, %swap3A_45] : memref<1000x128xf32, #tpu.memory_space<vmem>>, vector<1000x128xf32>
    tpu.vector_store %arg7[%swap3A, %swap3A_45], %max3A_44 {strides = array<i32>} : memref<1000x128xf32, #tpu.memory_space<vmem>>, vector<1000x128xf32>,
    return
  }
  func.func @transform_0(%arg0: i32) -> (i32, i32) {
    %c0_i32 = arith.constant 0 : i32
    %c0_i32_0 = arith.constant 0 : i32
    return %arg0, %c0_i32 : i32, i32
  }
  func.func @transform_1(%arg0: i32) -> (i32, i32, i32) {
    %c0_i32 = arith.constant 0 : i32
    %c0_i32_0 = arith.constant 0 : i32
    %c0_i32_1 = arith.constant 0 : i32
    return %c0_i32, %arg0, %c0_i32_0 : i32, i32, i32
  }
  func.func @transform_2(%arg0: i32) -> (i32, i32) {
    %c0_i32 = arith.constant 0 : i32
    %c0_i32_0 = arith.constant 0 : i32
    return %arg0, %c0_i32 : i32, i32
  }
  func.func @transform_3(%arg0: i32) -> (i32, i32) {
    %c0_i32 = arith.constant 0 : i32
    %c0_i32_0 = arith.constant 0 : i32
    %c0_i32_1 = arith.constant 0 : i32
    return %c0_i32, %c0_i32_0 : i32, i32
  }
  func.func @transform_4(%arg0: i32) -> (i32, i32) {
    %c0_i32 = arith.constant 0 : i32
    %c0_i32_0 = arith.constant 0 : i32
    %c0_i32_1 = arith.constant 0 : i32
    return %c0_i32, %c0_i32_0 : i32, i32
  }
  func.func @transform_5(%arg0: i32) -> (i32, i32) {
    %c0_i32 = arith.constant 0 : i32
    %c0_i32_0 = arith.constant 0 : i32
    %c0_i32_1 = arith.constant 0 : i32
    return %c0_i32, %c0_i32_0 : i32, i32
  }
  func.func @transform_6(%arg0: i32) -> (i32, i32) {
    %c0_i32 = arith.constant 0 : i32
    %c0_i32_0 = arith.constant 0 : i32
    return %arg0, %c0_i32 : i32, i32
  }
}

module attributes {stable_mosaic.version = 14 : i64} {
  func.func @_layer2_body(%arg0: i32, %arg1: memref<1000x128xf32, #tpu.memory_space<vmem>>, %arg2: memref<2x1000x128xf32, #tpu.memory_space<vmem>>, %arg3: memref<1000x32xf32, #tpu.memory_space<vmem>>, %arg4: memref<128x128xf32, #tpu.memory_space<vmem>>, %arg5: memref<128x128xf32, #tpu.memory_space<vmem>>, %arg6: memref<1x128xf32, #tpu.memory_space<vmem>>, %arg7: memref<128x128xf32, #tpu.memory_space<vmem>>, %arg8: memref<1x128xf32, #tpu.memory_space<vmem>>, %arg9: memref<128x64xf32, #tpu.memory_space<vmem>>, %arg10: memref<1x64xf32, #tpu.memory_space<vmem>>, %arg11: memref<1000x64xf32, #tpu.memory_space<vmem>>) attributes {dimension_semantics = [#tpu.dimension_semantics<arbitrary>], iteration_bounds = array<i64: 10>, scalar_prefetch = 0 : i64, scratch_operands = 0 : i64, tpu.core_type = #tpu.core_type<tc>, window_params = [{transform_indices = @transform_0, window_bounds = array<i64: 1000, 128>}, {transform_indices = @transform_1, window_bounds = array<i64: 2, 1000, 128>}, {transform_indices = @transform_2, window_bounds = array<i64: 1000, 32>}, {pipeline_mode = #tpu.pipeline_mode<synchronous>, transform_indices = @transform_3, window_bounds = array<i64: 128, 128>}, {pipeline_mode = #tpu.pipeline_mode<synchronous>, transform_indices = @transform_4, window_bounds = array<i64: 128, 128>}, {pipeline_mode = #tpu.pipeline_mode<synchronous>, transform_indices = @transform_5, window_bounds = array<i64: 1, 128>}, {pipeline_mode = #tpu.pipeline_mode<synchronous>, transform_indices = @transform_6, window_bounds = array<i64: 128, 128>}, {pipeline_mode = #tpu.pipeline_mode<synchronous>, transform_indices = @transform_7, window_bounds = array<i64: 1, 128>}, {pipeline_mode = #tpu.pipeline_mode<synchronous>, transform_indices = @transform_8, window_bounds = array<i64: 128, 64>}, {pipeline_mode = #tpu.pipeline_mode<synchronous>, transform_indices = @transform_9, window_bounds = array<i64: 1, 64>}, {transform_indices = @transform_10, window_bounds = array<i64: 1000, 64>}]} {
    %get3A = arith.constant 0 : index
    %get3A_0 = arith.constant 0 : index
    %get3A_1 = arith.constant 0 : index
    %get3A_2 = vector.load %arg2[%get3A, %get3A_0, %get3A_1] : memref<2x1000x128xf32, #tpu.memory_space<vmem>>, vector<1x1000x128xf32>
    %get3A_3 = vector.shape_cast %get3A_2 : vector<1x1000x128xf32> to vector<1000x128xf32>
    %get3A_4 = arith.constant 1 : index
    %get3A_5 = arith.constant 0 : index
    %get3A_6 = arith.constant 0 : index
    %get3A_7 = vector.load %arg2[%get3A_4, %get3A_5, %get3A_6] : memref<2x1000x128xf32, #tpu.memory_space<vmem>>, vector<1x1000x128xf32>
    %get3A_8 = vector.shape_cast %get3A_7 : vector<1x1000x128xf32> to vector<1000x128xf32>
    %add3A = arith.addf %get3A_3, %get3A_8 : vector<1000x128xf32>
    %get3A_9 = arith.constant 0 : index
    %get3A_10 = arith.constant 0 : index
    %get3A_11 = vector.load %arg3[%get3A_9, %get3A_10] : memref<1000x32xf32, #tpu.memory_space<vmem>>, vector<1000x32xf32>
    %reduce_sum3A = arith.constant dense<0.000000e+00> : vector<1000xf32>
    %reduce_sum3A_12 = vector.multi_reduction <add>, %get3A_11, %reduce_sum3A [1] : vector<1000x32xf32> to vector<1000xf32>
    %broadcast_in_dim3A = vector.shape_cast %reduce_sum3A_12 : vector<1000xf32> to vector<1000x1xf32>
    %max3A = arith.constant 1.000000e+00 : f32
    %max3A_13 = vector.broadcast %max3A : f32 to vector<1000x1xf32>
    %max3A_14 = arith.maximumf %broadcast_in_dim3A, %max3A_13 : vector<1000x1xf32>
    %div3A = vector.broadcast %max3A_14 : vector<1000x1xf32> to vector<1000x128xf32>
    %div3A_15 = arith.divf %add3A, %div3A : vector<1000x128xf32>
    %get3A_16 = arith.constant 0 : index
    %get3A_17 = arith.constant 0 : index
    %get3A_18 = vector.load %arg1[%get3A_16, %get3A_17] : memref<1000x128xf32, #tpu.memory_space<vmem>>, vector<1000x128xf32>
    %get3A_19 = arith.constant 0 : index
    %get3A_20 = arith.constant 0 : index
    %get3A_21 = vector.load %arg4[%get3A_19, %get3A_20] : memref<128x128xf32, #tpu.memory_space<vmem>>, vector<128x128xf32>
    %dot_general3A = arith.constant dense<0.000000e+00> : vector<1000x128xf32>
    %dot_general3A_22 = tpu.matmul %get3A_18, %get3A_21, %dot_general3A {dimension_numbers = #tpu.dot_dimension_numbers<[1], [0], [0], [1], [0, 0, 1, 1], [], []>, transpose_lhs_hint = false} : vector<1000x128xf32>, vector<128x128xf32>, vector<1000x128xf32> -> vector<1000x128xf32>
    %get3A_23 = arith.constant 0 : index
    %get3A_24 = arith.constant 0 : index
    %get3A_25 = vector.load %arg5[%get3A_23, %get3A_24] : memref<128x128xf32, #tpu.memory_space<vmem>>, vector<128x128xf32>
    %dot_general3A_26 = arith.constant dense<0.000000e+00> : vector<1000x128xf32>
    %dot_general3A_27 = tpu.matmul %div3A_15, %get3A_25, %dot_general3A_26 {dimension_numbers = #tpu.dot_dimension_numbers<[1], [0], [0], [1], [0, 0, 1, 1], [], []>, transpose_lhs_hint = false} : vector<1000x128xf32>, vector<128x128xf32>, vector<1000x128xf32> -> vector<1000x128xf32>
    %add3A_28 = arith.addf %dot_general3A_22, %dot_general3A_27 : vector<1000x128xf32>
    %get3A_29 = arith.constant 0 : index
    %get3A_30 = arith.constant 0 : index
    %get3A_31 = vector.load %arg6[%get3A_29, %get3A_30] : memref<1x128xf32, #tpu.memory_space<vmem>>, vector<1x128xf32>
    %add3A_32 = vector.broadcast %get3A_31 : vector<1x128xf32> to vector<1000x128xf32>
    %add3A_33 = arith.addf %add3A_28, %add3A_32 : vector<1000x128xf32>
    %mul3A = arith.mulf %add3A_33, %add3A_33 : vector<1000x128xf32>
    %reduce_sum3A_34 = arith.constant dense<0.000000e+00> : vector<1000xf32>
    %reduce_sum3A_35 = vector.multi_reduction <add>, %mul3A, %reduce_sum3A_34 [1] : vector<1000x128xf32> to vector<1000xf32>
    %broadcast_in_dim3A_36 = vector.shape_cast %reduce_sum3A_35 : vector<1000xf32> to vector<1000x1xf32>
    %sqrt3A = math.sqrt %broadcast_in_dim3A_36 : vector<1000x1xf32>
    %max3A_37 = arith.constant 9.99999996E-13 : f32
    %max3A_38 = vector.broadcast %max3A_37 : f32 to vector<1000x1xf32>
    %max3A_39 = arith.maximumf %sqrt3A, %max3A_38 : vector<1000x1xf32>
    %div3A_40 = vector.broadcast %max3A_39 : vector<1000x1xf32> to vector<1000x128xf32>
    %div3A_41 = arith.divf %add3A_33, %div3A_40 : vector<1000x128xf32>
    %max3A_42 = arith.constant 0.000000e+00 : f32
    %max3A_43 = vector.broadcast %max3A_42 : f32 to vector<1000x128xf32>
    %max3A_44 = arith.maximumf %div3A_41, %max3A_43 : vector<1000x128xf32>
    %get3A_45 = arith.constant 0 : index
    %get3A_46 = arith.constant 0 : index
    %get3A_47 = vector.load %arg7[%get3A_45, %get3A_46] : memref<128x128xf32, #tpu.memory_space<vmem>>, vector<128x128xf32>
    %dot_general3A_48 = arith.constant dense<0.000000e+00> : vector<1000x128xf32>
    %dot_general3A_49 = tpu.matmul %max3A_44, %get3A_47, %dot_general3A_48 {dimension_numbers = #tpu.dot_dimension_numbers<[1], [0], [0], [1], [0, 0, 1, 1], [], []>, transpose_lhs_hint = false} : vector<1000x128xf32>, vector<128x128xf32>, vector<1000x128xf32> -> vector<1000x128xf32>
    %get3A_50 = arith.constant 0 : index
    %get3A_51 = arith.constant 0 : index
    %get3A_52 = vector.load %arg8[%get3A_50, %get3A_51] : memref<1x128xf32, #tpu.memory_space<vmem>>, vector<1x128xf32>
    %add3A_53 = vector.broadcast %get3A_52 : vector<1x128xf32> to vector<1000x128xf32>
    %add3A_54 = arith.addf %dot_general3A_49, %add3A_53 : vector<1000x128xf32>
    %get3A_55 = arith.constant 0 : index
    %get3A_56 = arith.constant 0 : index
    %get3A_57 = vector.load %arg9[%get3A_55, %get3A_56] : memref<128x64xf32, #tpu.memory_space<vmem>>, vector<128x64xf32>
    %dot_general3A_58 = arith.constant dense<0.000000e+00> : vector<1000x64xf32>
    %dot_general3A_59 = tpu.matmul %add3A_54, %get3A_57, %dot_general3A_58 {dimension_numbers = #tpu.dot_dimension_numbers<[1], [0], [0], [1], [0, 0, 1, 1], [], []>, transpose_lhs_hint = false} : vector<1000x128xf32>, vector<128x64xf32>, vector<1000x64xf32> -> vector<1000x64xf32>
    %get3A_60 = arith.constant 0 : index
    %get3A_61 = arith.constant 0 : index
    %get3A_62 = vector.load %arg10[%get3A_60, %get3A_61] : memref<1x64xf32, #tpu.memory_space<vmem>>, vector<1x64xf32>
    %add3A_63 = vector.broadcast %get3A_62 : vector<1x64xf32> to vector<1000x64xf32>
    %add3A_64 = arith.addf %dot_general3A_59, %add3A_63 : vector<1000x64xf32>
    %reduce_max3A = arith.constant dense<0xFF800000> : vector<1000xf32>
    %reduce_max3A_65 = vector.multi_reduction <maximumf>, %add3A_64, %reduce_max3A [1] : vector<1000x64xf32> to vector<1000xf32>
    %broadcast_in_dim3A_66 = vector.shape_cast %reduce_max3A_65 : vector<1000xf32> to vector<1000x1xf32>
    %sub3A = vector.broadcast %broadcast_in_dim3A_66 : vector<1000x1xf32> to vector<1000x64xf32>
    %sub3A_67 = arith.subf %add3A_64, %sub3A : vector<1000x64xf32>
    %exp3A = math.exp %sub3A_67 : vector<1000x64xf32>
    %reduce_sum3A_68 = arith.constant dense<0.000000e+00> : vector<1000xf32>
    %reduce_sum3A_69 = vector.multi_reduction <add>, %exp3A, %reduce_sum3A_68 [1] : vector<1000x64xf32> to vector<1000xf32>
    %broadcast_in_dim3A_70 = vector.shape_cast %reduce_sum3A_69 : vector<1000xf32> to vector<1000x1xf32>
    %log3A = math.log %broadcast_in_dim3A_70 : vector<1000x1xf32>
    %sub3A_71 = vector.broadcast %log3A : vector<1000x1xf32> to vector<1000x64xf32>
    %sub3A_72 = arith.subf %sub3A_67, %sub3A_71 : vector<1000x64xf32>
    %swap3A = arith.constant 0 : index
    %swap3A_73 = arith.constant 0 : index
    %swap3A_74 = vector.load %arg11[%swap3A, %swap3A_73] : memref<1000x64xf32, #tpu.memory_space<vmem>>, vector<1000x64xf32>
    tpu.vector_store %arg11[%swap3A, %swap3A_73], %sub3A_72 {strides = array<i32>} : memref<1000x64xf32, #tpu.memory_space<vmem>>, vector<1000x64xf32>,
    return
  }
  func.func @transform_0(%arg0: i32) -> (i32, i32) {
    %c0_i32 = arith.constant 0 : i32
    %c0_i32_0 = arith.constant 0 : i32
    return %arg0, %c0_i32 : i32, i32
  }
  func.func @transform_1(%arg0: i32) -> (i32, i32, i32) {
    %c0_i32 = arith.constant 0 : i32
    %c0_i32_0 = arith.constant 0 : i32
    %c0_i32_1 = arith.constant 0 : i32
    return %c0_i32, %arg0, %c0_i32_0 : i32, i32, i32
  }
  func.func @transform_2(%arg0: i32) -> (i32, i32) {
    %c0_i32 = arith.constant 0 : i32
    %c0_i32_0 = arith.constant 0 : i32
    return %arg0, %c0_i32 : i32, i32
  }
  func.func @transform_3(%arg0: i32) -> (i32, i32) {
    %c0_i32 = arith.constant 0 : i32
    %c0_i32_0 = arith.constant 0 : i32
    %c0_i32_1 = arith.constant 0 : i32
    return %c0_i32, %c0_i32_0 : i32, i32
  }
  func.func @transform_4(%arg0: i32) -> (i32, i32) {
    %c0_i32 = arith.constant 0 : i32
    %c0_i32_0 = arith.constant 0 : i32
    %c0_i32_1 = arith.constant 0 : i32
    return %c0_i32, %c0_i32_0 : i32, i32
  }
  func.func @transform_5(%arg0: i32) -> (i32, i32) {
    %c0_i32 = arith.constant 0 : i32
    %c0_i32_0 = arith.constant 0 : i32
    %c0_i32_1 = arith.constant 0 : i32
    return %c0_i32, %c0_i32_0 : i32, i32
  }
  func.func @transform_6(%arg0: i32) -> (i32, i32) {
    %c0_i32 = arith.constant 0 : i32
    %c0_i32_0 = arith.constant 0 : i32
    %c0_i32_1 = arith.constant 0 : i32
    return %c0_i32, %c0_i32_0 : i32, i32
  }
  func.func @transform_7(%arg0: i32) -> (i32, i32) {
    %c0_i32 = arith.constant 0 : i32
    %c0_i32_0 = arith.constant 0 : i32
    %c0_i32_1 = arith.constant 0 : i32
    return %c0_i32, %c0_i32_0 : i32, i32
  }
  func.func @transform_8(%arg0: i32) -> (i32, i32) {
    %c0_i32 = arith.constant 0 : i32
    %c0_i32_0 = arith.constant 0 : i32
    %c0_i32_1 = arith.constant 0 : i32
    return %c0_i32, %c0_i32_0 : i32, i32
  }
  func.func @transform_9(%arg0: i32) -> (i32, i32) {
    %c0_i32 = arith.constant 0 : i32
    %c0_i32_0 = arith.constant 0 : i32
    %c0_i32_1 = arith.constant 0 : i32
    return %c0_i32, %c0_i32_0 : i32, i32
  }
  func.func @transform_10(%arg0: i32) -> (i32, i32) {
    %c0_i32 = arith.constant 0 : i32
    %c0_i32_0 = arith.constant 0 : i32
    return %arg0, %c0_i32 : i32, i32
  }
}

</mosaic_0001>

<sc_bundles>
// kernel: kernel.6.cloned.1.call-start
scs
__scs_entry_jumppad:
0x0: {  	(pc) =	sbr.rel $0x88, $3  }
0x1: {  	(tag) =	ssettag $0x0;
	lr =	simm.s32 $0x1  }
0x2: {  	[smem:$0x3F93] =	sst lr;
	_ =	strace $0xD0000000  }
0x3: {  	_ = 	snop  }
0x4: {  	_ = 	snop  }
0x5: {  	_ = 	snop  }
0x6: {  	_ = 	snop  }
0x7: {  	_ = 	snop  }
__scs_overlays_trampoline_lowered:
0x8: {  	[smem:$0x3FA2] =	sst s0  }
0x9: {  	[smem:$0x3FA3] =	sst s1  }
0xa: {  	[smem:$0x3FA4] =	sst s2  }
0xb: {  	[smem:$0x3FA5] =	sst s3  }
0xc: {  	[smem:$0x3FA6] =	sst s4  }
0xd: {  	[smem:$0x3FA7] =	sst s5  }
0xe: {  	[smem:$0x3FA8] =	sst s6  }
0xf: {  	[smem:$0x3FA9] =	sst s7  }
0x10: {  	[smem:$0x3FAA] =	sst s8  }
0x11: {  	[smem:$0x3FAB] =	sst s9;
	s0 =	simm.s32 @!p0 $0x0  }
0x12: {  	s1 =	sld [smem:$0x3F91];
	s0 =	simm.s32 @p0 $0x1  }
0x13: {  	[smem:$0x3FAC] =	sst s0;
	s0 =	simm.s32 @!p1 $0x0  }
0x14: {  	s2 =	sld [smem:$0x3F90];
	s0 =	simm.s32 @p1 $0x1  }
0x15: {  	[smem:$0x3FAD] =	sst s0;
	s0 =	simm.s32 @!p2 $0x0  }
0x16: {  	s3 =	sld [smem:$0x3FDB];
	s0 =	simm.s32 @p2 $0x1  }
0x17: {  	s4 =	simm.s32 $0x1BF5;
	[smem:$0x3FAF] =	sst s0  }
0x18: {  	s0 =	sld [smem:$0x3F92];
	_ =	swait.ge [sflag:s4], $0x0  }
0x19: {  	s7 =	sld [smem:$0x3F93]  }
0x1a: {  	s8 =	sadd.s32 $0xFFFFE003, lr  }
0x1b: {  	s9 =	sadd.s32 $0xFFFFFEF7, lr;
	s5 =	simm.s32 $0xFFFFFFFF;
	p2 =	slt.u32 s8, $0xFFFFF086  }
0x1c: {  	p1 =	slt.u32 s9, $0xF7A;
	s5 =	simm.s32 @!p2 $0x0  }
0x1d: {  	s5 =	simm.s32 @p1 $0x1;
	p0 =	seq.s32 s7, s2  }
0x1e: {  	s7 =	smul.u32 @!p0 $0xF7A, s2;
	p2 =	seq.s32 @!p0 s5, $0x0  }
0x1f: {  	s9 =	smul.u32 $0xF7A, s1;
	s8 =	simm.s32 @!p0 $0x1BF5;
	p2 =	por !p2, p0  }
0x20: {  	[sflag:s8] =	ssyncset.s32 @!p0 $0xFFFFF086;
	s6 =	sadd.s32 @!p0 s3, s7;
	s7 =	simm.s32 @!p0 $0x108  }
0x21: {  	s3 =	sadd.s32 s3, s9;
	s6 =	sadd.s32 @!p0 $0x88, s6;
	s7 =	simm.s32 @p2 $0x1082  }
0x22: {  	[simem:s7], [sflag:s8] =	dma.local @!p0 [hbm:s6], $0xF7A  }
0x23: {  	s9 =	sor.u32 $0xD0000000, s2;
	s6 =	simm.s32 $0x108;
	_ =	swait.ge @!p0 [sflag:s8], $0x0  }
0x24: {  	s3 =	sadd.s32 $0x88, s3;
	s6 =	simm.s32 @!p1 $0x1082;
	[sflag:s4] =	ssyncset.s32 $0xFFFFF086  }
0x25: {  	[simem:s6], [sflag:s4] =	dma.local [hbm:s3], $0xF7A  }
0x26: {  	[smem:$0x3F93] =	sst s1;
	(tag) =	ssettag s2;
	_ =	strace s9  }
0x27: {  	s1 =	sld [smem:$0x3FA3]  }
0x28: {  	s2 =	sld [smem:$0x3FA4]  }
0x29: {  	s4 =	sld [smem:$0x3FA6]  }
0x2a: {  	p0 =	seq.s32 s5, $0x0;
	s5 =	sld [smem:$0x3FA7]  }
0x2b: {  	s6 =	sld [smem:$0x3FA8]  }
0x2c: {  	s7 =	sld [smem:$0x3FA9]  }
0x2d: {  	s3 =	simm.s32 $0x108;
	s8 =	sld [smem:$0x3FAA]  }
0x2e: {  	s3 =	simm.s32 @!p0 $0x1082;
	s9 =	sld [smem:$0x3FAB]  }
0x2f: {  	lr =	sadd.s32 s0, s3;
	s0 =	sld [smem:$0x3FA2]  }
0x30: {  	s3 =	sld [smem:$0x3FA5]  }
0x31: {  	[smem:$0x3FAE] =	sst s10  }
0x32: {  	s10 =	sld [smem:$0x3FAC];
	_ =	sdelay $0x3  }
0x33: {  	p0 =	seq.s32 s10, $0x1;
	s10 =	sld [smem:$0x3FAE];
	_ =	sdelay $0x3  }
0x34: {  	[smem:$0x3FAE] =	sst s10  }
0x35: {  	s10 =	sld [smem:$0x3FAD];
	_ =	sdelay $0x3  }
0x36: {  	p1 =	seq.s32 s10, $0x1;
	s10 =	sld [smem:$0x3FAE];
	_ =	sdelay $0x3  }
0x37: {  	[smem:$0x3FAE] =	sst s10  }
0x38: {  	s10 =	sld [smem:$0x3FAF]  }
0x39: {  	_ = 	snop;
	(pc) =	sbr.ind lr, $3  }
0x3a: {  	_ = 	snop  }
0x3b: {  	_ = 	snop  }
0x3c: {  	p2 =	seq.s32 s10, $0x1;
	s10 =	sld [smem:$0x3FAE]  }
0x3d: {  	_ =	shalt  }
0x3e: {  	_ =	shalt  }
0x3f: {  	_ =	shalt  }
0x40: {  	_ =	shalt  }
0x41: {  	_ =	shalt  }
0x42: {  	_ =	shalt  }
0x43: {  	_ =	shalt  }
0x44: {  	_ =	shalt  }
0x45: {  	_ =	shalt  }
0x46: {  	_ =	shalt  }
0x47: {  	_ =	shalt  }
0x48: {  	_ =	shalt  }
0x49: {  	_ =	shalt  }
0x4a: {  	_ =	shalt  }
0x4b: {  	_ =	shalt  }
0x4c: {  	_ =	shalt  }
0x4d: {  	_ =	shalt  }
0x4e: {  	_ =	shalt  }
0x4f: {  	_ =	shalt  }
0x50: {  	_ =	shalt  }
0x51: {  	_ =	shalt  }
0x52: {  	_ =	shalt  }
0x53: {  	_ =	shalt  }
0x54: {  	_ =	shalt  }
0x55: {  	_ =	shalt  }
0x56: {  	_ =	shalt  }
0x57: {  	_ =	shalt  }
0x58: {  	_ =	shalt  }
0x59: {  	_ =	shalt  }
0x5a: {  	_ =	shalt  }
0x5b: {  	_ =	shalt  }
0x5c: {  	_ =	shalt  }
0x5d: {  	_ =	shalt  }
0x5e: {  	_ =	shalt  }
0x5f: {  	_ =	shalt  }
0x60: {  	_ =	shalt  }
0x61: {  	_ =	shalt  }
0x62: {  	_ =	shalt  }
0x63: {  	_ =	shalt  }
0x64: {  	_ =	shalt  }
0x65: {  	_ =	shalt  }
0x66: {  	_ =	shalt  }
0x67: {  	_ =	shalt  }
0x68: {  	_ =	shalt  }
0x69: {  	_ =	shalt  }
0x6a: {  	_ =	shalt  }
0x6b: {  	_ =	shalt  }
0x6c: {  	_ =	shalt  }
0x6d: {  	_ =	shalt  }
0x6e: {  	_ =	shalt  }
0x6f: {  	_ =	shalt  }
0x70: {  	_ =	shalt  }
0x71: {  	_ =	shalt  }
0x72: {  	_ =	shalt  }
0x73: {  	_ =	shalt  }
0x74: {  	_ =	shalt  }
0x75: {  	_ =	shalt  }
0x76: {  	_ =	shalt  }
0x77: {  	_ =	shalt  }
0x78: {  	_ =	shalt  }
0x79: {  	_ =	shalt  }
0x7a: {  	_ =	shalt  }
0x7b: {  	_ =	shalt  }
0x7c: {  	_ =	shalt  }
0x7d: {  	_ =	shalt  }
0x7e: {  	_ =	shalt  }
0x7f: {  	_ =	shalt  }
0x80: {  	_ =	shalt  }
0x81: {  	_ =	shalt  }
0x82: {  	_ =	shalt  }
0x83: {  	_ =	shalt  }
0x84: {  	_ =	shalt  }
0x85: {  	_ =	shalt  }
0x86: {  	_ =	shalt  }
0x87: {  	_ =	shalt  }
.Lfunc_end0:
.L_simem_size_0:
called_computation_lowered:
.L_overlay_start_0:
0x88: {  	s2 =	sld [smem:$0x3FD9]  }
0x89: {  	s3 =	sld [smem:$0x3FFE];
	_ =	sdelay $0x1  }
0x8a: {  	s1 =	srdreg.scid  }
0x8b: {  	s0 =	sand.u32 $0x1, s1  }
0x8c: {  	s17 =	sshll.u32 s0, $0xA;
	s2 =	sadd.s32 s3, s2  }
0x8d: {  	s2 =	sadd.s32 s2, s17  }
0x8e: {  	[smem:$0x3FBA] =	sst s2  }
0x8f: {  	_ = 	snop  }
0x90: {  	s2 =	sld [smem:$0x3FC9]  }
0x91: {  	s18 =	sld [smem:$0x3FD0];
	(tm) =	ssettm $0x1  }
0x92: {  	s4 =	sld [smem:$0x3FFB];
	_ =	sdelay $0x3  }
0x93: {  	_ =	strace s4  }
0x94: {  	s4 =	sld [smem:$0x3FFC];
	_ =	sdelay $0x3  }
0x95: {  	_ =	strace s4  }
0x96: {  	s4 =	sld [smem:$0x3FFD];
	_ =	sdelay $0x3  }
0x97: {  	_ =	strace s4  }
0x98: {  	_ =	strace $0x8FFFFFFF  }
0x99: {  	s19 =	sld [smem:$0x3FDB];
	_ =	sdelay $0x1  }
0x9a: {  	s5 =	simm.s32 $_scs_section_size  }
0x9b: {  	s6 =	simm.s32 $_size__tile_overlayer_lowered;
	s7 =	simm.s32 $_tile_overlayer_lowered  }
0x9c: {  	s22 =	simm.s32 $0x1BFF;
	s21 =	sshll.u32 s7, $0x1;
	s4 =	sadd.s32 s5, s19  }
0x9d: {  	s8 =	simm.s32 $0x0;
	s20 =	sshll.u32 s6, $0x1;
	s6 =	sadd.s32 s21, s4  }
0x9e: {  	[timem:s8], [sflag:s22] =	dma.local [hbm:s6], s20  }
0x9f: {  	_ =	swait.ge [sflag:s22], s20  }
0xa0: {  	s5 =	ssub.s32 $0x0, s20;
	[sflag:s22] =	ssyncset.done $0x0  }
0xa1: {  	[sflag:s22] =	ssyncadd.s32 s5;
	_ =	sdelay $0x1  }
0xa2: {  	s23 =	simm.s32 $0x1B8B  }
0xa3: {  	_ =	swait.ge [sflag:s23], $0x1  }
0xa4: {  	[sflag:s23] =	ssyncset.done $0x0  }
0xa5: {  	s25 =	simm.s32 $0x1B8E;
	s24 =	sld [smem:$0x3FFE];
	[sflag:s23] =	ssyncadd.s32 $0xFFFFFFFF  }
0xa6: {  	s26 =	simm.s32 $execute0_lowered;
	[smem:$0x3FD2] =	sst s25  }
0xa7: {  	s6 =	sshll.u32 s26, $0x1;
	_ =	strace $0x80000046;
	[dreg:$0x1] =	wrdreg $0xFFFFFFFF  }
0xa8: {  	s28 =	simm.s32 $_size_execute0_lowered;
	s4 =	sadd.s32 s4, s6;
	[dreg:$0x0] =	wrdreg $0x0  }
0xa9: {  	s6 =	sshll.u32 s28, $0x1;
	[dreg:$0x2] =	wrdreg s4  }
0xaa: {  	[dreg:$0x3] =	wrdreg s6  }
0xab: {  	[dreg:$0x4] =	wrdreg $0xC0  }
0xac: {  	_ =	task [dreg:s8], $0x5FFFF  }
0xad: {  	[dreg:$0x1] =	wrdreg $0xFFFFFFFF  }
0xae: {  	[dreg:$0x0] =	wrdreg $0x60  }
0xaf: {  	[dreg:$0x2] =	wrdreg s2  }
0xb0: {  	[dreg:$0x3] =	wrdreg s24  }
0xb1: {  	[dreg:$0x4] =	wrdreg s18  }
0xb2: {  	[dreg:$0x5] =	wrdreg $0xB4000  }
0xb3: {  	[dreg:$0x6] =	wrdreg $0x9  }
0xb4: {  	_ =	task.clear_ibuf [dreg:s8], $0x7FFFF;
	_ =	strace $0x90000046  }
0xb5: {  	s29 =	simm.s32 $0x9;
	_ =	strace $0x80000048  }
0xb6: {  	_ =	swait.ge [sflag:s29], $0x1  }
0xb7: {  	[sflag:s29] =	ssyncadd.s32 $0xFFFFFFFF  }
0xb8: {  	_ =	strace $0x90000048  }
0xb9: {  	_ =	sfence  }
0xba: {  	s30 =	sld [smem:$0x0];
	_ =	sdelay $0x2  }
0xbb: {  	s31 =	sshll.u32 s1, $0xD;
	s1 =	sshrl.u32 s1, $0x2  }
0xbc: {  	s3 =	sand.u32 $0x4000, s31;
	s1 =	sadd.s32 s1, s30  }
0xbd: {  	s0 =	sor.u32 s3, s0;
	s1 =	sshll.u32 s1, $0x11  }
0xbe: {  	s0 =	sor.u32 s1, s0  }
0xbf: {  	s0 =	sadd.s32 $0x8F2B, s0  }
0xc0: {  	[sflag:s0] =	ssyncadd.remote.s32 $0x1  }
0xc1: {  	_ =	sfence.sel $0xFFFF  }
0xc2: {  	[dreg:$0x0] =	wrdreg $0xFFFFFFFF;
	(pc) =	sbr.abs _section_cstart, $3  }
0xc3: {  	[dreg:$0x1] =	wrdreg $0xFFFFFFFF  }
0xc4: {  	_ =	task.clear_ibuf [dreg:s8], $0x2FFFF;
	_ =	strace $0x9FFFFFFF  }
0xc5: {  	(tm) =	ssettm $0x7FFFFFFF  }
tec
execute0_lowered:
.L_overlay_start_1:
0x0: {  	(tag) =	ssettag $0x1  }
0x1: {  	s0 =	rddreg [dreg:$0x0]  }
0x2: {  	s1 =	rddreg [dreg:$0x1]  }
0x3: {  	s2 =	srdreg.scid;
	s9 =	rddreg [dreg:$0x2]  }
0x4: {  	s12 =	stileid.u32;
	s3 =	rddreg [dreg:$0x3]  }
0x5: {  	s4 =	simm.s32 $0x0;
	s28 =	simm.s32 $0x2;
	s29 =	simm.s32 $0x3  }
0x6: {  	s30 =	simm.s32 $0x4;
	s2 =	sand.u32 $0x1, s2;
	s6 =	smul.u32 $0x14000, s12  }
0x7: {  	s31 =	simm.s32 $0x5;
	[smem:$0x7FF] =	sst s4;
	s5 =	smul.u32 $0x140000, s2  }
0x8: {  	s8 =	smul.u32 $0x50000, s12;
	s16 =	sshll.u32 s12, $0x1;
	s20 =	sshrl.u32 s12, $0x2  }
0x9: {  	_ =	strace $0x80000047;
	s10 =	ssub.s32 $0x2, s2;
	s5 =	sadd.s32 s6, s5  }
0xa: {  	s8 =	sshrl.u32 s8, $0x2;
	s6 =	sadd.s32 $0x2800, s1;
	s7 =	sshrl.u32 s5, $0x3  }
0xb: {  	s5 =	sadd.s32 $0xC600, s1;
	s1 =	sadd.s32 s7, s1;
	s7 =	sadd.s32 s8, s3  }
0xc: {  	s2 =	sor.u32 s2, s16;
	s11 =	sshrl.u32 s10, $0x1;
	s17 =	sadd.s32 $0x2800, s7  }
0xd: {  	s10 =	ssub.s32 s10, s11;
	s18 =	sadd.s32 $0x5000, s7;
	[dreg:$0x5] =	wrdreg s17  }
0xe: {  	s11 =	smul.u32 $0x14000, s20;
	s19 =	sadd.s32 $0x7800, s7;
	[dreg:$0x6] =	wrdreg s18  }
0xf: {  	s20 =	smax.u32 s10, $0x1;
	s21 =	sadd.s32 $0xA000, s7;
	[dreg:$0x7] =	wrdreg s19  }
0x10: {  	s8 =	smul.u32 $0x2710, s2;
	s22 =	sadd.s32 $0xC800, s7;
	[dreg:$0x8] =	wrdreg s21  }
0x11: {  	s2 =	sshll.u32 s2, $0x7;
	s23 =	sadd.s32 $0xF000, s7;
	[dreg:$0x9] =	wrdreg s22  }
0x12: {  	s2 =	sand.u32 $0x380, s2;
	s24 =	sadd.s32 $0x11800, s7;
	[dreg:$0xa] =	wrdreg s23  }
0x13: {  	[dreg:$0xb] =	wrdreg s24;
	s25 =	sshrl.u32 s8, $0x3;
	s2 =	sor.u32 s11, s2  }
0x14: {  	s18 =	sadd.s32 $0x16400, s1;
	s21 =	simm.s32 $0x3C00;
	s22 =	simm.s32 $0x6  }
0x15: {  	s23 =	simm.s32 $0x1;
	s24 =	simm.s32 $0x50;
	s26 =	sadd.s32 s5, s25  }
0x16: {  	s17 =	sadd.s32 s6, s25;
	s2 =	sshrl.u32 s2, $0x3;
	s25 =	simm.s32 $0x6400  }
0x17: {  	v0 =	vimm.f32 $0.0e+00;
	v1 =	vimm.f32 $1.000000000e+00;
	[dreg:$0xc] =	wrdreg s26;
	s19 =	sadd.s32 s9, s2;
	s26 =	simm.s32 $0x8C00  }
.LBB2_1:
0x18: {  	s1 =	simm.s32 $0x0;
	s2 =	simm.s32 $0x0  }
.LBB2_2:
0x19: {  	p0 =	sne.s32 s2, $0x9FC0  }
.Ltmp0:
0x1a: {  	_ = 	snop;
	(pc) =	sbr.rel @p0 .LBB2_2-.Ltmp0, $4  }
0x1b: {  	s9 =	sand.u32 $0xFE00, s2  }
0x1c: {  	s10 =	sand.u32 $0x70, s1;
	s9 =	sshrl.u32 s9, $0x2  }
0x1d: {  	s9 =	sor.u32 s10, s9  }
0x1e: {  	s1 =	sadd.s32 $0x10, s1;
	s2 =	sadd.s32 $0x40, s2;
	[tilespmem:s9+$0x3C00] =	vst v0  }
0x1f: {  	s1 =	simm.s32 $0x40;
	s2 =	simm.s32 $0x0  }
.LBB2_4:
0x20: {  	p0 =	sne.s32 s1, $0x9FC0;
	[tilespmem:s2+$0x8C00] =	vst v0;
	s2 =	smov.u32 s1;
	s1 =	sadd.s32 $0x40, s1  }
.Ltmp1:
0x21: {  	(pc) =	sbr.rel @p0 .LBB2_4-.Ltmp1, $2  }
0x22: {  	_ =	sdelay $0x2  }
0x23: {  	s2 =	sshra.s32 s2, $0x2  }
0x24: {  	[tilespmem:s2+$0x8C00] =	vst v0  }
0x25: {  	[spmem:s7] =	stream.linear.scatter [tilespmem:s21], [sflag:$0x6], $0x2800, $0x38;
	[tilespmem:$0x1F400] =	vst v63  }
0x26: {  	_ =	swait.ge [sflag:s22], $0x2800  }
0x27: {  	[sflag:s22] =	ssyncset.done $0x0  }
0x28: {  	s1 =	rddreg [dreg:$0x5];
	[sflag:s22] =	ssyncadd.s32 $0xFFFFD800  }
0x29: {  	[spmem:s1] =	stream.linear.scatter [tilespmem:s21], [sflag:$0x6], $0x2800, $0x38;
	[tilespmem:$0x1F400] =	vst v63  }
0x2a: {  	_ =	swait.ge [sflag:s22], $0x2800  }
0x2b: {  	[sflag:s22] =	ssyncset.done $0x0  }
0x2c: {  	s10 =	rddreg [dreg:$0x6];
	[sflag:s22] =	ssyncadd.s32 $0xFFFFD800  }
0x2d: {  	[spmem:s10] =	stream.linear.scatter [tilespmem:s21], [sflag:$0x6], $0x2800, $0x38;
	[tilespmem:$0x1F400] =	vst v63  }
0x2e: {  	_ =	swait.ge [sflag:s22], $0x2800  }
0x2f: {  	[sflag:s22] =	ssyncset.done $0x0  }
0x30: {  	s11 =	rddreg [dreg:$0x7];
	[sflag:s22] =	ssyncadd.s32 $0xFFFFD800  }
0x31: {  	[spmem:s11] =	stream.linear.scatter [tilespmem:s21], [sflag:$0x6], $0x2800, $0x38;
	[tilespmem:$0x1F400] =	vst v63  }
0x32: {  	_ =	swait.ge [sflag:s22], $0x2800  }
0x33: {  	[sflag:s22] =	ssyncset.done $0x0  }
0x34: {  	s12 =	rddreg [dreg:$0x8];
	[sflag:s22] =	ssyncadd.s32 $0xFFFFD800  }
0x35: {  	[spmem:s12] =	stream.linear.scatter [tilespmem:s21], [sflag:$0x6], $0x2800, $0x38;
	[tilespmem:$0x1F400] =	vst v63  }
0x36: {  	_ =	swait.ge [sflag:s22], $0x2800  }
0x37: {  	[sflag:s22] =	ssyncset.done $0x0  }
0x38: {  	s13 =	rddreg [dreg:$0x9];
	[sflag:s22] =	ssyncadd.s32 $0xFFFFD800  }
0x39: {  	[spmem:s13] =	stream.linear.scatter [tilespmem:s21], [sflag:$0x6], $0x2800, $0x38;
	[tilespmem:$0x1F400] =	vst v63  }
0x3a: {  	_ =	swait.ge [sflag:s22], $0x2800  }
0x3b: {  	[sflag:s22] =	ssyncset.done $0x0  }
0x3c: {  	s14 =	rddreg [dreg:$0xa];
	[sflag:s22] =	ssyncadd.s32 $0xFFFFD800  }
0x3d: {  	[spmem:s14] =	stream.linear.scatter [tilespmem:s21], [sflag:$0x6], $0x2800, $0x38;
	[tilespmem:$0x1F400] =	vst v63  }
0x3e: {  	_ =	swait.ge [sflag:s22], $0x2800  }
0x3f: {  	[sflag:s22] =	ssyncset.done $0x0  }
0x40: {  	s15 =	rddreg [dreg:$0xb];
	[sflag:s22] =	ssyncadd.s32 $0xFFFFD800  }
0x41: {  	[spmem:s15] =	stream.linear.scatter [tilespmem:s21], [sflag:$0x6], $0x2800, $0x38;
	[tilespmem:$0x1F400] =	vst v63  }
0x42: {  	_ =	swait.ge [sflag:s22], $0x2800  }
0x43: {  	[sflag:s22] =	ssyncset.done $0x0  }
0x44: {  	[sflag:s22] =	ssyncadd.s32 $0xFFFFD800  }
0x45: {  	[bflag:$0x0] =	sbarrier.arrive $0xFFFF  }
0x46: {  	s2 =	simm.s32 $0x0;
	s16 =	rddreg [dreg:$0xc]  }
0x47: {  	[tilespmem:s2], [sflag:$0x6] =	stream.linear.gather [hbm4b:s16+s2], $0x7D0, $0x38;
	[tilespmem:$0x1F400] =	vst v63  }
0x48: {  	_ =	swait.ge [sflag:s22], $0x7D0  }
0x49: {  	p0 =	por $0x0, $0x0;
	s1 =	smul.u32 $0xCD, s2;
	[sflag:s22] =	ssyncset.done $0x0  }
.Ltmp2:
0x4a: {  	s9 =	simm.s32 $0x1000;
	[sflag:s22] =	ssyncadd.s32 $0xFFFFF830;
	(pc) =	sbr.rel @p0 .LBB2_7-.Ltmp2, $4  }
0x4b: {  	[tilespmem:s9], [sflag:$0x6] =	stream.linear.gather [hbm4b:s17+s2], $0x7D0, $0x38;
	[tilespmem:$0x1F400] =	vst v63  }
0x4c: {  	s10 =	sshrl.u32 s1, $0xA;
	_ =	swait.ge [sflag:s22], $0x7D0  }
0x4d: {  	s11 =	sand.u32 $0x3F, s10;
	s10 =	simm.s32 $0x1;
	[sflag:s22] =	ssyncset.done $0x0  }
0x4e: {  	s12 =	smul.u32 $0x5, s11;
	s11 =	simm.s32 $0x0;
	[sflag:s22] =	ssyncadd.s32 $0xFFFFF830  }
.LBB2_6:
0x4f: {  	s13 =	smul.u32 $0xCD, s10;
	v2 =	vld [tilespmem:s9+$0x0];
	s14 =	smov.u32 s10;
	p0 =	seq.s32 s10, $0x7C  }
.Ltmp3:
0x50: {  	s10 =	sadd.s32 $0x1, s10;
	s11 =	ssub.s32 s11, s12;
	(pc) =	sbr.rel @!p0 .LBB2_6-.Ltmp3, $4  }
0x51: {  	s12 =	sshrl.u32 s1, $0x3;
	s11 =	sand.u32 $0xFF, s11;
	s1 =	smov.u32 s13  }
0x52: {  	s12 =	sand.u32 $0x1F80, s12;
	s13 =	sshrl.u32 s1, $0xA;
	s11 =	sshll.u32 s11, $0x4  }
0x53: {  	s13 =	sand.u32 $0x3F, s13;
	s15 =	sor.u32 s11, s12;
	s11 =	smov.u32 s14  }
0x54: {  	s9 =	sadd.s32 $0x10, s9;
	s12 =	smul.u32 $0x5, s13;
	[tilespmem:s15+$0x2000] =	vst v2  }
.LBB2_7:
0x55: {  	v2 =	vld [tilespmem:s9+$0x0]  }
0x56: {  	s16 =	ssub.s32 s11, s12  }
0x57: {  	s1 =	sshrl.u32 s1, $0x3;
	s9 =	sand.u32 $0xFF, s16  }
0x58: {  	s1 =	sand.u32 $0x1F80, s1;
	s9 =	sshll.u32 s9, $0x4  }
0x59: {  	s1 =	sor.u32 s9, s1  }
0x5a: {  	p0 =	por $0x0, $0x0;
	p1 =	por $0x1, $0x1;
	[tilespmem:s1+$0x2000] =	vst v2  }
.LBB2_9:
0x5b: {  	s11 =	sand.u32 $0x1, s2;
	s2 =	sadd.s32 $0x1, s2  }
0x5c: {  	s14 =	simm.s32 $0x1;
	s1 =	smin.u32 s2, $0x4  }
0x5d: {  	s14 =	simm.s32 @!p0 $0x0;
	s1 =	smul.u32 $0x7D0, s1  }
0x5e: {  	s9 =	simm.s32 $0x1;
	s16 =	smul.u32 $0x3200, s14  }
0x5f: {  	s9 =	simm.s32 @!p1 $0x0;
	s14 =	smul.u32 $0x1F40, s14  }
0x60: {  	s13 =	smul.u32 $0x1F40, s9;
	s9 =	sxor.u32 $0x1, s11;
	s1 =	sadd.s32 s8, s1  }
0x61: {  	s10 =	smul.u32 $0x7D0, s9;
	s14 =	sshrl.u32 s14, $0x2;
	s1 =	sshrl.u32 s1, $0x3  }
0x62: {  	s12 =	simm.s32 $0x0;
	s14 =	sadd.s32 $0xA0, s14;
	s15 =	sadd.s32 s5, s1  }
0x63: {  	[tilespmem:s10], [sflag:$0x5] =	stream.linear.gather [hbm4b:s15+s12], $0x7D0, $0x38;
	[tilespmem:$0x1F400] =	vst v63  }
0x64: {  	s1 =	sadd.s32 s6, s1;
	s10 =	sor.u32 $0x1000, s10;
	s15 =	smul.u32 $0x1F40, s11  }
0x65: {  	[tilespmem:s10], [sflag:$0x5] =	stream.linear.gather [hbm4b:s1+s12], $0x7D0, $0x38;
	[tilespmem:$0x1F400] =	vst v63  }
0x66: {  	s10 =	sshrl.u32 s15, $0x2;
	s1 =	sshrl.u32 s16, $0x2;
	s16 =	sshrl.u32 s13, $0x2  }
0x67: {  	[tilespmem:s21], [sflag:$0x1] =	stream.indirect.gather [hbm4b:s0+s24], $0x80, s10, s24, $0xb8;
	[tilespmem:$0x1F400] =	vst v63  }
0x68: {  	s15 =	sadd.s32 $0x50, s10;
	s13 =	sor.u32 $0x2000, s1;
	s1 =	sor.u32 $0x1000, s16  }
0x69: {  	v2 =	vmov s13;
	[tilespmem:s25], [sflag:$0x2] =	stream.indirect.gather [hbm4b:s0+s24], $0x80, s15, s24, $0xb8;
	[tilespmem:$0x1F400] =	vst v63  }
.LBB2_10:
0x6a: {  	_ =	swait.ge [sflag:s23], $0x2800  }
0x6b: {  	s15 =	sshra.s32 s12, $0x2;
	[sflag:s23] =	ssyncset.done $0x0  }
0x6c: {  	s16 =	sadd.s32 s15, s13;
	[sflag:s23] =	ssyncadd.s32 $0xFFFFD800  }
0x6d: {  	[spmem:s3] =	stream.indirect.scatter.add.f32 [tilespmem:s21], [sflag:$0x3], $0x80, s16, s24, $0xb8;
	[tilespmem:$0x1F400] =	vst v63  }
0x6e: {  	v3 =	vld.idx.msk [tilespmem:v2+s15+$0x0 ss:$0x1], $0xffff;
	_ =	sdelay $0x7  }
0x6f: {  	[tilespmem:v3+s26+$0x0] =	vst.idx.add.f32.msk $0xffff, v1  }
0x70: {  	v3 =	vld.idx.msk [tilespmem:v2+s15+$0x10 ss:$0x1], $0xffff;
	_ =	sdelay $0x7  }
0x71: {  	[tilespmem:v3+s26+$0x0] =	vst.idx.add.f32.msk $0xffff, v1  }
0x72: {  	v3 =	vld.idx.msk [tilespmem:v2+s15+$0x20 ss:$0x1], $0xffff;
	_ =	sdelay $0x7  }
0x73: {  	[tilespmem:v3+s26+$0x0] =	vst.idx.add.f32.msk $0xffff, v1  }
0x74: {  	v3 =	vld.idx.msk [tilespmem:v2+s15+$0x30 ss:$0x1], $0xffff;
	_ =	sdelay $0x7  }
0x75: {  	[tilespmem:v3+s26+$0x0] =	vst.idx.add.f32.msk $0xffff, v1  }
0x76: {  	v3 =	vld.idx.msk [tilespmem:v2+s15+$0x40 ss:$0x1], $0xffff;
	_ =	sdelay $0x7  }
0x77: {  	[tilespmem:v3+s26+$0x0] =	vst.idx.add.f32.msk $0xffff, v1  }
0x78: {  	_ =	swait.ge [sflag:s28], $0x2800  }
0x79: {  	[sflag:s28] =	ssyncset.done $0x0  }
0x7a: {  	s16 =	sadd.s32 $0x80, s16;
	[sflag:s28] =	ssyncadd.s32 $0xFFFFD800  }
0x7b: {  	[spmem:s3] =	stream.indirect.scatter.add.f32 [tilespmem:s25], [sflag:$0x4], $0x80, s16, s24, $0xb8;
	[tilespmem:$0x1F400] =	vst v63  }
0x7c: {  	v3 =	vld.idx.msk [tilespmem:v2+s15+$0x80 ss:$0x1], $0xffff;
	_ =	sdelay $0x7  }
0x7d: {  	[tilespmem:v3+s26+$0x0] =	vst.idx.add.f32.msk $0xffff, v1  }
0x7e: {  	v3 =	vld.idx.msk [tilespmem:v2+s15+$0x90 ss:$0x1], $0xffff;
	_ =	sdelay $0x7  }
0x7f: {  	[tilespmem:v3+s26+$0x0] =	vst.idx.add.f32.msk $0xffff, v1  }
0x80: {  	v3 =	vld.idx.msk [tilespmem:v2+s15+$0xA0 ss:$0x1], $0xffff;
	_ =	sdelay $0x7  }
0x81: {  	[tilespmem:v3+s26+$0x0] =	vst.idx.add.f32.msk $0xffff, v1  }
0x82: {  	v3 =	vld.idx.msk [tilespmem:v2+s15+$0xB0 ss:$0x1], $0xffff;
	_ =	sdelay $0x7  }
0x83: {  	[tilespmem:v3+s26+$0x0] =	vst.idx.add.f32.msk $0xffff, v1  }
0x84: {  	v3 =	vld.idx.msk [tilespmem:v2+s15+$0xC0 ss:$0x1], $0xffff;
	_ =	sdelay $0x7  }
0x85: {  	[tilespmem:v3+s26+$0x0] =	vst.idx.add.f32.msk $0xffff, v1  }
0x86: {  	_ =	swait.ge [sflag:s29], $0x2800  }
0x87: {  	[sflag:s29] =	ssyncset.done $0x0  }
0x88: {  	p2 =	sne.s32 s12, $0x2800;
	[sflag:s29] =	ssyncadd.s32 $0xFFFFD800  }
0x89: {  	[tilespmem:s21], [sflag:$0x1] =	stream.indirect.gather [hbm4b:s0+s24], $0x80, s14, s24, $0xb8;
	[tilespmem:$0x1F400] =	vst v63  }
.Ltmp4:
0x8a: {  	_ = 	snop;
	(pc) =	sbr.rel @p2 .LBB2_10-.Ltmp4, $4  }
0x8b: {  	_ =	swait.ge [sflag:s30], $0x2800  }
0x8c: {  	s12 =	sadd.s32 $0x400, s12;
	[sflag:s30] =	ssyncset.done $0x0  }
0x8d: {  	s16 =	sadd.s32 $0x50, s14;
	s14 =	sadd.s32 $0xA0, s14;
	[sflag:s30] =	ssyncadd.s32 $0xFFFFD800  }
0x8e: {  	[tilespmem:s25], [sflag:$0x2] =	stream.indirect.gather [hbm4b:s0+s24], $0x80, s16, s24, $0xb8;
	[tilespmem:$0x1F400] =	vst v63  }
0x8f: {  	s11 =	smul.u32 $0x3200, s11  }
0x90: {  	_ =	swait.ge [sflag:s23], $0x2800  }
0x91: {  	[sflag:s23] =	ssyncset.done $0x0;
	s11 =	sshrl.u32 s11, $0x2  }
0x92: {  	[sflag:s23] =	ssyncadd.s32 $0xFFFFD800;
	s12 =	sadd.s32 $0x2B00, s11  }
0x93: {  	[spmem:s3] =	stream.indirect.scatter.add.f32 [tilespmem:s21], [sflag:$0x3], $0x80, s12, s24, $0xb8;
	[tilespmem:$0x1F400] =	vst v63  }
0x94: {  	v2 =	vld [tilespmem:s11+$0x2B00];
	_ =	sdelay $0x7  }
0x95: {  	[tilespmem:v2+s26+$0x0] =	vst.idx.add.f32.msk $0xffff, v1  }
0x96: {  	v2 =	vld [tilespmem:s11+$0x2B10];
	_ =	sdelay $0x7  }
0x97: {  	[tilespmem:v2+s26+$0x0] =	vst.idx.add.f32.msk $0xffff, v1  }
0x98: {  	v2 =	vld [tilespmem:s11+$0x2B20];
	_ =	sdelay $0x7  }
0x99: {  	[tilespmem:v2+s26+$0x0] =	vst.idx.add.f32.msk $0xffff, v1  }
0x9a: {  	v2 =	vld [tilespmem:s11+$0x2B30];
	_ =	sdelay $0x7  }
0x9b: {  	[tilespmem:v2+s26+$0x0] =	vst.idx.add.f32.msk $0xffff, v1  }
0x9c: {  	v2 =	vld [tilespmem:s11+$0x2B40];
	_ =	sdelay $0x7  }
0x9d: {  	[tilespmem:v2+s26+$0x0] =	vst.idx.add.f32.msk $0xffff, v1  }
0x9e: {  	_ =	swait.ge [sflag:s28], $0x2800  }
0x9f: {  	[sflag:s28] =	ssyncset.done $0x0  }
0xa0: {  	s14 =	sadd.s32 $0x2B80, s11;
	[sflag:s28] =	ssyncadd.s32 $0xFFFFD800  }
0xa1: {  	[spmem:s3] =	stream.indirect.scatter.add.f32 [tilespmem:s25], [sflag:$0x4], $0x80, s14, s24, $0xb8;
	[tilespmem:$0x1F400] =	vst v63  }
0xa2: {  	v2 =	vld [tilespmem:s11+$0x2B80];
	_ =	sdelay $0x7  }
0xa3: {  	[tilespmem:v2+s26+$0x0] =	vst.idx.add.f32.msk $0xffff, v1  }
0xa4: {  	v2 =	vld [tilespmem:s11+$0x2B90];
	_ =	sdelay $0x7  }
0xa5: {  	[tilespmem:v2+s26+$0x0] =	vst.idx.add.f32.msk $0xffff, v1  }
0xa6: {  	v2 =	vld [tilespmem:s11+$0x2BA0];
	_ =	sdelay $0x7  }
0xa7: {  	[tilespmem:v2+s26+$0x0] =	vst.idx.add.f32.msk $0xffff, v1  }
0xa8: {  	v2 =	vld [tilespmem:s11+$0x2BB0];
	_ =	sdelay $0x7  }
0xa9: {  	[tilespmem:v2+s26+$0x0] =	vst.idx.add.f32.msk $0xffff, v1  }
0xaa: {  	v2 =	vld [tilespmem:s11+$0x2BC0];
	_ =	sdelay $0x7  }
0xab: {  	[tilespmem:v2+s26+$0x0] =	vst.idx.add.f32.msk $0xffff, v1  }
0xac: {  	_ =	swait.ge [sflag:s29], $0x2800  }
0xad: {  	[sflag:s29] =	ssyncset.done $0x0  }
0xae: {  	s10 =	sadd.s32 $0x780, s10;
	[sflag:s29] =	ssyncadd.s32 $0xFFFFD800  }
0xaf: {  	[tilespmem:s21], [sflag:$0x1] =	stream.indirect.gather [hbm4b:s0+s24], $0x80, s10, s24, $0xb8;
	[tilespmem:$0x1F400] =	vst v63  }
0xb0: {  	_ =	swait.ge [sflag:s30], $0x2800  }
0xb1: {  	[sflag:s30] =	ssyncset.done $0x0  }
0xb2: {  	[sflag:s30] =	ssyncadd.s32 $0xFFFFD800  }
0xb3: {  	[tilespmem:s25], [sflag:$0x2] =	stream.indirect.gather [hbm4b:s0+s24], $0x80, s10, s24, $0xb8;
	[tilespmem:$0x1F400] =	vst v63  }
0xb4: {  	_ =	swait.ge [sflag:s23], $0x2800  }
0xb5: {  	[sflag:s23] =	ssyncset.done $0x0  }
0xb6: {  	s15 =	sadd.s32 $0x2C00, s11;
	[sflag:s23] =	ssyncadd.s32 $0xFFFFD800  }
0xb7: {  	[spmem:s3] =	stream.indirect.scatter.add.f32 [tilespmem:s21], [sflag:$0x3], $0x80, s15, s24, $0xb8;
	[tilespmem:$0x1F400] =	vst v63  }
0xb8: {  	v2 =	vld [tilespmem:s11+$0x2C00];
	_ =	sdelay $0x7  }
0xb9: {  	[tilespmem:v2+s26+$0x0] =	vst.idx.add.f32.msk $0xffff, v1  }
0xba: {  	v2 =	vld [tilespmem:s11+$0x2C10];
	_ =	sdelay $0x7  }
0xbb: {  	[tilespmem:v2+s26+$0x0] =	vst.idx.add.f32.msk $0xffff, v1  }
0xbc: {  	v2 =	vld [tilespmem:s11+$0x2C20];
	_ =	sdelay $0x7  }
0xbd: {  	[tilespmem:v2+s26+$0x0] =	vst.idx.add.f32.msk $0xffff, v1  }
0xbe: {  	v2 =	vld [tilespmem:s11+$0x2C30];
	_ =	sdelay $0x7  }
0xbf: {  	[tilespmem:v2+s26+$0x0] =	vst.idx.add.f32.msk $0xffff, v1  }
0xc0: {  	v2 =	vld [tilespmem:s11+$0x2C40];
	_ =	sdelay $0x7  }
0xc1: {  	[tilespmem:v2+s26+$0x0] =	vst.idx.add.f32.msk $0xffff, v1  }
0xc2: {  	_ =	swait.ge [sflag:s28], $0x2800  }
0xc3: {  	[sflag:s28] =	ssyncset.done $0x0  }
0xc4: {  	[sflag:s28] =	ssyncadd.s32 $0xFFFFD800  }
0xc5: {  	_ =	swait.ge [sflag:s29], $0x2800  }
0xc6: {  	[sflag:s29] =	ssyncset.done $0x0  }
0xc7: {  	[sflag:s29] =	ssyncadd.s32 $0xFFFFD800  }
0xc8: {  	s10 =	simm.s32 $0x0;
	_ =	swait.ge [sflag:s31], $0x7D0  }
0xc9: {  	s16 =	smul.u32 $0xCD, s10;
	[sflag:s31] =	ssyncset.done $0x0  }
0xca: {  	[sflag:s31] =	ssyncadd.s32 $0xFFFFF830  }
0xcb: {  	s11 =	sshrl.u32 s16, $0xA;
	_ =	swait.ge [sflag:s31], $0x7D0  }
0xcc: {  	s9 =	smul.u32 $0x19, s9;
	s12 =	sand.u32 $0x3F, s11;
	[sflag:s31] =	ssyncset.done $0x0  }
0xcd: {  	s11 =	simm.s32 $0x1;
	s13 =	smul.u32 $0x5, s12;
	[sflag:s31] =	ssyncadd.s32 $0xFFFFF830  }
.LBB2_12:
0xce: {  	s14 =	smul.u32 $0xCD, s11;
	v2 =	vld [tilespmem:s1+$0x0];
	s15 =	smov.u32 s11;
	p2 =	seq.s32 s11, $0x7C  }
.Ltmp5:
0xcf: {  	s11 =	sadd.s32 $0x1, s11;
	s10 =	ssub.s32 s10, s13;
	(pc) =	sbr.rel @!p2 .LBB2_12-.Ltmp5, $4  }
0xd0: {  	s12 =	sadd.s32 s12, s9;
	s13 =	sand.u32 $0xFF, s10;
	s10 =	smov.u32 s15  }
0xd1: {  	s14 =	sshrl.u32 s14, $0xA;
	s15 =	sshll.u32 s12, $0x7;
	s13 =	sshll.u32 s13, $0x4  }
0xd2: {  	s12 =	sand.u32 $0x3F, s14;
	s14 =	sor.u32 s13, s15  }
0xd3: {  	s1 =	sadd.s32 $0x10, s1;
	s13 =	smul.u32 $0x5, s12;
	[tilespmem:s14+$0x2000] =	vst v2  }
0xd4: {  	v2 =	vld [tilespmem:s1+$0x0]  }
0xd5: {  	s16 =	ssub.s32 s10, s13  }
0xd6: {  	s9 =	sadd.s32 s12, s9;
	s1 =	sand.u32 $0xFF, s16  }
0xd7: {  	s9 =	sshll.u32 s9, $0x7;
	s1 =	sshll.u32 s1, $0x4  }
0xd8: {  	s1 =	sor.u32 s1, s9  }
0xd9: {  	[tilespmem:s1+$0x2000] =	vst v2  }
0xda: {  	p2 =	seq.s32 s2, $0x5  }
.Ltmp6:
0xdb: {  	_ = 	snop;
	(pc) =	sbr.rel @!p2 .LBB2_9-.Ltmp6, $2  }
0xdc: {  	_ =	sdelay $0x2  }
0xdd: {  	p0 =	por !p0, !p0;
	p1 =	por !p1, !p1  }
0xde: {  	s1 =	stileid.u32  }
0xdf: {  	s1 =	sshll.u32 s1, $0x6  }
0xe0: {  	[bflag:$0x0] =	sbarrier.arrive $0xFFFF;
	s2 =	sshrl.u32 s7, $0x3;
	s1 =	sor.u32 $0x1C06, s1  }
0xe1: {  	[hbm:s18], [sflag:s1] =	dma.local [spmem:s2], $0x2800  }
0xe2: {  	s4 =	sadd.s32 $0x1, s4;
	_ =	swait.ge [sflag:s22], $0x2800  }
0xe3: {  	s15 =	simm.s32 $0x80;
	p0 =	sne.s32 s4, s20;
	[sflag:s22] =	ssyncset.done $0x0  }
.Ltmp7:
0xe4: {  	s16 =	simm.s32 $0x400;
	[sflag:s22] =	ssyncadd.s32 $0xFFFFD800;
	(pc) =	sbr.rel @p0 .LBB2_1-.Ltmp7, $4  }
0xe5: {  	[hbm4b:s19+s15] =	stream.strided.scatter [tilespmem:s26], [sflag:$0x6], $0x2800, s16, s15, $0x38;
	[tilespmem:$0x1F400] =	vst v63  }
0xe6: {  	_ =	swait.ge [sflag:s22], $0x2800  }
0xe7: {  	[sflag:s22] =	ssyncset.done $0x0  }
0xe8: {  	[sflag:s22] =	ssyncadd.s32 $0xFFFFD800  }
0xe9: {  	_ =	sfence.sel $0x180000  }
0xea: {  	[bflag:$0x0] =	sbarrier.arrive $0xFFFF  }
0xeb: {  	_ =	strace $0x90000047  }
0xec: {  	s0 =	stileid.u32;
	[bflag:$0x2] =	sbarrier.arrive $0xFFFF  }
0xed: {  	p0 =	sne.s32 s0, $0x0;
	s0 =	rddreg [dreg:$0x4]  }
0xee: {  	s0 =	sadd.s32 @!p0 $0x100000, s0  }
0xef: {  	[sflag:s0] =	ssyncadd.tile.s32 @!p0 $0x1;
	_ =	shalt  }
.Lfunc_end2:
_tile_overlayer_lowered:
.L_overlay_start_2:
0xf0: {  	(tag) =	ssettag $0x2  }
0xf1: {  	s0 =	rddreg [dreg:$0x0];
	s2 =	stileid.u32  }
0xf2: {  	s1 =	rddreg [dreg:$0x1];
	p0 =	sne.s32 s2, $0x0  }
0xf3: {  	s3 =	rddreg [dreg:$0x2];
	[bflag:$0x3] =	sbarrier.arrive $0xFFFF;
	s2 =	simm.s32 @!p0 $0x1C06  }
0xf4: {  	[timem:s3], [sflag:s2] =	dma.local @!p0 [hbm:s0], s1  }
0xf5: {  	s0 =	simm.s32 @!p0 $0x6  }
0xf6: {  	_ =	swait.ge @!p0 [sflag:s0], s1  }
0xf7: {  	s1 =	ssub.s32 @!p0 $0x0, s1;
	[sflag:s0] =	ssyncset.done @!p0 $0x0  }
0xf8: {  	[sflag:s0] =	ssyncadd.s32 @!p0 s1  }
0xf9: {  	[bflag:$0x3] =	sbarrier.arrive $0xFFFF  }
0xfa: {  	_ =	shalt  }

// kernel: kernel.9.cloned.1.call-start
scs
__scs_entry_jumppad:
0x0: {  	(pc) =	sbr.rel $0x88, $3  }
0x1: {  	(tag) =	ssettag $0x0;
	lr =	simm.s32 $0x1  }
0x2: {  	[smem:$0x3F93] =	sst lr;
	_ =	strace $0xD0000000  }
0x3: {  	_ = 	snop  }
0x4: {  	_ = 	snop  }
0x5: {  	_ = 	snop  }
0x6: {  	_ = 	snop  }
0x7: {  	_ = 	snop  }
__scs_overlays_trampoline_lowered:
0x8: {  	[smem:$0x3FA2] =	sst s0  }
0x9: {  	[smem:$0x3FA3] =	sst s1  }
0xa: {  	[smem:$0x3FA4] =	sst s2  }
0xb: {  	[smem:$0x3FA5] =	sst s3  }
0xc: {  	[smem:$0x3FA6] =	sst s4  }
0xd: {  	[smem:$0x3FA7] =	sst s5  }
0xe: {  	[smem:$0x3FA8] =	sst s6  }
0xf: {  	[smem:$0x3FA9] =	sst s7  }
0x10: {  	[smem:$0x3FAA] =	sst s8  }
0x11: {  	[smem:$0x3FAB] =	sst s9;
	s0 =	simm.s32 @!p0 $0x0  }
0x12: {  	s1 =	sld [smem:$0x3F91];
	s0 =	simm.s32 @p0 $0x1  }
0x13: {  	[smem:$0x3FAC] =	sst s0;
	s0 =	simm.s32 @!p1 $0x0  }
0x14: {  	s2 =	sld [smem:$0x3F90];
	s0 =	simm.s32 @p1 $0x1  }
0x15: {  	[smem:$0x3FAD] =	sst s0;
	s0 =	simm.s32 @!p2 $0x0  }
0x16: {  	s3 =	sld [smem:$0x3FDB];
	s0 =	simm.s32 @p2 $0x1  }
0x17: {  	s4 =	simm.s32 $0x1BF5;
	[smem:$0x3FAF] =	sst s0  }
0x18: {  	s0 =	sld [smem:$0x3F92];
	_ =	swait.ge [sflag:s4], $0x0  }
0x19: {  	s7 =	sld [smem:$0x3F93]  }
0x1a: {  	s8 =	sadd.s32 $0xFFFFE003, lr  }
0x1b: {  	s9 =	sadd.s32 $0xFFFFFEF7, lr;
	s5 =	simm.s32 $0xFFFFFFFF;
	p2 =	slt.u32 s8, $0xFFFFF086  }
0x1c: {  	p1 =	slt.u32 s9, $0xF7A;
	s5 =	simm.s32 @!p2 $0x0  }
0x1d: {  	s5 =	simm.s32 @p1 $0x1;
	p0 =	seq.s32 s7, s2  }
0x1e: {  	s7 =	smul.u32 @!p0 $0xF7A, s2;
	p2 =	seq.s32 @!p0 s5, $0x0  }
0x1f: {  	s9 =	smul.u32 $0xF7A, s1;
	s8 =	simm.s32 @!p0 $0x1BF5;
	p2 =	por !p2, p0  }
0x20: {  	[sflag:s8] =	ssyncset.s32 @!p0 $0xFFFFF086;
	s6 =	sadd.s32 @!p0 s3, s7;
	s7 =	simm.s32 @!p0 $0x108  }
0x21: {  	s3 =	sadd.s32 s3, s9;
	s6 =	sadd.s32 @!p0 $0x88, s6;
	s7 =	simm.s32 @p2 $0x1082  }
0x22: {  	[simem:s7], [sflag:s8] =	dma.local @!p0 [hbm:s6], $0xF7A  }
0x23: {  	s9 =	sor.u32 $0xD0000000, s2;
	s6 =	simm.s32 $0x108;
	_ =	swait.ge @!p0 [sflag:s8], $0x0  }
0x24: {  	s3 =	sadd.s32 $0x88, s3;
	s6 =	simm.s32 @!p1 $0x1082;
	[sflag:s4] =	ssyncset.s32 $0xFFFFF086  }
0x25: {  	[simem:s6], [sflag:s4] =	dma.local [hbm:s3], $0xF7A  }
0x26: {  	[smem:$0x3F93] =	sst s1;
	(tag) =	ssettag s2;
	_ =	strace s9  }
0x27: {  	s1 =	sld [smem:$0x3FA3]  }
0x28: {  	s2 =	sld [smem:$0x3FA4]  }
0x29: {  	s4 =	sld [smem:$0x3FA6]  }
0x2a: {  	p0 =	seq.s32 s5, $0x0;
	s5 =	sld [smem:$0x3FA7]  }
0x2b: {  	s6 =	sld [smem:$0x3FA8]  }
0x2c: {  	s7 =	sld [smem:$0x3FA9]  }
0x2d: {  	s3 =	simm.s32 $0x108;
	s8 =	sld [smem:$0x3FAA]  }
0x2e: {  	s3 =	simm.s32 @!p0 $0x1082;
	s9 =	sld [smem:$0x3FAB]  }
0x2f: {  	lr =	sadd.s32 s0, s3;
	s0 =	sld [smem:$0x3FA2]  }
0x30: {  	s3 =	sld [smem:$0x3FA5]  }
0x31: {  	[smem:$0x3FAE] =	sst s10  }
0x32: {  	s10 =	sld [smem:$0x3FAC];
	_ =	sdelay $0x3  }
0x33: {  	p0 =	seq.s32 s10, $0x1;
	s10 =	sld [smem:$0x3FAE];
	_ =	sdelay $0x3  }
0x34: {  	[smem:$0x3FAE] =	sst s10  }
0x35: {  	s10 =	sld [smem:$0x3FAD];
	_ =	sdelay $0x3  }
0x36: {  	p1 =	seq.s32 s10, $0x1;
	s10 =	sld [smem:$0x3FAE];
	_ =	sdelay $0x3  }
0x37: {  	[smem:$0x3FAE] =	sst s10  }
0x38: {  	s10 =	sld [smem:$0x3FAF]  }
0x39: {  	_ = 	snop;
	(pc) =	sbr.ind lr, $3  }
0x3a: {  	_ = 	snop  }
0x3b: {  	_ = 	snop  }
0x3c: {  	p2 =	seq.s32 s10, $0x1;
	s10 =	sld [smem:$0x3FAE]  }
0x3d: {  	_ =	shalt  }
0x3e: {  	_ =	shalt  }
0x3f: {  	_ =	shalt  }
0x40: {  	_ =	shalt  }
0x41: {  	_ =	shalt  }
0x42: {  	_ =	shalt  }
0x43: {  	_ =	shalt  }
0x44: {  	_ =	shalt  }
0x45: {  	_ =	shalt  }
0x46: {  	_ =	shalt  }
0x47: {  	_ =	shalt  }
0x48: {  	_ =	shalt  }
0x49: {  	_ =	shalt  }
0x4a: {  	_ =	shalt  }
0x4b: {  	_ =	shalt  }
0x4c: {  	_ =	shalt  }
0x4d: {  	_ =	shalt  }
0x4e: {  	_ =	shalt  }
0x4f: {  	_ =	shalt  }
0x50: {  	_ =	shalt  }
0x51: {  	_ =	shalt  }
0x52: {  	_ =	shalt  }
0x53: {  	_ =	shalt  }
0x54: {  	_ =	shalt  }
0x55: {  	_ =	shalt  }
0x56: {  	_ =	shalt  }
0x57: {  	_ =	shalt  }
0x58: {  	_ =	shalt  }
0x59: {  	_ =	shalt  }
0x5a: {  	_ =	shalt  }
0x5b: {  	_ =	shalt  }
0x5c: {  	_ =	shalt  }
0x5d: {  	_ =	shalt  }
0x5e: {  	_ =	shalt  }
0x5f: {  	_ =	shalt  }
0x60: {  	_ =	shalt  }
0x61: {  	_ =	shalt  }
0x62: {  	_ =	shalt  }
0x63: {  	_ =	shalt  }
0x64: {  	_ =	shalt  }
0x65: {  	_ =	shalt  }
0x66: {  	_ =	shalt  }
0x67: {  	_ =	shalt  }
0x68: {  	_ =	shalt  }
0x69: {  	_ =	shalt  }
0x6a: {  	_ =	shalt  }
0x6b: {  	_ =	shalt  }
0x6c: {  	_ =	shalt  }
0x6d: {  	_ =	shalt  }
0x6e: {  	_ =	shalt  }
0x6f: {  	_ =	shalt  }
0x70: {  	_ =	shalt  }
0x71: {  	_ =	shalt  }
0x72: {  	_ =	shalt  }
0x73: {  	_ =	shalt  }
0x74: {  	_ =	shalt  }
0x75: {  	_ =	shalt  }
0x76: {  	_ =	shalt  }
0x77: {  	_ =	shalt  }
0x78: {  	_ =	shalt  }
0x79: {  	_ =	shalt  }
0x7a: {  	_ =	shalt  }
0x7b: {  	_ =	shalt  }
0x7c: {  	_ =	shalt  }
0x7d: {  	_ =	shalt  }
0x7e: {  	_ =	shalt  }
0x7f: {  	_ =	shalt  }
0x80: {  	_ =	shalt  }
0x81: {  	_ =	shalt  }
0x82: {  	_ =	shalt  }
0x83: {  	_ =	shalt  }
0x84: {  	_ =	shalt  }
0x85: {  	_ =	shalt  }
0x86: {  	_ =	shalt  }
0x87: {  	_ =	shalt  }
.Lfunc_end0:
.L_simem_size_0:
called_computation.1_lowered:
.L_overlay_start_0:
0x88: {  	s2 =	sld [smem:$0x3FD9]  }
0x89: {  	s3 =	sld [smem:$0x3FFE];
	_ =	sdelay $0x1  }
0x8a: {  	s1 =	srdreg.scid  }
0x8b: {  	s0 =	sand.u32 $0x1, s1  }
0x8c: {  	s16 =	sshll.u32 s0, $0xA;
	s2 =	sadd.s32 s3, s2  }
0x8d: {  	s2 =	sadd.s32 s2, s16  }
0x8e: {  	[smem:$0x3FBA] =	sst s2  }
0x8f: {  	_ = 	snop  }
0x90: {  	(tm) =	ssettm $0x1  }
0x91: {  	s17 =	sld [smem:$0x3FFB];
	_ =	sdelay $0x3  }
0x92: {  	_ =	strace s17  }
0x93: {  	s2 =	sld [smem:$0x3FFC];
	_ =	sdelay $0x3  }
0x94: {  	_ =	strace s2  }
0x95: {  	s2 =	sld [smem:$0x3FFD];
	_ =	sdelay $0x3  }
0x96: {  	_ =	strace s2  }
0x97: {  	_ =	strace $0x8FFFFFFF  }
0x98: {  	s18 =	sld [smem:$0x3FDB];
	_ =	sdelay $0x1  }
0x99: {  	s19 =	simm.s32 $_scs_section_size  }
0x9a: {  	s4 =	simm.s32 $_size__tile_overlayer_lowered;
	s5 =	simm.s32 $_tile_overlayer_lowered  }
0x9b: {  	s22 =	simm.s32 $0x1BFF;
	s21 =	sshll.u32 s5, $0x1;
	s2 =	sadd.s32 s19, s18  }
0x9c: {  	s6 =	simm.s32 $0x0;
	s20 =	sshll.u32 s4, $0x1;
	s4 =	sadd.s32 s21, s2  }
0x9d: {  	[timem:s6], [sflag:s22] =	dma.local [hbm:s4], s20  }
0x9e: {  	_ =	swait.ge [sflag:s22], s20  }
0x9f: {  	s3 =	ssub.s32 $0x0, s20;
	[sflag:s22] =	ssyncset.done $0x0  }
0xa0: {  	[sflag:s22] =	ssyncadd.s32 s3;
	_ =	sdelay $0x1  }
0xa1: {  	s23 =	simm.s32 $0x1B8B  }
0xa2: {  	_ =	swait.ge [sflag:s23], $0x1  }
0xa3: {  	[sflag:s23] =	ssyncset.done $0x0  }
0xa4: {  	s25 =	simm.s32 $0x1B8E;
	s24 =	sld [smem:$0x3FFE];
	[sflag:s23] =	ssyncadd.s32 $0xFFFFFFFF  }
0xa5: {  	s26 =	simm.s32 $execute0_lowered;
	[smem:$0x3FD2] =	sst s25  }
0xa6: {  	s4 =	sshll.u32 s26, $0x1;
	_ =	strace $0x80000049;
	[dreg:$0x1] =	wrdreg $0xFFFFFFFF  }
0xa7: {  	s28 =	simm.s32 $_size_execute0_lowered;
	s2 =	sadd.s32 s2, s4;
	[dreg:$0x0] =	wrdreg $0x0  }
0xa8: {  	s4 =	sshll.u32 s28, $0x1;
	[dreg:$0x2] =	wrdreg s2  }
0xa9: {  	[dreg:$0x3] =	wrdreg s4  }
0xaa: {  	[dreg:$0x4] =	wrdreg $0xC0  }
0xab: {  	_ =	task [dreg:s6], $0x5FFFF  }
0xac: {  	[dreg:$0x1] =	wrdreg $0xFFFFFFFF  }
0xad: {  	[dreg:$0x0] =	wrdreg $0x60  }
0xae: {  	[dreg:$0x2] =	wrdreg s24  }
0xaf: {  	[dreg:$0x3] =	wrdreg $0x8C000  }
0xb0: {  	[dreg:$0x4] =	wrdreg $0x9  }
0xb1: {  	_ =	task.clear_ibuf [dreg:s6], $0x5FFFF;
	_ =	strace $0x90000049  }
0xb2: {  	s29 =	simm.s32 $0x9;
	_ =	strace $0x8000004B  }
0xb3: {  	_ =	swait.ge [sflag:s29], $0x1  }
0xb4: {  	[sflag:s29] =	ssyncadd.s32 $0xFFFFFFFF  }
0xb5: {  	_ =	strace $0x9000004B  }
0xb6: {  	_ =	sfence  }
0xb7: {  	s30 =	sld [smem:$0x0];
	_ =	sdelay $0x2  }
0xb8: {  	s31 =	sshll.u32 s1, $0xD;
	s1 =	sshrl.u32 s1, $0x2  }
0xb9: {  	s3 =	sand.u32 $0x4000, s31;
	s1 =	sadd.s32 s1, s30  }
0xba: {  	s0 =	sor.u32 s3, s0;
	s1 =	sshll.u32 s1, $0x11  }
0xbb: {  	s0 =	sor.u32 s1, s0  }
0xbc: {  	s0 =	sadd.s32 $0x8F2B, s0  }
0xbd: {  	[sflag:s0] =	ssyncadd.remote.s32 $0x1  }
0xbe: {  	_ =	sfence.sel $0xFFFF  }
0xbf: {  	[dreg:$0x0] =	wrdreg $0xFFFFFFFF;
	(pc) =	sbr.abs _section_cstart, $3  }
0xc0: {  	[dreg:$0x1] =	wrdreg $0xFFFFFFFF  }
0xc1: {  	_ =	task.clear_ibuf [dreg:s6], $0x2FFFF;
	_ =	strace $0x9FFFFFFF  }
0xc2: {  	(tm) =	ssettm $0x7FFFFFFF  }
0xc3: {  	_ =	shalt  }
tec
execute0_lowered:
.L_overlay_start_1:
0x0: {  	(tag) =	ssettag $0x1  }
0x1: {  	s0 =	rddreg [dreg:$0x0];
	s1 =	srdreg.scid  }
0x2: {  	s2 =	rddreg [dreg:$0x1];
	s8 =	stileid.u32;
	s5 =	simm.s32 $0x0  }
0x3: {  	s28 =	simm.s32 $0x4;
	s29 =	simm.s32 $0x5;
	s30 =	simm.s32 $0x0  }
0x4: {  	s1 =	sand.u32 $0x1, s1;
	s4 =	smul.u32 $0x14000, s8;
	[smem:$0x7FF] =	sst s5  }
0x5: {  	s7 =	smul.u32 $0x50000, s8;
	s5 =	sadd.s32 $0xC600, s0;
	s6 =	sadd.s32 $0x2800, s0  }
0x6: {  	s8 =	sshll.u32 s8, $0x1;
	s3 =	smul.u32 $0x140000, s1;
	_ =	strace $0x8000004A  }
0x7: {  	s20 =	ssub.s32 $0x2, s1;
	s1 =	sor.u32 s1, s8;
	s7 =	sshrl.u32 s7, $0x2  }
0x8: {  	s9 =	sshrl.u32 s20, $0x1;
	s8 =	smul.u32 $0x2710, s1;
	s7 =	sadd.s32 s7, s2  }
0x9: {  	s3 =	sadd.s32 s4, s3;
	s4 =	sadd.s32 $0x16400, s0;
	s21 =	sadd.s32 $0x2800, s7  }
0xa: {  	s3 =	sshrl.u32 s3, $0x3;
	s22 =	sadd.s32 $0x5000, s7;
	[dreg:$0x3] =	wrdreg s21  }
0xb: {  	s23 =	sadd.s32 $0x7800, s7;
	s24 =	sadd.s32 $0xA000, s7;
	[dreg:$0x4] =	wrdreg s22  }
0xc: {  	s25 =	sadd.s32 $0xC800, s7;
	s26 =	sadd.s32 $0xF000, s7;
	[dreg:$0x5] =	wrdreg s23  }
0xd: {  	s31 =	sshrl.u32 s8, $0x3;
	s15 =	sadd.s32 $0x11800, s7;
	[dreg:$0x6] =	wrdreg s24  }
0xe: {  	s0 =	sadd.s32 s3, s0;
	s3 =	ssub.s32 s20, s9;
	[dreg:$0x7] =	wrdreg s25  }
0xf: {  	[dreg:$0x8] =	wrdreg s26;
	s16 =	sadd.s32 s5, s31;
	s17 =	sadd.s32 s6, s31  }
0x10: {  	s20 =	simm.s32 $0x3C00;
	s21 =	simm.s32 $0x6;
	s22 =	simm.s32 $0x1  }
0x11: {  	s23 =	simm.s32 $0x50;
	s24 =	simm.s32 $0x6400;
	s25 =	simm.s32 $0x2  }
0x12: {  	v0 =	vimm.f32 $0.0e+00;
	s26 =	simm.s32 $0x3;
	s18 =	sadd.s32 $0x3D600, s0;
	s19 =	smax.u32 s3, $0x1  }
.LBB2_1:
0x13: {  	s1 =	simm.s32 $0x0  }
0x14: {  	s0 =	sand.u32 $0xFE00, s1  }
0x15: {  	s1 =	sand.u32 $0x70, s1;
	s3 =	sshrl.u32 s0, $0x2  }
0x16: {  	s0 =	simm.s32 $0x40;
	s3 =	sor.u32 s1, s3;
	s1 =	simm.s32 $0x0  }
.LBB2_2:
0x17: {  	p0 =	sne.s32 s0, $0x9FC0  }
0x18: {  	[tilespmem:s3+$0x3C00] =	vst v0;
	s1 =	sadd.s32 $0x10, s1;
	s3 =	smov.u32 s0;
	s0 =	sadd.s32 $0x40, s0  }
.Ltmp0:
0x19: {  	(pc) =	sbr.rel @p0 .LBB2_2-.Ltmp0, $4  }
0x1a: {  	_ = 	snop  }
0x1b: {  	s3 =	sand.u32 $0xFE00, s3  }
0x1c: {  	s9 =	sand.u32 $0x70, s1;
	s3 =	sshrl.u32 s3, $0x2  }
0x1d: {  	s3 =	sor.u32 s9, s3  }
0x1e: {  	[tilespmem:s3+$0x3C00] =	vst v0  }
0x1f: {  	[spmem:s7] =	stream.linear.scatter [tilespmem:s20], [sflag:$0x6], $0x2800, $0x38;
	[tilespmem:$0x1CC00] =	vst v63  }
0x20: {  	_ =	swait.ge [sflag:s21], $0x2800  }
0x21: {  	[sflag:s21] =	ssyncset.done $0x0  }
0x22: {  	s0 =	rddreg [dreg:$0x3];
	[sflag:s21] =	ssyncadd.s32 $0xFFFFD800  }
0x23: {  	[spmem:s0] =	stream.linear.scatter [tilespmem:s20], [sflag:$0x6], $0x2800, $0x38;
	[tilespmem:$0x1CC00] =	vst v63  }
0x24: {  	_ =	swait.ge [sflag:s21], $0x2800  }
0x25: {  	[sflag:s21] =	ssyncset.done $0x0  }
0x26: {  	s9 =	rddreg [dreg:$0x4];
	[sflag:s21] =	ssyncadd.s32 $0xFFFFD800  }
0x27: {  	[spmem:s9] =	stream.linear.scatter [tilespmem:s20], [sflag:$0x6], $0x2800, $0x38;
	[tilespmem:$0x1CC00] =	vst v63  }
0x28: {  	_ =	swait.ge [sflag:s21], $0x2800  }
0x29: {  	[sflag:s21] =	ssyncset.done $0x0  }
0x2a: {  	s10 =	rddreg [dreg:$0x5];
	[sflag:s21] =	ssyncadd.s32 $0xFFFFD800  }
0x2b: {  	[spmem:s10] =	stream.linear.scatter [tilespmem:s20], [sflag:$0x6], $0x2800, $0x38;
	[tilespmem:$0x1CC00] =	vst v63  }
0x2c: {  	_ =	swait.ge [sflag:s21], $0x2800  }
0x2d: {  	[sflag:s21] =	ssyncset.done $0x0  }
0x2e: {  	s11 =	rddreg [dreg:$0x6];
	[sflag:s21] =	ssyncadd.s32 $0xFFFFD800  }
0x2f: {  	[spmem:s11] =	stream.linear.scatter [tilespmem:s20], [sflag:$0x6], $0x2800, $0x38;
	[tilespmem:$0x1CC00] =	vst v63  }
0x30: {  	_ =	swait.ge [sflag:s21], $0x2800  }
0x31: {  	[sflag:s21] =	ssyncset.done $0x0  }
0x32: {  	s12 =	rddreg [dreg:$0x7];
	[sflag:s21] =	ssyncadd.s32 $0xFFFFD800  }
0x33: {  	[spmem:s12] =	stream.linear.scatter [tilespmem:s20], [sflag:$0x6], $0x2800, $0x38;
	[tilespmem:$0x1CC00] =	vst v63  }
0x34: {  	_ =	swait.ge [sflag:s21], $0x2800  }
0x35: {  	[sflag:s21] =	ssyncset.done $0x0  }
0x36: {  	s13 =	rddreg [dreg:$0x8];
	[sflag:s21] =	ssyncadd.s32 $0xFFFFD800  }
0x37: {  	[spmem:s13] =	stream.linear.scatter [tilespmem:s20], [sflag:$0x6], $0x2800, $0x38;
	[tilespmem:$0x1CC00] =	vst v63  }
0x38: {  	_ =	swait.ge [sflag:s21], $0x2800  }
0x39: {  	[sflag:s21] =	ssyncset.done $0x0  }
0x3a: {  	[sflag:s21] =	ssyncadd.s32 $0xFFFFD800  }
0x3b: {  	[spmem:s15] =	stream.linear.scatter [tilespmem:s20], [sflag:$0x6], $0x2800, $0x38;
	[tilespmem:$0x1CC00] =	vst v63  }
0x3c: {  	_ =	swait.ge [sflag:s21], $0x2800  }
0x3d: {  	[sflag:s21] =	ssyncset.done $0x0  }
0x3e: {  	[sflag:s21] =	ssyncadd.s32 $0xFFFFD800  }
0x3f: {  	s31 =	simm.s32 $0x0;
	[bflag:$0x0] =	sbarrier.arrive $0xFFFF  }
0x40: {  	[tilespmem:s31], [sflag:$0x6] =	stream.linear.gather [hbm4b:s16+s31], $0x7D0, $0x38;
	[tilespmem:$0x1CC00] =	vst v63  }
0x41: {  	_ =	swait.ge [sflag:s21], $0x7D0  }
0x42: {  	p0 =	por $0x0, $0x0;
	s0 =	smul.u32 $0xCD, s31;
	[sflag:s21] =	ssyncset.done $0x0  }
.Ltmp1:
0x43: {  	s1 =	simm.s32 $0x1000;
	[sflag:s21] =	ssyncadd.s32 $0xFFFFF830;
	(pc) =	sbr.rel @p0 .LBB2_5-.Ltmp1, $4  }
0x44: {  	[tilespmem:s1], [sflag:$0x6] =	stream.linear.gather [hbm4b:s17+s31], $0x7D0, $0x38;
	[tilespmem:$0x1CC00] =	vst v63  }
0x45: {  	s14 =	sshrl.u32 s0, $0xA;
	_ =	swait.ge [sflag:s21], $0x7D0  }
0x46: {  	s3 =	simm.s32 $0x1;
	s9 =	sand.u32 $0x3F, s14;
	[sflag:s21] =	ssyncset.done $0x0  }
0x47: {  	s10 =	smul.u32 $0x5, s9;
	s9 =	simm.s32 $0x0;
	[sflag:s21] =	ssyncadd.s32 $0xFFFFF830  }
.LBB2_4:
0x48: {  	s11 =	smul.u32 $0xCD, s3;
	v1 =	vld [tilespmem:s1+$0x0];
	s12 =	smov.u32 s3;
	p0 =	seq.s32 s3, $0x7C  }
.Ltmp2:
0x49: {  	s3 =	sadd.s32 $0x1, s3;
	s9 =	ssub.s32 s9, s10;
	(pc) =	sbr.rel @!p0 .LBB2_4-.Ltmp2, $4  }
0x4a: {  	s10 =	sshrl.u32 s0, $0x3;
	s9 =	sand.u32 $0xFF, s9;
	s0 =	smov.u32 s11  }
0x4b: {  	s10 =	sand.u32 $0x1F80, s10;
	s11 =	sshrl.u32 s0, $0xA;
	s9 =	sshll.u32 s9, $0x4  }
0x4c: {  	s11 =	sand.u32 $0x3F, s11;
	s13 =	sor.u32 s9, s10;
	s9 =	smov.u32 s12  }
0x4d: {  	s1 =	sadd.s32 $0x10, s1;
	s10 =	smul.u32 $0x5, s11;
	[tilespmem:s13+$0x2000] =	vst v1  }
.LBB2_5:
0x4e: {  	v1 =	vld [tilespmem:s1+$0x0]  }
0x4f: {  	s14 =	ssub.s32 s9, s10  }
0x50: {  	s0 =	sshrl.u32 s0, $0x3;
	s1 =	sand.u32 $0xFF, s14  }
0x51: {  	s0 =	sand.u32 $0x1F80, s0;
	s1 =	sshll.u32 s1, $0x4  }
0x52: {  	s0 =	sor.u32 s1, s0  }
0x53: {  	p0 =	por $0x0, $0x0;
	p1 =	por $0x1, $0x1;
	[tilespmem:s0+$0x2000] =	vst v1  }
.LBB2_7:
0x54: {  	s3 =	sand.u32 $0x1, s31;
	s31 =	sadd.s32 $0x1, s31  }
0x55: {  	s0 =	smin.u32 s31, $0x4  }
0x56: {  	s1 =	smul.u32 $0x7D0, s0;
	_ =	sdelay $0x1  }
0x57: {  	s0 =	sxor.u32 $0x1, s3;
	s1 =	sadd.s32 s8, s1  }
0x58: {  	s9 =	smul.u32 $0x7D0, s0;
	s1 =	sshrl.u32 s1, $0x3  }
0x59: {  	s11 =	simm.s32 $0x1;
	s12 =	simm.s32 $0x0;
	s10 =	sadd.s32 s5, s1  }
0x5a: {  	[tilespmem:s9], [sflag:$0x5] =	stream.linear.gather [hbm4b:s10+s12], $0x7D0, $0x38;
	[tilespmem:$0x1CC00] =	vst v63  }
0x5b: {  	s14 =	smul.u32 $0x1F40, s3;
	s1 =	sadd.s32 s6, s1;
	s9 =	sor.u32 $0x1000, s9  }
0x5c: {  	[tilespmem:s9], [sflag:$0x5] =	stream.linear.gather [hbm4b:s1+s12], $0x7D0, $0x38;
	[tilespmem:$0x1CC00] =	vst v63  }
0x5d: {  	s11 =	simm.s32 @!p0 $0x0;
	s9 =	sshrl.u32 s14, $0x2  }
0x5e: {  	[tilespmem:s20], [sflag:$0x1] =	stream.indirect.gather [hbm4b:s4+s23], $0x80, s9, s23, $0xb8;
	[tilespmem:$0x1CC00] =	vst v63  }
0x5f: {  	s13 =	smul.u32 $0x3200, s11;
	s10 =	sadd.s32 $0x50, s9  }
0x60: {  	[tilespmem:s24], [sflag:$0x2] =	stream.indirect.gather [hbm4b:s4+s23], $0x80, s10, s23, $0xb8;
	[tilespmem:$0x1CC00] =	vst v63  }
0x61: {  	s1 =	sshrl.u32 s13, $0x2;
	_ =	swait.ge [sflag:s22], $0x2800  }
0x62: {  	s10 =	sor.u32 $0x2000, s1;
	[sflag:s22] =	ssyncset.done $0x0  }
0x63: {  	s1 =	sadd.s32 $0x0, s10;
	[sflag:s22] =	ssyncadd.s32 $0xFFFFD800  }
0x64: {  	[spmem:s2] =	stream.indirect.scatter.add.f32 [tilespmem:s20], [sflag:$0x3], $0x80, s1, s23, $0xb8;
	[tilespmem:$0x1CC00] =	vst v63  }
0x65: {  	_ =	swait.ge [sflag:s25], $0x2800  }
0x66: {  	[sflag:s25] =	ssyncset.done $0x0  }
0x67: {  	s11 =	smul.u32 $0x1F40, s11;
	s1 =	sadd.s32 $0x80, s1;
	[sflag:s25] =	ssyncadd.s32 $0xFFFFD800  }
0x68: {  	[spmem:s2] =	stream.indirect.scatter.add.f32 [tilespmem:s24], [sflag:$0x4], $0x80, s1, s23, $0xb8;
	[tilespmem:$0x1CC00] =	vst v63  }
0x69: {  	s11 =	sshrl.u32 s11, $0x2;
	s1 =	simm.s32 $0x1;
	_ =	swait.ge [sflag:s26], $0x2800  }
0x6a: {  	s11 =	sadd.s32 $0xF0, s11;
	s1 =	simm.s32 @!p1 $0x0;
	[sflag:s26] =	ssyncset.done $0x0  }
0x6b: {  	s14 =	sadd.s32 $0xFFFFFFB0, s11;
	s1 =	smul.u32 $0x1F40, s1;
	[sflag:s26] =	ssyncadd.s32 $0xFFFFD800  }
0x6c: {  	[tilespmem:s20], [sflag:$0x1] =	stream.indirect.gather [hbm4b:s4+s23], $0x80, s14, s23, $0xb8;
	[tilespmem:$0x1CC00] =	vst v63  }
0x6d: {  	_ =	swait.ge [sflag:s28], $0x2800  }
0x6e: {  	s12 =	simm.s32 $0x400;
	s1 =	sshrl.u32 s1, $0x2;
	[sflag:s28] =	ssyncset.done $0x0  }
0x6f: {  	s13 =	sadd.s32 $0xA0, s11;
	s1 =	sor.u32 $0x1000, s1;
	[sflag:s28] =	ssyncadd.s32 $0xFFFFD800  }
.LBB2_8:
0x70: {  	[tilespmem:s24], [sflag:$0x2] =	stream.indirect.gather [hbm4b:s4+s23], $0x80, s11, s23, $0xb8;
	[tilespmem:$0x1CC00] =	vst v63  }
0x71: {  	s14 =	smov.u32 s12;
	s11 =	smov.u32 s13  }
0x72: {  	p2 =	sne.s32 s12, $0x2800;
	s12 =	sadd.s32 $0x400, s12;
	_ =	swait.ge [sflag:s22], $0x2800  }
0x73: {  	s14 =	sshra.s32 s14, $0x2;
	[sflag:s22] =	ssyncset.done $0x0  }
0x74: {  	s14 =	sadd.s32 s14, s10;
	[sflag:s22] =	ssyncadd.s32 $0xFFFFD800  }
0x75: {  	[spmem:s2] =	stream.indirect.scatter.add.f32 [tilespmem:s20], [sflag:$0x3], $0x80, s14, s23, $0xb8;
	[tilespmem:$0x1CC00] =	vst v63  }
0x76: {  	_ =	swait.ge [sflag:s25], $0x2800  }
0x77: {  	[sflag:s25] =	ssyncset.done $0x0  }
0x78: {  	s14 =	sadd.s32 $0x80, s14;
	[sflag:s25] =	ssyncadd.s32 $0xFFFFD800  }
0x79: {  	[spmem:s2] =	stream.indirect.scatter.add.f32 [tilespmem:s24], [sflag:$0x4], $0x80, s14, s23, $0xb8;
	[tilespmem:$0x1CC00] =	vst v63  }
0x7a: {  	_ =	swait.ge [sflag:s26], $0x2800  }
0x7b: {  	[sflag:s26] =	ssyncset.done $0x0  }
.Ltmp3:
0x7c: {  	s14 =	sadd.s32 $0xFFFFFFB0, s13;
	[sflag:s26] =	ssyncadd.s32 $0xFFFFD800;
	(pc) =	sbr.rel @p2 .LBB2_8-.Ltmp3, $4  }
0x7d: {  	[tilespmem:s20], [sflag:$0x1] =	stream.indirect.gather [hbm4b:s4+s23], $0x80, s14, s23, $0xb8;
	[tilespmem:$0x1CC00] =	vst v63  }
0x7e: {  	_ =	swait.ge [sflag:s28], $0x2800  }
0x7f: {  	[sflag:s28] =	ssyncset.done $0x0  }
0x80: {  	s13 =	sadd.s32 $0xA0, s13;
	[sflag:s28] =	ssyncadd.s32 $0xFFFFD800  }
0x81: {  	[tilespmem:s24], [sflag:$0x2] =	stream.indirect.gather [hbm4b:s4+s23], $0x80, s11, s23, $0xb8;
	[tilespmem:$0x1CC00] =	vst v63  }
0x82: {  	s3 =	smul.u32 $0x3200, s3  }
0x83: {  	_ =	swait.ge [sflag:s22], $0x2800  }
0x84: {  	[sflag:s22] =	ssyncset.done $0x0;
	s3 =	sshrl.u32 s3, $0x2  }
0x85: {  	[sflag:s22] =	ssyncadd.s32 $0xFFFFD800;
	s10 =	sadd.s32 $0x2B00, s3  }
0x86: {  	[spmem:s2] =	stream.indirect.scatter.add.f32 [tilespmem:s20], [sflag:$0x3], $0x80, s10, s23, $0xb8;
	[tilespmem:$0x1CC00] =	vst v63  }
0x87: {  	_ =	swait.ge [sflag:s25], $0x2800  }
0x88: {  	[sflag:s25] =	ssyncset.done $0x0  }
0x89: {  	s13 =	sadd.s32 $0x2B80, s3;
	[sflag:s25] =	ssyncadd.s32 $0xFFFFD800  }
0x8a: {  	[spmem:s2] =	stream.indirect.scatter.add.f32 [tilespmem:s24], [sflag:$0x4], $0x80, s13, s23, $0xb8;
	[tilespmem:$0x1CC00] =	vst v63  }
0x8b: {  	_ =	swait.ge [sflag:s26], $0x2800  }
0x8c: {  	[sflag:s26] =	ssyncset.done $0x0  }
0x8d: {  	s9 =	sadd.s32 $0x780, s9;
	[sflag:s26] =	ssyncadd.s32 $0xFFFFD800  }
0x8e: {  	[tilespmem:s20], [sflag:$0x1] =	stream.indirect.gather [hbm4b:s4+s23], $0x80, s9, s23, $0xb8;
	[tilespmem:$0x1CC00] =	vst v63  }
0x8f: {  	_ =	swait.ge [sflag:s28], $0x2800  }
0x90: {  	[sflag:s28] =	ssyncset.done $0x0  }
0x91: {  	[sflag:s28] =	ssyncadd.s32 $0xFFFFD800  }
0x92: {  	[tilespmem:s24], [sflag:$0x2] =	stream.indirect.gather [hbm4b:s4+s23], $0x80, s9, s23, $0xb8;
	[tilespmem:$0x1CC00] =	vst v63  }
0x93: {  	_ =	swait.ge [sflag:s22], $0x2800  }
0x94: {  	[sflag:s22] =	ssyncset.done $0x0  }
0x95: {  	s3 =	sadd.s32 $0x2C00, s3;
	[sflag:s22] =	ssyncadd.s32 $0xFFFFD800  }
0x96: {  	[spmem:s2] =	stream.indirect.scatter.add.f32 [tilespmem:s20], [sflag:$0x3], $0x80, s3, s23, $0xb8;
	[tilespmem:$0x1CC00] =	vst v63  }
0x97: {  	_ =	swait.ge [sflag:s25], $0x2800  }
0x98: {  	[sflag:s25] =	ssyncset.done $0x0  }
0x99: {  	[sflag:s25] =	ssyncadd.s32 $0xFFFFD800  }
0x9a: {  	_ =	swait.ge [sflag:s26], $0x2800  }
0x9b: {  	[sflag:s26] =	ssyncset.done $0x0  }
0x9c: {  	[sflag:s26] =	ssyncadd.s32 $0xFFFFD800  }
0x9d: {  	s3 =	simm.s32 $0x0;
	_ =	swait.ge [sflag:s29], $0x7D0  }
0x9e: {  	s14 =	smul.u32 $0xCD, s3;
	[sflag:s29] =	ssyncset.done $0x0  }
0x9f: {  	[sflag:s29] =	ssyncadd.s32 $0xFFFFF830  }
0xa0: {  	s9 =	sshrl.u32 s14, $0xA;
	_ =	swait.ge [sflag:s29], $0x7D0  }
0xa1: {  	s0 =	smul.u32 $0x19, s0;
	s10 =	sand.u32 $0x3F, s9;
	[sflag:s29] =	ssyncset.done $0x0  }
0xa2: {  	s9 =	simm.s32 $0x1;
	s11 =	smul.u32 $0x5, s10;
	[sflag:s29] =	ssyncadd.s32 $0xFFFFF830  }
.LBB2_10:
0xa3: {  	s12 =	smul.u32 $0xCD, s9;
	v1 =	vld [tilespmem:s1+$0x0];
	s13 =	smov.u32 s9;
	p2 =	seq.s32 s9, $0x7C  }
.Ltmp4:
0xa4: {  	s9 =	sadd.s32 $0x1, s9;
	s3 =	ssub.s32 s3, s11;
	(pc) =	sbr.rel @!p2 .LBB2_10-.Ltmp4, $4  }
0xa5: {  	s10 =	sadd.s32 s10, s0;
	s11 =	sand.u32 $0xFF, s3;
	s3 =	smov.u32 s13  }
0xa6: {  	s12 =	sshrl.u32 s12, $0xA;
	s13 =	sshll.u32 s10, $0x7;
	s11 =	sshll.u32 s11, $0x4  }
0xa7: {  	s10 =	sand.u32 $0x3F, s12;
	s12 =	sor.u32 s11, s13  }
0xa8: {  	s1 =	sadd.s32 $0x10, s1;
	s11 =	smul.u32 $0x5, s10;
	[tilespmem:s12+$0x2000] =	vst v1  }
0xa9: {  	v1 =	vld [tilespmem:s1+$0x0]  }
0xaa: {  	s14 =	ssub.s32 s3, s11  }
0xab: {  	s0 =	sadd.s32 s10, s0;
	s1 =	sand.u32 $0xFF, s14  }
0xac: {  	s0 =	sshll.u32 s0, $0x7;
	s1 =	sshll.u32 s1, $0x4  }
0xad: {  	s0 =	sor.u32 s1, s0  }
0xae: {  	[tilespmem:s0+$0x2000] =	vst v1  }
0xaf: {  	p2 =	seq.s32 s31, $0x5  }
.Ltmp5:
0xb0: {  	_ = 	snop;
	(pc) =	sbr.rel @!p2 .LBB2_7-.Ltmp5, $2  }
0xb1: {  	_ =	sdelay $0x2  }
0xb2: {  	p0 =	por !p0, !p0;
	p1 =	por !p1, !p1  }
0xb3: {  	s0 =	stileid.u32;
	s30 =	sadd.s32 $0x1, s30  }
0xb4: {  	[bflag:$0x0] =	sbarrier.arrive $0xFFFF;
	s0 =	sshll.u32 s0, $0x6;
	p0 =	sne.s32 s30, s19  }
.Ltmp6:
0xb5: {  	s1 =	sshrl.u32 s7, $0x3;
	s0 =	sor.u32 $0x1C06, s0;
	(pc) =	sbr.rel @p0 .LBB2_1-.Ltmp6, $4  }
0xb6: {  	[hbm:s18], [sflag:s0] =	dma.local [spmem:s1], $0x2800  }
0xb7: {  	_ =	swait.ge [sflag:s21], $0x2800  }
0xb8: {  	[sflag:s21] =	ssyncset.done $0x0  }
0xb9: {  	[sflag:s21] =	ssyncadd.s32 $0xFFFFD800  }
0xba: {  	_ =	sfence.sel $0x180000  }
0xbb: {  	[bflag:$0x0] =	sbarrier.arrive $0xFFFF  }
0xbc: {  	_ =	strace $0x9000004A  }
0xbd: {  	s0 =	stileid.u32;
	[bflag:$0x2] =	sbarrier.arrive $0xFFFF  }
0xbe: {  	p0 =	sne.s32 s0, $0x0;
	s0 =	rddreg [dreg:$0x2]  }
0xbf: {  	s0 =	sadd.s32 @!p0 $0x100000, s0  }
0xc0: {  	[sflag:s0] =	ssyncadd.tile.s32 @!p0 $0x1;
	_ =	shalt  }
.Lfunc_end2:
_tile_overlayer_lowered:
.L_overlay_start_2:
0xc1: {  	(tag) =	ssettag $0x2  }
0xc2: {  	s0 =	rddreg [dreg:$0x0];
	s2 =	stileid.u32  }
0xc3: {  	s1 =	rddreg [dreg:$0x1];
	p0 =	sne.s32 s2, $0x0  }
0xc4: {  	s3 =	rddreg [dreg:$0x2];
	[bflag:$0x3] =	sbarrier.arrive $0xFFFF;
	s2 =	simm.s32 @!p0 $0x1C06  }
0xc5: {  	[timem:s3], [sflag:s2] =	dma.local @!p0 [hbm:s0], s1  }
0xc6: {  	s0 =	simm.s32 @!p0 $0x6  }
0xc7: {  	_ =	swait.ge @!p0 [sflag:s0], s1  }
0xc8: {  	s1 =	ssub.s32 @!p0 $0x0, s1;
	[sflag:s0] =	ssyncset.done @!p0 $0x0  }
0xc9: {  	[sflag:s0] =	ssyncadd.s32 @!p0 s1  }
0xca: {  	[bflag:$0x3] =	sbarrier.arrive $0xFFFF  }
0xcb: {  	_ =	shalt  }

</sc_bundles>
